<compile_context>
chip_gen: v7x
topology: tpu7x:2x2x1
jax: 0.10.2.dev20260603
libtpu: 0.0.44.dev20260713+nightly
codegen_flags: <defaults>
</compile_context>

<pallas_src>
import functools

import jax
import jax.numpy as jnp
from jax import lax
from jax.experimental import pallas as pl
from jax.experimental.pallas import tpu as pltpu
from jax.experimental.pallas import tpu_sc as plsc

N = 10000
E = 320000
D = 128
H = 128
G = 128
OUT = 2

NC, NS = 2, 16
NW = NC * NS
CH = 128
TOTCH = E // CH
NPS8 = 632
LASTN = N - NPS8 * (NS - 1)
RB = 1000
NB = N // RB

_NBCH = N // CH
_NTAIL = N - _NBCH * CH

_f32 = jnp.float32
_i32 = jnp.int32


def _stats_body(dst_hbm, deg_out, deg_sp, idx_v, ones_v, zrow_v):
    cid = lax.axis_index("c")
    sid = lax.axis_index("s")
    wid = sid * NC + cid

    for k in range(CH // 16):
        ones_v[pl.ds(16 * k, 16)] = jnp.full((16,), 1.0, _f32)
    for k in range(G // 16):
        zrow_v[pl.ds(16 * k, 16)] = jnp.zeros((16,), _f32)

    @pl.when(sid == 0)
    def _():
        def zb(i, c):
            pltpu.sync_copy(zrow_v, deg_sp.at[pl.ds(i * G, G)])
            return c
        lax.fori_loop(0, N // G, zb, 0)
        tail = N - (N // G) * G
        if tail:
            pltpu.sync_copy(zrow_v.at[pl.ds(0, tail)],
                            deg_sp.at[pl.ds((N // G) * G, tail)])

    plsc.subcore_barrier()

    n_i = (TOTCH - wid + NW - 1) // NW

    def deg_step(i, c):
        base = (wid + i * NW) * CH
        pltpu.sync_copy(dst_hbm.at[pl.ds(base, CH)], idx_v)
        pltpu.sync_copy(ones_v, deg_sp.at[idx_v], add=True)
        return c

    lax.fori_loop(0, n_i, deg_step, 0)

    plsc.subcore_barrier()

    @pl.when(sid == 0)
    def _():
        pltpu.sync_copy(deg_sp, deg_out.at[cid])


def _stats_call(dst):
    mesh = plsc.VectorSubcoreMesh(core_axis_name="c", subcore_axis_name="s")
    return pl.kernel(
        _stats_body,
        out_type=jax.ShapeDtypeStruct((NC, N), _f32),
        mesh=mesh,
        scratch_types=[
            pltpu.VMEM_SHARED((N,), _f32),
            pltpu.VMEM((CH,), _i32),
            pltpu.VMEM((CH,), _f32),
            pltpu.VMEM((G,), _f32),
        ],
    )(dst)


def _scatter_body(src_hbm, dst_hbm, y_hbm, z_hbm, aggp_out,
                  acc_sp, sidx_v, didx_v, rows_v, sem):
    cid = lax.axis_index("c")
    sid = lax.axis_index("s")
    wid = sid * NC + cid

    for k in range(NS):
        sz = NPS8 if k < NS - 1 else LASTN

        @pl.when(sid == k)
        def _(k=k, sz=sz):
            pltpu.sync_copy(z_hbm.at[pl.ds(k * NPS8, sz)],
                            acc_sp.at[pl.ds(k * NPS8, sz)])

    plsc.subcore_barrier()

    n_i = (TOTCH - wid + NW - 1) // NW

    def step(i, c):
        base = (wid + i * NW) * CH
        pltpu.sync_copy(src_hbm.at[pl.ds(base, CH)], sidx_v)
        pltpu.sync_copy(dst_hbm.at[pl.ds(base, CH)], didx_v)
        pltpu.async_copy(y_hbm.at[sidx_v], rows_v, sem).wait()
        pltpu.sync_copy(rows_v, acc_sp.at[didx_v], add=True)
        return c

    lax.fori_loop(0, n_i, step, 0)
    plsc.subcore_barrier()

    for k in range(NS):
        sz = NPS8 if k < NS - 1 else LASTN

        @pl.when(sid == k)
        def _(k=k, sz=sz):
            pltpu.sync_copy(acc_sp.at[pl.ds(k * NPS8, sz)],
                            aggp_out.at[cid, pl.ds(k * NPS8, sz)])


def _scatter_call(src, dst, y, z):
    mesh = plsc.VectorSubcoreMesh(core_axis_name="c", subcore_axis_name="s")
    return pl.kernel(
        _scatter_body,
        out_type=jax.ShapeDtypeStruct((NC, N, H), _f32),
        mesh=mesh,
        scratch_types=[
            pltpu.VMEM_SHARED((N, H), _f32),
            pltpu.VMEM((CH,), _i32),
            pltpu.VMEM((CH,), _i32),
            pltpu.VMEM((CH, H), _f32),
            pltpu.SemaphoreType.DMA,
        ],
    )(src, dst, y, z)


def _dense_body(x_ref, degT_ref, W_ref, batT_ref, xfull_ref, lin0W_ref,
                lin0b_ref, y_ref, dinv_ref, news_ref):
    pid = pl.program_id(0)
    deg = degT_ref[:, 0:1] + degT_ref[:, 1:2] + 1.0
    dinv = lax.rsqrt(deg)
    xw = jnp.dot(x_ref[...], W_ref[...], preferred_element_type=_f32)
    y_ref[...] = xw * dinv
    dinv_ref[...] = dinv

    @pl.when(pid == NB - 1)
    def _():
        bat = batT_ref[...]
        gi = lax.broadcasted_iota(_i32, (G, 1), 0)
        cnt = jnp.sum((bat < gi).astype(_f32), axis=1, keepdims=True)
        fidx = jnp.minimum(cnt, float(N - 1)).astype(_i32)
        ni = lax.broadcasted_iota(_i32, (G, N), 1)
        oh = (ni == fidx).astype(_f32)
        newsx = jnp.dot(oh, xfull_ref[...], preferred_element_type=_f32)
        nw = jnp.dot(newsx, lin0W_ref[...], preferred_element_type=_f32)
        news_ref[...] = jnp.maximum(nw + lin0b_ref[...], 0.0)


def _dense_call(x, degT, W, batT, lin0_W, lin0_b):
    return pl.pallas_call(
        _dense_body,
        grid=(NB,),
        in_specs=[
            pl.BlockSpec((RB, D), lambda i: (i, 0)),
            pl.BlockSpec((RB, NC), lambda i: (i, 0)),
            pl.BlockSpec((D, H), lambda i: (0, 0)),
            pl.BlockSpec((1, N), lambda i: (0, 0)),
            pl.BlockSpec((N, D), lambda i: (0, 0)),
            pl.BlockSpec((D, H), lambda i: (0, 0)),
            pl.BlockSpec((1, H), lambda i: (0, 0)),
        ],
        out_specs=[
            pl.BlockSpec((RB, H), lambda i: (i, 0)),
            pl.BlockSpec((RB, 1), lambda i: (i, 0)),
            pl.BlockSpec((G, H), lambda i: (0, 0)),
        ],
        out_shape=[
            jax.ShapeDtypeStruct((N, H), _f32),
            jax.ShapeDtypeStruct((N, 1), _f32),
            jax.ShapeDtypeStruct((G, H), _f32),
        ],
    )(x, degT, W, batT, x, lin0_W, lin0_b)


def _readout_body(y_ref, dinv_ref, aggp_ref, b_ref, bat_ref, news_ref,
                  lin1W_ref, lin1b_ref, lin2W_ref, lin2b_ref,
                  out_ref, pooled_ref):
    pid = pl.program_id(0)

    @pl.when(pid == 0)
    def _():
        pooled_ref[...] = jnp.full((G, H), -jnp.inf, _f32)

    agg = aggp_ref[0] + aggp_ref[1] + y_ref[...]
    conv = jnp.maximum(agg * dinv_ref[...] + b_ref[...], 0.0)

    bat = bat_ref[...]
    bmin = jnp.min(bat)
    bmax = jnp.max(bat)

    def pool_step(g, c):
        m = jnp.max(jnp.where(bat == g, conv, -jnp.inf), axis=0,
                    keepdims=True)
        cur = pooled_ref[pl.ds(g, 1), :]
        pooled_ref[pl.ds(g, 1), :] = jnp.maximum(cur, m)
        return c

    lax.fori_loop(bmin, bmax + 1, pool_step, 0)

    @pl.when(pid == NB - 1)
    def _():
        pooled = pooled_ref[...]
        h1 = (jnp.dot(pooled, lin1W_ref[0:H, :], preferred_element_type=_f32)
              + jnp.dot(news_ref[...], lin1W_ref[H:2 * H, :],
                        preferred_element_type=_f32)
              + lin1b_ref[...])
        h1 = jnp.maximum(h1, 0.0)
        h2 = jnp.dot(h1, lin2W_ref[...], preferred_element_type=_f32) \
            + lin2b_ref[...]
        m = jnp.max(h2, axis=-1, keepdims=True)
        lse = m + jnp.log(jnp.sum(jnp.exp(h2 - m), axis=-1, keepdims=True))
        out_ref[...] = h2 - lse


def _readout_call(y, dinv, aggp, b, bat2, news, lin1_W, lin1_b, lin2_W,
                  lin2_b):
    return pl.pallas_call(
        _readout_body,
        grid=(NB,),
        in_specs=[
            pl.BlockSpec((RB, H), lambda i: (i, 0)),
            pl.BlockSpec((RB, 1), lambda i: (i, 0)),
            pl.BlockSpec((NC, RB, H), lambda i: (0, i, 0)),
            pl.BlockSpec((1, H), lambda i: (0, 0)),
            pl.BlockSpec((RB, 1), lambda i: (i, 0)),
            pl.BlockSpec((G, H), lambda i: (0, 0)),
            pl.BlockSpec((2 * H, H), lambda i: (0, 0)),
            pl.BlockSpec((1, H), lambda i: (0, 0)),
            pl.BlockSpec((H, OUT), lambda i: (0, 0)),
            pl.BlockSpec((1, OUT), lambda i: (0, 0)),
        ],
        out_specs=pl.BlockSpec((G, OUT), lambda i: (0, 0)),
        out_shape=jax.ShapeDtypeStruct((G, OUT), _f32),
        scratch_shapes=[pltpu.VMEM((G, H), _f32)],
    )(y, dinv, aggp, b, bat2, news, lin1_W, lin1_b, lin2_W, lin2_b)


@jax.jit
def kernel(x, edge_index, batch, W, b, lin0_W, lin0_b, lin1_W, lin1_b,
           lin2_W, lin2_b):
    src = edge_index[0]
    dst = edge_index[1]
    batch = batch.astype(_i32)

    degp = _stats_call(dst)
    degT = degp.T

    y, dinv, news = _dense_call(x, degT, W, batch.reshape(1, N), lin0_W,
                                lin0_b.reshape(1, H))

    z = jnp.zeros((N, H), _f32)
    aggp = _scatter_call(src, dst, y, z)

    out = _readout_call(y, dinv, aggp, b.reshape(1, H),
                        batch.reshape(N, 1), news, lin1_W,
                        lin1_b.reshape(1, H), lin2_W,
                        lin2_b.reshape(1, OUT))
    return out

# --- scband reference (transcript-rebuilt; emitter-appended) ---
"""Pipeline reference for scband-upfdnet-1219770712146 (READ-ONLY COPY).

The authoritative reference and input builder live on the scoring server;
editing this copy changes nothing except your own understanding.
"""

import jax, jax.numpy as jnp
import numpy as np

N = 10000   # nodes
E = 320000  # edges
D = 128     # in_dim
H = 128     # hidden_dim
G = 128     # num graphs in batch
OUT = 2     # out_dim


def setup_inputs(seed: int = 0) -> dict:
    key = jax.random.key(seed)
    ks = jax.random.split(key, 12)
    x = jax.random.normal(ks[0], (N, D), dtype=jnp.float32)
    edge_index = jax.random.randint(ks[1], (2, E), 0, N)
    batch = jnp.sort(jax.random.randint(ks[2], (N,), 0, G))
    # GCNConv weight/bias
    W = jax.random.normal(ks[3], (D, H), dtype=jnp.float32) * 0.05
    b = jnp.zeros((H,), dtype=jnp.float32)
    # lin0: in_dim -> hidden
    lin0_W = jax.random.normal(ks[4], (D, H), dtype=jnp.float32) * 0.05
    lin0_b = jnp.zeros((H,), dtype=jnp.float32)
    # lin1: 2*hidden -> hidden
    lin1_W = jax.random.normal(ks[5], (2 * H, H), dtype=jnp.float32) * 0.05
    lin1_b = jnp.zeros((H,), dtype=jnp.float32)
    # lin2: hidden -> out
    lin2_W = jax.random.normal(ks[6], (H, OUT), dtype=jnp.float32) * 0.05
    lin2_b = jnp.zeros((OUT,), dtype=jnp.float32)
    return {"x": x, "edge_index": edge_index, "batch": batch,
            "W": W, "b": b, "lin0_W": lin0_W, "lin0_b": lin0_b,
            "lin1_W": lin1_W, "lin1_b": lin1_b, "lin2_W": lin2_W, "lin2_b": lin2_b}


def reference(x, edge_index, batch, W, b, lin0_W, lin0_b, lin1_W, lin1_b, lin2_W, lin2_b):
    # ---- GCNConv with self-loops and symmetric normalization ----
    src, dst = edge_index[0], edge_index[1]
    loop = jnp.arange(N, dtype=src.dtype)
    src_f = jnp.concatenate([src, loop])
    dst_f = jnp.concatenate([dst, loop])
    deg = jnp.zeros((N,), dtype=jnp.float32).at[dst_f].add(1.0)
    dinv = jax.lax.rsqrt(deg)  # deg >= 1 due to self-loops
    norm = dinv[src_f] * dinv[dst_f]
    xw = x @ W
    msg = xw[src_f] * norm[:, None]
    conv = jnp.zeros((N, H), dtype=jnp.float32).at[dst_f].add(msg) + b
    out = jax.nn.relu(conv)
    # ---- global_max_pool over graph ids ----
    pooled = jax.ops.segment_max(out, batch, num_segments=G, indices_are_sorted=True)
    # ---- concat branch: first (root) node features of each graph ----
    first_idx = jnp.searchsorted(batch, jnp.arange(G, dtype=batch.dtype))
    news = x[first_idx]
    news = jax.nn.relu(news @ lin0_W + lin0_b)
    h = jnp.concatenate([pooled, news], axis=1)
    h = jax.nn.relu(h @ lin1_W + lin1_b)
    h = h @ lin2_W + lin2_b
    return jax.nn.log_softmax(h, axis=-1)

if __name__ == "__main__":
    import jax
    _d = setup_inputs()
    print(jax.jit(kernel)(*tuple(_d.values())))

</pallas_src>

<mosaic_0001>
#map = affine_map<(d0, d1) -> (0)>
#map1 = affine_map<(d0, d1) -> (0, 0)>
#map2 = affine_map<(d0, d1) -> (0, 0, 0)>
module attributes {stable_mosaic.version = 14 : i64} {
  func.func @_scatter_body(%arg0: i32, %arg1: i32, %arg2: memref<320000xi32, #tpu.memory_space<hbm>>, %arg3: memref<320000xi32, #tpu.memory_space<hbm>>, %arg4: memref<10000x128xf32, #tpu.memory_space<hbm>>, %arg5: memref<10000x128xf32, #tpu.memory_space<hbm>>, %arg6: memref<2x10000x128xf32, #tpu.memory_space<hbm>>, %arg7: memref<10000x128xf32, #tpu.memory_space<vmem_shared>>, %arg8: memref<128xi32, #tpu.memory_space<vmem>>, %arg9: memref<128xi32, #tpu.memory_space<vmem>>, %arg10: memref<128x128xf32, #tpu.memory_space<vmem>>, %arg11: memref<!tpu.dma_semaphore, #tpu.memory_space<semaphore_mem>>) attributes {dimension_semantics = [#tpu.dimension_semantics<core_parallel>, #tpu.dimension_semantics<subcore_parallel>], iteration_bounds = array<i64: 2, 16>, scalar_prefetch = 0 : i64, scratch_operands = 5 : i64, tpu.core_type = #tpu.core_type<sc_vector_subcore>, window_params = [{transform_indices = #map}, {transform_indices = #map}, {transform_indices = #map1}, {transform_indices = #map1}, {transform_indices = #map2}]} {
    %mul3A = arith.constant 2 : i32
    %mul3A_0 = arith.muli %arg1, %mul3A : i32
    %add3A = arith.addi %mul3A_0, %arg0 : i32
    %eq3A = arith.constant 0 : i32
    %eq3A_1 = arith.cmpi eq, %arg1, %eq3A : i32
    %convert_element_type3A = arith.extui %eq3A_1 : i1 to i32
    %cond3A = arith.constant 0 : i32
    %cond3A_2 = arith.cmpi ne, %convert_element_type3A, %cond3A : i32
    scf.if %cond3A_2 {
      "tpu.region"() ({
        %run_scoped3A = tpu.sem_alloc : memref<!tpu.dma_semaphore, #tpu.memory_space<semaphore_mem>>
        %dma_start3A = arith.constant 0 : i32
        %dma_start3A_190 = arith.constant 0 : i32
        %dma_start3A_191 = tpu.memref_slice %arg7[%dma_start3A, %dma_start3A_190] : memref<10000x128xf32, #tpu.memory_space<vmem_shared>> -> memref<632x128xf32, #tpu.memory_space<vmem_shared>>
        %dma_start3A_192 = arith.constant 0 : i32
        %dma_start3A_193 = arith.constant 0 : i32
        %dma_start3A_194 = tpu.memref_slice %arg5[%dma_start3A_192, %dma_start3A_193] : memref<10000x128xf32, #tpu.memory_space<hbm>> -> memref<632x128xf32, #tpu.memory_space<hbm>>
        tpu.enqueue_dma source(%dma_start3A_194 : memref<632x128xf32, #tpu.memory_space<hbm>>) target(%dma_start3A_191 : memref<632x128xf32, #tpu.memory_space<vmem_shared>>) target_semaphore(%run_scoped3A : memref<!tpu.dma_semaphore, #tpu.memory_space<semaphore_mem>>)
        %dma_wait3A = arith.constant 0 : i32
        %dma_wait3A_195 = arith.constant 0 : i32
        %dma_wait3A_196 = tpu.memref_slice %arg7[%dma_wait3A, %dma_wait3A_195] : memref<10000x128xf32, #tpu.memory_space<vmem_shared>> -> memref<632x128xf32, #tpu.memory_space<vmem_shared>>
        %dma_wait3A_197 = arith.constant 0 : i32
        %dma_wait3A_198 = arith.constant 0 : i32
        %dma_wait3A_199 = tpu.memref_slice %arg5[%dma_wait3A_197, %dma_wait3A_198] : memref<10000x128xf32, #tpu.memory_space<hbm>> -> memref<632x128xf32, #tpu.memory_space<hbm>>
        tpu.wait_dma2 semaphore(%run_scoped3A : memref<!tpu.dma_semaphore, #tpu.memory_space<semaphore_mem>>) src(%dma_wait3A_199 : memref<632x128xf32, #tpu.memory_space<hbm>>) dst(%dma_wait3A_196 : memref<632x128xf32, #tpu.memory_space<vmem_shared>>)
        tpu.yield
      }) : () -> ()
    } else {
    }
    %eq3A_3 = arith.constant 1 : i32
    %eq3A_4 = arith.cmpi eq, %arg1, %eq3A_3 : i32
    %convert_element_type3A_5 = arith.extui %eq3A_4 : i1 to i32
    %cond3A_6 = arith.constant 0 : i32
    %cond3A_7 = arith.cmpi ne, %convert_element_type3A_5, %cond3A_6 : i32
    scf.if %cond3A_7 {
      "tpu.region"() ({
        %run_scoped3A = tpu.sem_alloc : memref<!tpu.dma_semaphore, #tpu.memory_space<semaphore_mem>>
        %dma_start3A = arith.constant 632 : i32
        %dma_start3A_190 = arith.constant 0 : i32
        %dma_start3A_191 = tpu.memref_slice %arg7[%dma_start3A, %dma_start3A_190] : memref<10000x128xf32, #tpu.memory_space<vmem_shared>> -> memref<632x128xf32, #tpu.memory_space<vmem_shared>>
        %dma_start3A_192 = arith.constant 632 : i32
        %dma_start3A_193 = arith.constant 0 : i32
        %dma_start3A_194 = tpu.memref_slice %arg5[%dma_start3A_192, %dma_start3A_193] : memref<10000x128xf32, #tpu.memory_space<hbm>> -> memref<632x128xf32, #tpu.memory_space<hbm>>
        tpu.enqueue_dma source(%dma_start3A_194 : memref<632x128xf32, #tpu.memory_space<hbm>>) target(%dma_start3A_191 : memref<632x128xf32, #tpu.memory_space<vmem_shared>>) target_semaphore(%run_scoped3A : memref<!tpu.dma_semaphore, #tpu.memory_space<semaphore_mem>>)
        %dma_wait3A = arith.constant 632 : i32
        %dma_wait3A_195 = arith.constant 0 : i32
        %dma_wait3A_196 = tpu.memref_slice %arg7[%dma_wait3A, %dma_wait3A_195] : memref<10000x128xf32, #tpu.memory_space<vmem_shared>> -> memref<632x128xf32, #tpu.memory_space<vmem_shared>>
        %dma_wait3A_197 = arith.constant 632 : i32
        %dma_wait3A_198 = arith.constant 0 : i32
        %dma_wait3A_199 = tpu.memref_slice %arg5[%dma_wait3A_197, %dma_wait3A_198] : memref<10000x128xf32, #tpu.memory_space<hbm>> -> memref<632x128xf32, #tpu.memory_space<hbm>>
        tpu.wait_dma2 semaphore(%run_scoped3A : memref<!tpu.dma_semaphore, #tpu.memory_space<semaphore_mem>>) src(%dma_wait3A_199 : memref<632x128xf32, #tpu.memory_space<hbm>>) dst(%dma_wait3A_196 : memref<632x128xf32, #tpu.memory_space<vmem_shared>>)
        tpu.yield
      }) : () -> ()
    } else {
    }
    %eq3A_8 = arith.constant 2 : i32
    %eq3A_9 = arith.cmpi eq, %arg1, %eq3A_8 : i32
    %convert_element_type3A_10 = arith.extui %eq3A_9 : i1 to i32
    %cond3A_11 = arith.constant 0 : i32
    %cond3A_12 = arith.cmpi ne, %convert_element_type3A_10, %cond3A_11 : i32
    scf.if %cond3A_12 {
      "tpu.region"() ({
        %run_scoped3A = tpu.sem_alloc : memref<!tpu.dma_semaphore, #tpu.memory_space<semaphore_mem>>
        %dma_start3A = arith.constant 1264 : i32
        %dma_start3A_190 = arith.constant 0 : i32
        %dma_start3A_191 = tpu.memref_slice %arg7[%dma_start3A, %dma_start3A_190] : memref<10000x128xf32, #tpu.memory_space<vmem_shared>> -> memref<632x128xf32, #tpu.memory_space<vmem_shared>>
        %dma_start3A_192 = arith.constant 1264 : i32
        %dma_start3A_193 = arith.constant 0 : i32
        %dma_start3A_194 = tpu.memref_slice %arg5[%dma_start3A_192, %dma_start3A_193] : memref<10000x128xf32, #tpu.memory_space<hbm>> -> memref<632x128xf32, #tpu.memory_space<hbm>>
        tpu.enqueue_dma source(%dma_start3A_194 : memref<632x128xf32, #tpu.memory_space<hbm>>) target(%dma_start3A_191 : memref<632x128xf32, #tpu.memory_space<vmem_shared>>) target_semaphore(%run_scoped3A : memref<!tpu.dma_semaphore, #tpu.memory_space<semaphore_mem>>)
        %dma_wait3A = arith.constant 1264 : i32
        %dma_wait3A_195 = arith.constant 0 : i32
        %dma_wait3A_196 = tpu.memref_slice %arg7[%dma_wait3A, %dma_wait3A_195] : memref<10000x128xf32, #tpu.memory_space<vmem_shared>> -> memref<632x128xf32, #tpu.memory_space<vmem_shared>>
        %dma_wait3A_197 = arith.constant 1264 : i32
        %dma_wait3A_198 = arith.constant 0 : i32
        %dma_wait3A_199 = tpu.memref_slice %arg5[%dma_wait3A_197, %dma_wait3A_198] : memref<10000x128xf32, #tpu.memory_space<hbm>> -> memref<632x128xf32, #tpu.memory_space<hbm>>
        tpu.wait_dma2 semaphore(%run_scoped3A : memref<!tpu.dma_semaphore, #tpu.memory_space<semaphore_mem>>) src(%dma_wait3A_199 : memref<632x128xf32, #tpu.memory_space<hbm>>) dst(%dma_wait3A_196 : memref<632x128xf32, #tpu.memory_space<vmem_shared>>)
        tpu.yield
      }) : () -> ()
    } else {
    }
    %eq3A_13 = arith.constant 3 : i32
    %eq3A_14 = arith.cmpi eq, %arg1, %eq3A_13 : i32
    %convert_element_type3A_15 = arith.extui %eq3A_14 : i1 to i32
    %cond3A_16 = arith.constant 0 : i32
    %cond3A_17 = arith.cmpi ne, %convert_element_type3A_15, %cond3A_16 : i32
    scf.if %cond3A_17 {
      "tpu.region"() ({
        %run_scoped3A = tpu.sem_alloc : memref<!tpu.dma_semaphore, #tpu.memory_space<semaphore_mem>>
        %dma_start3A = arith.constant 1896 : i32
        %dma_start3A_190 = arith.constant 0 : i32
        %dma_start3A_191 = tpu.memref_slice %arg7[%dma_start3A, %dma_start3A_190] : memref<10000x128xf32, #tpu.memory_space<vmem_shared>> -> memref<632x128xf32, #tpu.memory_space<vmem_shared>>
        %dma_start3A_192 = arith.constant 1896 : i32
        %dma_start3A_193 = arith.constant 0 : i32
        %dma_start3A_194 = tpu.memref_slice %arg5[%dma_start3A_192, %dma_start3A_193] : memref<10000x128xf32, #tpu.memory_space<hbm>> -> memref<632x128xf32, #tpu.memory_space<hbm>>
        tpu.enqueue_dma source(%dma_start3A_194 : memref<632x128xf32, #tpu.memory_space<hbm>>) target(%dma_start3A_191 : memref<632x128xf32, #tpu.memory_space<vmem_shared>>) target_semaphore(%run_scoped3A : memref<!tpu.dma_semaphore, #tpu.memory_space<semaphore_mem>>)
        %dma_wait3A = arith.constant 1896 : i32
        %dma_wait3A_195 = arith.constant 0 : i32
        %dma_wait3A_196 = tpu.memref_slice %arg7[%dma_wait3A, %dma_wait3A_195] : memref<10000x128xf32, #tpu.memory_space<vmem_shared>> -> memref<632x128xf32, #tpu.memory_space<vmem_shared>>
        %dma_wait3A_197 = arith.constant 1896 : i32
        %dma_wait3A_198 = arith.constant 0 : i32
        %dma_wait3A_199 = tpu.memref_slice %arg5[%dma_wait3A_197, %dma_wait3A_198] : memref<10000x128xf32, #tpu.memory_space<hbm>> -> memref<632x128xf32, #tpu.memory_space<hbm>>
        tpu.wait_dma2 semaphore(%run_scoped3A : memref<!tpu.dma_semaphore, #tpu.memory_space<semaphore_mem>>) src(%dma_wait3A_199 : memref<632x128xf32, #tpu.memory_space<hbm>>) dst(%dma_wait3A_196 : memref<632x128xf32, #tpu.memory_space<vmem_shared>>)
        tpu.yield
      }) : () -> ()
    } else {
    }
    %eq3A_18 = arith.constant 4 : i32
    %eq3A_19 = arith.cmpi eq, %arg1, %eq3A_18 : i32
    %convert_element_type3A_20 = arith.extui %eq3A_19 : i1 to i32
    %cond3A_21 = arith.constant 0 : i32
    %cond3A_22 = arith.cmpi ne, %convert_element_type3A_20, %cond3A_21 : i32
    scf.if %cond3A_22 {
      "tpu.region"() ({
        %run_scoped3A = tpu.sem_alloc : memref<!tpu.dma_semaphore, #tpu.memory_space<semaphore_mem>>
        %dma_start3A = arith.constant 2528 : i32
        %dma_start3A_190 = arith.constant 0 : i32
        %dma_start3A_191 = tpu.memref_slice %arg7[%dma_start3A, %dma_start3A_190] : memref<10000x128xf32, #tpu.memory_space<vmem_shared>> -> memref<632x128xf32, #tpu.memory_space<vmem_shared>>
        %dma_start3A_192 = arith.constant 2528 : i32
        %dma_start3A_193 = arith.constant 0 : i32
        %dma_start3A_194 = tpu.memref_slice %arg5[%dma_start3A_192, %dma_start3A_193] : memref<10000x128xf32, #tpu.memory_space<hbm>> -> memref<632x128xf32, #tpu.memory_space<hbm>>
        tpu.enqueue_dma source(%dma_start3A_194 : memref<632x128xf32, #tpu.memory_space<hbm>>) target(%dma_start3A_191 : memref<632x128xf32, #tpu.memory_space<vmem_shared>>) target_semaphore(%run_scoped3A : memref<!tpu.dma_semaphore, #tpu.memory_space<semaphore_mem>>)
        %dma_wait3A = arith.constant 2528 : i32
        %dma_wait3A_195 = arith.constant 0 : i32
        %dma_wait3A_196 = tpu.memref_slice %arg7[%dma_wait3A, %dma_wait3A_195] : memref<10000x128xf32, #tpu.memory_space<vmem_shared>> -> memref<632x128xf32, #tpu.memory_space<vmem_shared>>
        %dma_wait3A_197 = arith.constant 2528 : i32
        %dma_wait3A_198 = arith.constant 0 : i32
        %dma_wait3A_199 = tpu.memref_slice %arg5[%dma_wait3A_197, %dma_wait3A_198] : memref<10000x128xf32, #tpu.memory_space<hbm>> -> memref<632x128xf32, #tpu.memory_space<hbm>>
        tpu.wait_dma2 semaphore(%run_scoped3A : memref<!tpu.dma_semaphore, #tpu.memory_space<semaphore_mem>>) src(%dma_wait3A_199 : memref<632x128xf32, #tpu.memory_space<hbm>>) dst(%dma_wait3A_196 : memref<632x128xf32, #tpu.memory_space<vmem_shared>>)
        tpu.yield
      }) : () -> ()
    } else {
    }
    %eq3A_23 = arith.constant 5 : i32
    %eq3A_24 = arith.cmpi eq, %arg1, %eq3A_23 : i32
    %convert_element_type3A_25 = arith.extui %eq3A_24 : i1 to i32
    %cond3A_26 = arith.constant 0 : i32
    %cond3A_27 = arith.cmpi ne, %convert_element_type3A_25, %cond3A_26 : i32
    scf.if %cond3A_27 {
      "tpu.region"() ({
        %run_scoped3A = tpu.sem_alloc : memref<!tpu.dma_semaphore, #tpu.memory_space<semaphore_mem>>
        %dma_start3A = arith.constant 3160 : i32
        %dma_start3A_190 = arith.constant 0 : i32
        %dma_start3A_191 = tpu.memref_slice %arg7[%dma_start3A, %dma_start3A_190] : memref<10000x128xf32, #tpu.memory_space<vmem_shared>> -> memref<632x128xf32, #tpu.memory_space<vmem_shared>>
        %dma_start3A_192 = arith.constant 3160 : i32
        %dma_start3A_193 = arith.constant 0 : i32
        %dma_start3A_194 = tpu.memref_slice %arg5[%dma_start3A_192, %dma_start3A_193] : memref<10000x128xf32, #tpu.memory_space<hbm>> -> memref<632x128xf32, #tpu.memory_space<hbm>>
        tpu.enqueue_dma source(%dma_start3A_194 : memref<632x128xf32, #tpu.memory_space<hbm>>) target(%dma_start3A_191 : memref<632x128xf32, #tpu.memory_space<vmem_shared>>) target_semaphore(%run_scoped3A : memref<!tpu.dma_semaphore, #tpu.memory_space<semaphore_mem>>)
        %dma_wait3A = arith.constant 3160 : i32
        %dma_wait3A_195 = arith.constant 0 : i32
        %dma_wait3A_196 = tpu.memref_slice %arg7[%dma_wait3A, %dma_wait3A_195] : memref<10000x128xf32, #tpu.memory_space<vmem_shared>> -> memref<632x128xf32, #tpu.memory_space<vmem_shared>>
        %dma_wait3A_197 = arith.constant 3160 : i32
        %dma_wait3A_198 = arith.constant 0 : i32
        %dma_wait3A_199 = tpu.memref_slice %arg5[%dma_wait3A_197, %dma_wait3A_198] : memref<10000x128xf32, #tpu.memory_space<hbm>> -> memref<632x128xf32, #tpu.memory_space<hbm>>
        tpu.wait_dma2 semaphore(%run_scoped3A : memref<!tpu.dma_semaphore, #tpu.memory_space<semaphore_mem>>) src(%dma_wait3A_199 : memref<632x128xf32, #tpu.memory_space<hbm>>) dst(%dma_wait3A_196 : memref<632x128xf32, #tpu.memory_space<vmem_shared>>)
        tpu.yield
      }) : () -> ()
    } else {
    }
    %eq3A_28 = arith.constant 6 : i32
    %eq3A_29 = arith.cmpi eq, %arg1, %eq3A_28 : i32
    %convert_element_type3A_30 = arith.extui %eq3A_29 : i1 to i32
    %cond3A_31 = arith.constant 0 : i32
    %cond3A_32 = arith.cmpi ne, %convert_element_type3A_30, %cond3A_31 : i32
    scf.if %cond3A_32 {
      "tpu.region"() ({
        %run_scoped3A = tpu.sem_alloc : memref<!tpu.dma_semaphore, #tpu.memory_space<semaphore_mem>>
        %dma_start3A = arith.constant 3792 : i32
        %dma_start3A_190 = arith.constant 0 : i32
        %dma_start3A_191 = tpu.memref_slice %arg7[%dma_start3A, %dma_start3A_190] : memref<10000x128xf32, #tpu.memory_space<vmem_shared>> -> memref<632x128xf32, #tpu.memory_space<vmem_shared>>
        %dma_start3A_192 = arith.constant 3792 : i32
        %dma_start3A_193 = arith.constant 0 : i32
        %dma_start3A_194 = tpu.memref_slice %arg5[%dma_start3A_192, %dma_start3A_193] : memref<10000x128xf32, #tpu.memory_space<hbm>> -> memref<632x128xf32, #tpu.memory_space<hbm>>
        tpu.enqueue_dma source(%dma_start3A_194 : memref<632x128xf32, #tpu.memory_space<hbm>>) target(%dma_start3A_191 : memref<632x128xf32, #tpu.memory_space<vmem_shared>>) target_semaphore(%run_scoped3A : memref<!tpu.dma_semaphore, #tpu.memory_space<semaphore_mem>>)
        %dma_wait3A = arith.constant 3792 : i32
        %dma_wait3A_195 = arith.constant 0 : i32
        %dma_wait3A_196 = tpu.memref_slice %arg7[%dma_wait3A, %dma_wait3A_195] : memref<10000x128xf32, #tpu.memory_space<vmem_shared>> -> memref<632x128xf32, #tpu.memory_space<vmem_shared>>
        %dma_wait3A_197 = arith.constant 3792 : i32
        %dma_wait3A_198 = arith.constant 0 : i32
        %dma_wait3A_199 = tpu.memref_slice %arg5[%dma_wait3A_197, %dma_wait3A_198] : memref<10000x128xf32, #tpu.memory_space<hbm>> -> memref<632x128xf32, #tpu.memory_space<hbm>>
        tpu.wait_dma2 semaphore(%run_scoped3A : memref<!tpu.dma_semaphore, #tpu.memory_space<semaphore_mem>>) src(%dma_wait3A_199 : memref<632x128xf32, #tpu.memory_space<hbm>>) dst(%dma_wait3A_196 : memref<632x128xf32, #tpu.memory_space<vmem_shared>>)
        tpu.yield
      }) : () -> ()
    } else {
    }
    %eq3A_33 = arith.constant 7 : i32
    %eq3A_34 = arith.cmpi eq, %arg1, %eq3A_33 : i32
    %convert_element_type3A_35 = arith.extui %eq3A_34 : i1 to i32
    %cond3A_36 = arith.constant 0 : i32
    %cond3A_37 = arith.cmpi ne, %convert_element_type3A_35, %cond3A_36 : i32
    scf.if %cond3A_37 {
      "tpu.region"() ({
        %run_scoped3A = tpu.sem_alloc : memref<!tpu.dma_semaphore, #tpu.memory_space<semaphore_mem>>
        %dma_start3A = arith.constant 4424 : i32
        %dma_start3A_190 = arith.constant 0 : i32
        %dma_start3A_191 = tpu.memref_slice %arg7[%dma_start3A, %dma_start3A_190] : memref<10000x128xf32, #tpu.memory_space<vmem_shared>> -> memref<632x128xf32, #tpu.memory_space<vmem_shared>>
        %dma_start3A_192 = arith.constant 4424 : i32
        %dma_start3A_193 = arith.constant 0 : i32
        %dma_start3A_194 = tpu.memref_slice %arg5[%dma_start3A_192, %dma_start3A_193] : memref<10000x128xf32, #tpu.memory_space<hbm>> -> memref<632x128xf32, #tpu.memory_space<hbm>>
        tpu.enqueue_dma source(%dma_start3A_194 : memref<632x128xf32, #tpu.memory_space<hbm>>) target(%dma_start3A_191 : memref<632x128xf32, #tpu.memory_space<vmem_shared>>) target_semaphore(%run_scoped3A : memref<!tpu.dma_semaphore, #tpu.memory_space<semaphore_mem>>)
        %dma_wait3A = arith.constant 4424 : i32
        %dma_wait3A_195 = arith.constant 0 : i32
        %dma_wait3A_196 = tpu.memref_slice %arg7[%dma_wait3A, %dma_wait3A_195] : memref<10000x128xf32, #tpu.memory_space<vmem_shared>> -> memref<632x128xf32, #tpu.memory_space<vmem_shared>>
        %dma_wait3A_197 = arith.constant 4424 : i32
        %dma_wait3A_198 = arith.constant 0 : i32
        %dma_wait3A_199 = tpu.memref_slice %arg5[%dma_wait3A_197, %dma_wait3A_198] : memref<10000x128xf32, #tpu.memory_space<hbm>> -> memref<632x128xf32, #tpu.memory_space<hbm>>
        tpu.wait_dma2 semaphore(%run_scoped3A : memref<!tpu.dma_semaphore, #tpu.memory_space<semaphore_mem>>) src(%dma_wait3A_199 : memref<632x128xf32, #tpu.memory_space<hbm>>) dst(%dma_wait3A_196 : memref<632x128xf32, #tpu.memory_space<vmem_shared>>)
        tpu.yield
      }) : () -> ()
    } else {
    }
    %eq3A_38 = arith.constant 8 : i32
    %eq3A_39 = arith.cmpi eq, %arg1, %eq3A_38 : i32
    %convert_element_type3A_40 = arith.extui %eq3A_39 : i1 to i32
    %cond3A_41 = arith.constant 0 : i32
    %cond3A_42 = arith.cmpi ne, %convert_element_type3A_40, %cond3A_41 : i32
    scf.if %cond3A_42 {
      "tpu.region"() ({
        %run_scoped3A = tpu.sem_alloc : memref<!tpu.dma_semaphore, #tpu.memory_space<semaphore_mem>>
        %dma_start3A = arith.constant 5056 : i32
        %dma_start3A_190 = arith.constant 0 : i32
        %dma_start3A_191 = tpu.memref_slice %arg7[%dma_start3A, %dma_start3A_190] : memref<10000x128xf32, #tpu.memory_space<vmem_shared>> -> memref<632x128xf32, #tpu.memory_space<vmem_shared>>
        %dma_start3A_192 = arith.constant 5056 : i32
        %dma_start3A_193 = arith.constant 0 : i32
        %dma_start3A_194 = tpu.memref_slice %arg5[%dma_start3A_192, %dma_start3A_193] : memref<10000x128xf32, #tpu.memory_space<hbm>> -> memref<632x128xf32, #tpu.memory_space<hbm>>
        tpu.enqueue_dma source(%dma_start3A_194 : memref<632x128xf32, #tpu.memory_space<hbm>>) target(%dma_start3A_191 : memref<632x128xf32, #tpu.memory_space<vmem_shared>>) target_semaphore(%run_scoped3A : memref<!tpu.dma_semaphore, #tpu.memory_space<semaphore_mem>>)
        %dma_wait3A = arith.constant 5056 : i32
        %dma_wait3A_195 = arith.constant 0 : i32
        %dma_wait3A_196 = tpu.memref_slice %arg7[%dma_wait3A, %dma_wait3A_195] : memref<10000x128xf32, #tpu.memory_space<vmem_shared>> -> memref<632x128xf32, #tpu.memory_space<vmem_shared>>
        %dma_wait3A_197 = arith.constant 5056 : i32
        %dma_wait3A_198 = arith.constant 0 : i32
        %dma_wait3A_199 = tpu.memref_slice %arg5[%dma_wait3A_197, %dma_wait3A_198] : memref<10000x128xf32, #tpu.memory_space<hbm>> -> memref<632x128xf32, #tpu.memory_space<hbm>>
        tpu.wait_dma2 semaphore(%run_scoped3A : memref<!tpu.dma_semaphore, #tpu.memory_space<semaphore_mem>>) src(%dma_wait3A_199 : memref<632x128xf32, #tpu.memory_space<hbm>>) dst(%dma_wait3A_196 : memref<632x128xf32, #tpu.memory_space<vmem_shared>>)
        tpu.yield
      }) : () -> ()
    } else {
    }
    %eq3A_43 = arith.constant 9 : i32
    %eq3A_44 = arith.cmpi eq, %arg1, %eq3A_43 : i32
    %convert_element_type3A_45 = arith.extui %eq3A_44 : i1 to i32
    %cond3A_46 = arith.constant 0 : i32
    %cond3A_47 = arith.cmpi ne, %convert_element_type3A_45, %cond3A_46 : i32
    scf.if %cond3A_47 {
      "tpu.region"() ({
        %run_scoped3A = tpu.sem_alloc : memref<!tpu.dma_semaphore, #tpu.memory_space<semaphore_mem>>
        %dma_start3A = arith.constant 5688 : i32
        %dma_start3A_190 = arith.constant 0 : i32
        %dma_start3A_191 = tpu.memref_slice %arg7[%dma_start3A, %dma_start3A_190] : memref<10000x128xf32, #tpu.memory_space<vmem_shared>> -> memref<632x128xf32, #tpu.memory_space<vmem_shared>>
        %dma_start3A_192 = arith.constant 5688 : i32
        %dma_start3A_193 = arith.constant 0 : i32
        %dma_start3A_194 = tpu.memref_slice %arg5[%dma_start3A_192, %dma_start3A_193] : memref<10000x128xf32, #tpu.memory_space<hbm>> -> memref<632x128xf32, #tpu.memory_space<hbm>>
        tpu.enqueue_dma source(%dma_start3A_194 : memref<632x128xf32, #tpu.memory_space<hbm>>) target(%dma_start3A_191 : memref<632x128xf32, #tpu.memory_space<vmem_shared>>) target_semaphore(%run_scoped3A : memref<!tpu.dma_semaphore, #tpu.memory_space<semaphore_mem>>)
        %dma_wait3A = arith.constant 5688 : i32
        %dma_wait3A_195 = arith.constant 0 : i32
        %dma_wait3A_196 = tpu.memref_slice %arg7[%dma_wait3A, %dma_wait3A_195] : memref<10000x128xf32, #tpu.memory_space<vmem_shared>> -> memref<632x128xf32, #tpu.memory_space<vmem_shared>>
        %dma_wait3A_197 = arith.constant 5688 : i32
        %dma_wait3A_198 = arith.constant 0 : i32
        %dma_wait3A_199 = tpu.memref_slice %arg5[%dma_wait3A_197, %dma_wait3A_198] : memref<10000x128xf32, #tpu.memory_space<hbm>> -> memref<632x128xf32, #tpu.memory_space<hbm>>
        tpu.wait_dma2 semaphore(%run_scoped3A : memref<!tpu.dma_semaphore, #tpu.memory_space<semaphore_mem>>) src(%dma_wait3A_199 : memref<632x128xf32, #tpu.memory_space<hbm>>) dst(%dma_wait3A_196 : memref<632x128xf32, #tpu.memory_space<vmem_shared>>)
        tpu.yield
      }) : () -> ()
    } else {
    }
    %eq3A_48 = arith.constant 10 : i32
    %eq3A_49 = arith.cmpi eq, %arg1, %eq3A_48 : i32
    %convert_element_type3A_50 = arith.extui %eq3A_49 : i1 to i32
    %cond3A_51 = arith.constant 0 : i32
    %cond3A_52 = arith.cmpi ne, %convert_element_type3A_50, %cond3A_51 : i32
    scf.if %cond3A_52 {
      "tpu.region"() ({
        %run_scoped3A = tpu.sem_alloc : memref<!tpu.dma_semaphore, #tpu.memory_space<semaphore_mem>>
        %dma_start3A = arith.constant 6320 : i32
        %dma_start3A_190 = arith.constant 0 : i32
        %dma_start3A_191 = tpu.memref_slice %arg7[%dma_start3A, %dma_start3A_190] : memref<10000x128xf32, #tpu.memory_space<vmem_shared>> -> memref<632x128xf32, #tpu.memory_space<vmem_shared>>
        %dma_start3A_192 = arith.constant 6320 : i32
        %dma_start3A_193 = arith.constant 0 : i32
        %dma_start3A_194 = tpu.memref_slice %arg5[%dma_start3A_192, %dma_start3A_193] : memref<10000x128xf32, #tpu.memory_space<hbm>> -> memref<632x128xf32, #tpu.memory_space<hbm>>
        tpu.enqueue_dma source(%dma_start3A_194 : memref<632x128xf32, #tpu.memory_space<hbm>>) target(%dma_start3A_191 : memref<632x128xf32, #tpu.memory_space<vmem_shared>>) target_semaphore(%run_scoped3A : memref<!tpu.dma_semaphore, #tpu.memory_space<semaphore_mem>>)
        %dma_wait3A = arith.constant 6320 : i32
        %dma_wait3A_195 = arith.constant 0 : i32
        %dma_wait3A_196 = tpu.memref_slice %arg7[%dma_wait3A, %dma_wait3A_195] : memref<10000x128xf32, #tpu.memory_space<vmem_shared>> -> memref<632x128xf32, #tpu.memory_space<vmem_shared>>
        %dma_wait3A_197 = arith.constant 6320 : i32
        %dma_wait3A_198 = arith.constant 0 : i32
        %dma_wait3A_199 = tpu.memref_slice %arg5[%dma_wait3A_197, %dma_wait3A_198] : memref<10000x128xf32, #tpu.memory_space<hbm>> -> memref<632x128xf32, #tpu.memory_space<hbm>>
        tpu.wait_dma2 semaphore(%run_scoped3A : memref<!tpu.dma_semaphore, #tpu.memory_space<semaphore_mem>>) src(%dma_wait3A_199 : memref<632x128xf32, #tpu.memory_space<hbm>>) dst(%dma_wait3A_196 : memref<632x128xf32, #tpu.memory_space<vmem_shared>>)
        tpu.yield
      }) : () -> ()
    } else {
    }
    %eq3A_53 = arith.constant 11 : i32
    %eq3A_54 = arith.cmpi eq, %arg1, %eq3A_53 : i32
    %convert_element_type3A_55 = arith.extui %eq3A_54 : i1 to i32
    %cond3A_56 = arith.constant 0 : i32
    %cond3A_57 = arith.cmpi ne, %convert_element_type3A_55, %cond3A_56 : i32
    scf.if %cond3A_57 {
      "tpu.region"() ({
        %run_scoped3A = tpu.sem_alloc : memref<!tpu.dma_semaphore, #tpu.memory_space<semaphore_mem>>
        %dma_start3A = arith.constant 6952 : i32
        %dma_start3A_190 = arith.constant 0 : i32
        %dma_start3A_191 = tpu.memref_slice %arg7[%dma_start3A, %dma_start3A_190] : memref<10000x128xf32, #tpu.memory_space<vmem_shared>> -> memref<632x128xf32, #tpu.memory_space<vmem_shared>>
        %dma_start3A_192 = arith.constant 6952 : i32
        %dma_start3A_193 = arith.constant 0 : i32
        %dma_start3A_194 = tpu.memref_slice %arg5[%dma_start3A_192, %dma_start3A_193] : memref<10000x128xf32, #tpu.memory_space<hbm>> -> memref<632x128xf32, #tpu.memory_space<hbm>>
        tpu.enqueue_dma source(%dma_start3A_194 : memref<632x128xf32, #tpu.memory_space<hbm>>) target(%dma_start3A_191 : memref<632x128xf32, #tpu.memory_space<vmem_shared>>) target_semaphore(%run_scoped3A : memref<!tpu.dma_semaphore, #tpu.memory_space<semaphore_mem>>)
        %dma_wait3A = arith.constant 6952 : i32
        %dma_wait3A_195 = arith.constant 0 : i32
        %dma_wait3A_196 = tpu.memref_slice %arg7[%dma_wait3A, %dma_wait3A_195] : memref<10000x128xf32, #tpu.memory_space<vmem_shared>> -> memref<632x128xf32, #tpu.memory_space<vmem_shared>>
        %dma_wait3A_197 = arith.constant 6952 : i32
        %dma_wait3A_198 = arith.constant 0 : i32
        %dma_wait3A_199 = tpu.memref_slice %arg5[%dma_wait3A_197, %dma_wait3A_198] : memref<10000x128xf32, #tpu.memory_space<hbm>> -> memref<632x128xf32, #tpu.memory_space<hbm>>
        tpu.wait_dma2 semaphore(%run_scoped3A : memref<!tpu.dma_semaphore, #tpu.memory_space<semaphore_mem>>) src(%dma_wait3A_199 : memref<632x128xf32, #tpu.memory_space<hbm>>) dst(%dma_wait3A_196 : memref<632x128xf32, #tpu.memory_space<vmem_shared>>)
        tpu.yield
      }) : () -> ()
    } else {
    }
    %eq3A_58 = arith.constant 12 : i32
    %eq3A_59 = arith.cmpi eq, %arg1, %eq3A_58 : i32
    %convert_element_type3A_60 = arith.extui %eq3A_59 : i1 to i32
    %cond3A_61 = arith.constant 0 : i32
    %cond3A_62 = arith.cmpi ne, %convert_element_type3A_60, %cond3A_61 : i32
    scf.if %cond3A_62 {
      "tpu.region"() ({
        %run_scoped3A = tpu.sem_alloc : memref<!tpu.dma_semaphore, #tpu.memory_space<semaphore_mem>>
        %dma_start3A = arith.constant 7584 : i32
        %dma_start3A_190 = arith.constant 0 : i32
        %dma_start3A_191 = tpu.memref_slice %arg7[%dma_start3A, %dma_start3A_190] : memref<10000x128xf32, #tpu.memory_space<vmem_shared>> -> memref<632x128xf32, #tpu.memory_space<vmem_shared>>
        %dma_start3A_192 = arith.constant 7584 : i32
        %dma_start3A_193 = arith.constant 0 : i32
        %dma_start3A_194 = tpu.memref_slice %arg5[%dma_start3A_192, %dma_start3A_193] : memref<10000x128xf32, #tpu.memory_space<hbm>> -> memref<632x128xf32, #tpu.memory_space<hbm>>
        tpu.enqueue_dma source(%dma_start3A_194 : memref<632x128xf32, #tpu.memory_space<hbm>>) target(%dma_start3A_191 : memref<632x128xf32, #tpu.memory_space<vmem_shared>>) target_semaphore(%run_scoped3A : memref<!tpu.dma_semaphore, #tpu.memory_space<semaphore_mem>>)
        %dma_wait3A = arith.constant 7584 : i32
        %dma_wait3A_195 = arith.constant 0 : i32
        %dma_wait3A_196 = tpu.memref_slice %arg7[%dma_wait3A, %dma_wait3A_195] : memref<10000x128xf32, #tpu.memory_space<vmem_shared>> -> memref<632x128xf32, #tpu.memory_space<vmem_shared>>
        %dma_wait3A_197 = arith.constant 7584 : i32
        %dma_wait3A_198 = arith.constant 0 : i32
        %dma_wait3A_199 = tpu.memref_slice %arg5[%dma_wait3A_197, %dma_wait3A_198] : memref<10000x128xf32, #tpu.memory_space<hbm>> -> memref<632x128xf32, #tpu.memory_space<hbm>>
        tpu.wait_dma2 semaphore(%run_scoped3A : memref<!tpu.dma_semaphore, #tpu.memory_space<semaphore_mem>>) src(%dma_wait3A_199 : memref<632x128xf32, #tpu.memory_space<hbm>>) dst(%dma_wait3A_196 : memref<632x128xf32, #tpu.memory_space<vmem_shared>>)
        tpu.yield
      }) : () -> ()
    } else {
    }
    %eq3A_63 = arith.constant 13 : i32
    %eq3A_64 = arith.cmpi eq, %arg1, %eq3A_63 : i32
    %convert_element_type3A_65 = arith.extui %eq3A_64 : i1 to i32
    %cond3A_66 = arith.constant 0 : i32
    %cond3A_67 = arith.cmpi ne, %convert_element_type3A_65, %cond3A_66 : i32
    scf.if %cond3A_67 {
      "tpu.region"() ({
        %run_scoped3A = tpu.sem_alloc : memref<!tpu.dma_semaphore, #tpu.memory_space<semaphore_mem>>
        %dma_start3A = arith.constant 8216 : i32
        %dma_start3A_190 = arith.constant 0 : i32
        %dma_start3A_191 = tpu.memref_slice %arg7[%dma_start3A, %dma_start3A_190] : memref<10000x128xf32, #tpu.memory_space<vmem_shared>> -> memref<632x128xf32, #tpu.memory_space<vmem_shared>>
        %dma_start3A_192 = arith.constant 8216 : i32
        %dma_start3A_193 = arith.constant 0 : i32
        %dma_start3A_194 = tpu.memref_slice %arg5[%dma_start3A_192, %dma_start3A_193] : memref<10000x128xf32, #tpu.memory_space<hbm>> -> memref<632x128xf32, #tpu.memory_space<hbm>>
        tpu.enqueue_dma source(%dma_start3A_194 : memref<632x128xf32, #tpu.memory_space<hbm>>) target(%dma_start3A_191 : memref<632x128xf32, #tpu.memory_space<vmem_shared>>) target_semaphore(%run_scoped3A : memref<!tpu.dma_semaphore, #tpu.memory_space<semaphore_mem>>)
        %dma_wait3A = arith.constant 8216 : i32
        %dma_wait3A_195 = arith.constant 0 : i32
        %dma_wait3A_196 = tpu.memref_slice %arg7[%dma_wait3A, %dma_wait3A_195] : memref<10000x128xf32, #tpu.memory_space<vmem_shared>> -> memref<632x128xf32, #tpu.memory_space<vmem_shared>>
        %dma_wait3A_197 = arith.constant 8216 : i32
        %dma_wait3A_198 = arith.constant 0 : i32
        %dma_wait3A_199 = tpu.memref_slice %arg5[%dma_wait3A_197, %dma_wait3A_198] : memref<10000x128xf32, #tpu.memory_space<hbm>> -> memref<632x128xf32, #tpu.memory_space<hbm>>
        tpu.wait_dma2 semaphore(%run_scoped3A : memref<!tpu.dma_semaphore, #tpu.memory_space<semaphore_mem>>) src(%dma_wait3A_199 : memref<632x128xf32, #tpu.memory_space<hbm>>) dst(%dma_wait3A_196 : memref<632x128xf32, #tpu.memory_space<vmem_shared>>)
        tpu.yield
      }) : () -> ()
    } else {
    }
    %eq3A_68 = arith.constant 14 : i32
    %eq3A_69 = arith.cmpi eq, %arg1, %eq3A_68 : i32
    %convert_element_type3A_70 = arith.extui %eq3A_69 : i1 to i32
    %cond3A_71 = arith.constant 0 : i32
    %cond3A_72 = arith.cmpi ne, %convert_element_type3A_70, %cond3A_71 : i32
    scf.if %cond3A_72 {
      "tpu.region"() ({
        %run_scoped3A = tpu.sem_alloc : memref<!tpu.dma_semaphore, #tpu.memory_space<semaphore_mem>>
        %dma_start3A = arith.constant 8848 : i32
        %dma_start3A_190 = arith.constant 0 : i32
        %dma_start3A_191 = tpu.memref_slice %arg7[%dma_start3A, %dma_start3A_190] : memref<10000x128xf32, #tpu.memory_space<vmem_shared>> -> memref<632x128xf32, #tpu.memory_space<vmem_shared>>
        %dma_start3A_192 = arith.constant 8848 : i32
        %dma_start3A_193 = arith.constant 0 : i32
        %dma_start3A_194 = tpu.memref_slice %arg5[%dma_start3A_192, %dma_start3A_193] : memref<10000x128xf32, #tpu.memory_space<hbm>> -> memref<632x128xf32, #tpu.memory_space<hbm>>
        tpu.enqueue_dma source(%dma_start3A_194 : memref<632x128xf32, #tpu.memory_space<hbm>>) target(%dma_start3A_191 : memref<632x128xf32, #tpu.memory_space<vmem_shared>>) target_semaphore(%run_scoped3A : memref<!tpu.dma_semaphore, #tpu.memory_space<semaphore_mem>>)
        %dma_wait3A = arith.constant 8848 : i32
        %dma_wait3A_195 = arith.constant 0 : i32
        %dma_wait3A_196 = tpu.memref_slice %arg7[%dma_wait3A, %dma_wait3A_195] : memref<10000x128xf32, #tpu.memory_space<vmem_shared>> -> memref<632x128xf32, #tpu.memory_space<vmem_shared>>
        %dma_wait3A_197 = arith.constant 8848 : i32
        %dma_wait3A_198 = arith.constant 0 : i32
        %dma_wait3A_199 = tpu.memref_slice %arg5[%dma_wait3A_197, %dma_wait3A_198] : memref<10000x128xf32, #tpu.memory_space<hbm>> -> memref<632x128xf32, #tpu.memory_space<hbm>>
        tpu.wait_dma2 semaphore(%run_scoped3A : memref<!tpu.dma_semaphore, #tpu.memory_space<semaphore_mem>>) src(%dma_wait3A_199 : memref<632x128xf32, #tpu.memory_space<hbm>>) dst(%dma_wait3A_196 : memref<632x128xf32, #tpu.memory_space<vmem_shared>>)
        tpu.yield
      }) : () -> ()
    } else {
    }
    %eq3A_73 = arith.constant 15 : i32
    %eq3A_74 = arith.cmpi eq, %arg1, %eq3A_73 : i32
    %convert_element_type3A_75 = arith.extui %eq3A_74 : i1 to i32
    %cond3A_76 = arith.constant 0 : i32
    %cond3A_77 = arith.cmpi ne, %convert_element_type3A_75, %cond3A_76 : i32
    scf.if %cond3A_77 {
      "tpu.region"() ({
        %run_scoped3A = tpu.sem_alloc : memref<!tpu.dma_semaphore, #tpu.memory_space<semaphore_mem>>
        %dma_start3A = arith.constant 9480 : i32
        %dma_start3A_190 = arith.constant 0 : i32
        %dma_start3A_191 = tpu.memref_slice %arg7[%dma_start3A, %dma_start3A_190] : memref<10000x128xf32, #tpu.memory_space<vmem_shared>> -> memref<520x128xf32, #tpu.memory_space<vmem_shared>>
        %dma_start3A_192 = arith.constant 9480 : i32
        %dma_start3A_193 = arith.constant 0 : i32
        %dma_start3A_194 = tpu.memref_slice %arg5[%dma_start3A_192, %dma_start3A_193] : memref<10000x128xf32, #tpu.memory_space<hbm>> -> memref<520x128xf32, #tpu.memory_space<hbm>>
        tpu.enqueue_dma source(%dma_start3A_194 : memref<520x128xf32, #tpu.memory_space<hbm>>) target(%dma_start3A_191 : memref<520x128xf32, #tpu.memory_space<vmem_shared>>) target_semaphore(%run_scoped3A : memref<!tpu.dma_semaphore, #tpu.memory_space<semaphore_mem>>)
        %dma_wait3A = arith.constant 9480 : i32
        %dma_wait3A_195 = arith.constant 0 : i32
        %dma_wait3A_196 = tpu.memref_slice %arg7[%dma_wait3A, %dma_wait3A_195] : memref<10000x128xf32, #tpu.memory_space<vmem_shared>> -> memref<520x128xf32, #tpu.memory_space<vmem_shared>>
        %dma_wait3A_197 = arith.constant 9480 : i32
        %dma_wait3A_198 = arith.constant 0 : i32
        %dma_wait3A_199 = tpu.memref_slice %arg5[%dma_wait3A_197, %dma_wait3A_198] : memref<10000x128xf32, #tpu.memory_space<hbm>> -> memref<520x128xf32, #tpu.memory_space<hbm>>
        tpu.wait_dma2 semaphore(%run_scoped3A : memref<!tpu.dma_semaphore, #tpu.memory_space<semaphore_mem>>) src(%dma_wait3A_199 : memref<520x128xf32, #tpu.memory_space<hbm>>) dst(%dma_wait3A_196 : memref<520x128xf32, #tpu.memory_space<vmem_shared>>)
        tpu.yield
      }) : () -> ()
    } else {
    }
    %barrier3A = arith.constant 0 : index
    tpu.barrier barrier_id(%barrier3A)
    %sub3A = arith.constant 2500 : i32
    %sub3A_78 = arith.subi %sub3A, %add3A : i32
    %add3A_79 = arith.constant 32 : i32
    %add3A_80 = arith.addi %sub3A_78, %add3A_79 : i32
    %sub3A_81 = arith.constant 1 : i32
    %sub3A_82 = arith.subi %add3A_80, %sub3A_81 : i32
    %jit3A = arith.constant 32 : i32
    %div3A = arith.divsi %sub3A_82, %jit3A : i32
    %sign3A = arith.constant 0 : i32
    %sign3A_83 = arith.cmpi sgt, %sub3A_82, %sign3A : i32
    %sign3A_84 = arith.extui %sign3A_83 : i1 to i32
    %sign3A_85 = arith.constant 0 : i32
    %sign3A_86 = arith.cmpi slt, %sub3A_82, %sign3A_85 : i32
    %sign3A_87 = arith.extui %sign3A_86 : i1 to i32
    %sign3A_88 = arith.subi %sign3A_84, %sign3A_87 : i32
    %sign3A_89 = arith.constant 0 : i32
    %sign3A_90 = arith.cmpi sgt, %jit3A, %sign3A_89 : i32
    %sign3A_91 = arith.extui %sign3A_90 : i1 to i32
    %sign3A_92 = arith.constant 0 : i32
    %sign3A_93 = arith.cmpi slt, %jit3A, %sign3A_92 : i32
    %sign3A_94 = arith.extui %sign3A_93 : i1 to i32
    %sign3A_95 = arith.subi %sign3A_91, %sign3A_94 : i32
    %ne3A = arith.cmpi ne, %sign3A_88, %sign3A_95 : i32
    %rem3A = arith.remsi %sub3A_82, %jit3A : i32
    %ne3A_96 = arith.constant 0 : i32
    %ne3A_97 = arith.cmpi ne, %rem3A, %ne3A_96 : i32
    %and3A = arith.andi %ne3A, %ne3A_97 : i1
    %sub3A_98 = arith.constant 1 : i32
    %sub3A_99 = arith.subi %div3A, %sub3A_98 : i32
    %select_n3A = arith.select %and3A, %sub3A_99, %div3A : i32
    %while3A = arith.constant 0 : i32
    %while3A_100 = arith.constant 0 : i32
    %while3A_101 = arith.subi %select_n3A, %while3A_100 : i32
    %while3A_102 = arith.addi %while3A_100, %while3A_101 : i32
    %while3A_103 = arith.constant 1 : i32
    %while3A_104 = arith.divsi %while3A_101, %while3A_103 : i32
    %while3A_105 = arith.muli %while3A_104, %while3A_103 : i32
    %while3A_106 = arith.addi %while3A_100, %while3A_105 : i32
    %while3A_107 = arith.constant 1 : i32
    scf.for %while3A_190 = %while3A_100 to %while3A_106 step %while3A_107  : i32 {
      %mul3A_191 = arith.constant 32 : i32
      %mul3A_192 = arith.muli %while3A_190, %mul3A_191 : i32
      %add3A_193 = arith.addi %add3A, %mul3A_192 : i32
      %mul3A_194 = arith.constant 128 : i32
      %mul3A_195 = arith.muli %add3A_193, %mul3A_194 : i32
      "tpu.region"() ({
        %run_scoped3A = tpu.sem_alloc : memref<!tpu.dma_semaphore, #tpu.memory_space<semaphore_mem>>
        %dma_start3A_200 = tpu.memref_slice %arg2[%mul3A_195] : memref<320000xi32, #tpu.memory_space<hbm>> -> memref<128xi32, #tpu.memory_space<hbm>>
        %dma_start3A_201 = tpu.memref_slice %arg2[%mul3A_195] : memref<320000xi32, #tpu.memory_space<hbm>> -> memref<128xi32, #tpu.memory_space<hbm>>
        tpu.enqueue_dma source(%dma_start3A_201 : memref<128xi32, #tpu.memory_space<hbm>>) target(%arg8 : memref<128xi32, #tpu.memory_space<vmem>>) target_semaphore(%run_scoped3A : memref<!tpu.dma_semaphore, #tpu.memory_space<semaphore_mem>>)
        %dma_wait3A_202 = tpu.memref_slice %arg2[%mul3A_195] : memref<320000xi32, #tpu.memory_space<hbm>> -> memref<128xi32, #tpu.memory_space<hbm>>
        %dma_wait3A_203 = tpu.memref_slice %arg2[%mul3A_195] : memref<320000xi32, #tpu.memory_space<hbm>> -> memref<128xi32, #tpu.memory_space<hbm>>
        tpu.wait_dma2 semaphore(%run_scoped3A : memref<!tpu.dma_semaphore, #tpu.memory_space<semaphore_mem>>) src(%dma_wait3A_203 : memref<128xi32, #tpu.memory_space<hbm>>) dst(%arg8 : memref<128xi32, #tpu.memory_space<vmem>>)
        tpu.yield
      }) : () -> ()
      "tpu.region"() ({
        %run_scoped3A = tpu.sem_alloc : memref<!tpu.dma_semaphore, #tpu.memory_space<semaphore_mem>>
        %dma_start3A_200 = tpu.memref_slice %arg3[%mul3A_195] : memref<320000xi32, #tpu.memory_space<hbm>> -> memref<128xi32, #tpu.memory_space<hbm>>
        %dma_start3A_201 = tpu.memref_slice %arg3[%mul3A_195] : memref<320000xi32, #tpu.memory_space<hbm>> -> memref<128xi32, #tpu.memory_space<hbm>>
        tpu.enqueue_dma source(%dma_start3A_201 : memref<128xi32, #tpu.memory_space<hbm>>) target(%arg9 : memref<128xi32, #tpu.memory_space<vmem>>) target_semaphore(%run_scoped3A : memref<!tpu.dma_semaphore, #tpu.memory_space<semaphore_mem>>)
        %dma_wait3A_202 = tpu.memref_slice %arg3[%mul3A_195] : memref<320000xi32, #tpu.memory_space<hbm>> -> memref<128xi32, #tpu.memory_space<hbm>>
        %dma_wait3A_203 = tpu.memref_slice %arg3[%mul3A_195] : memref<320000xi32, #tpu.memory_space<hbm>> -> memref<128xi32, #tpu.memory_space<hbm>>
        tpu.wait_dma2 semaphore(%run_scoped3A : memref<!tpu.dma_semaphore, #tpu.memory_space<semaphore_mem>>) src(%dma_wait3A_203 : memref<128xi32, #tpu.memory_space<hbm>>) dst(%arg9 : memref<128xi32, #tpu.memory_space<vmem>>)
        tpu.yield
      }) : () -> ()
      %dma_start3A = arith.constant 0 : i32
      %dma_start3A_196 = arith.constant 0 : i32
      %dma_start3A_197 = tpu.memref_slice %arg4[%dma_start3A, %dma_start3A_196] : memref<10000x128xf32, #tpu.memory_space<hbm>> -> memref<10000x128xf32, #tpu.memory_space<hbm>>
      tpu.enqueue_indirect_dma source(%dma_start3A_197 : memref<10000x128xf32, #tpu.memory_space<hbm>>) target(%arg10 : memref<128x128xf32, #tpu.memory_space<vmem>>) offsets(%arg8 : memref<128xi32, #tpu.memory_space<vmem>>) semaphore(%arg11 : memref<!tpu.dma_semaphore, #tpu.memory_space<semaphore_mem>>)
      %dma_wait3A = arith.constant 0 : i32
      %dma_wait3A_198 = arith.constant 0 : i32
      %dma_wait3A_199 = tpu.memref_slice %arg4[%dma_wait3A, %dma_wait3A_198] : memref<10000x128xf32, #tpu.memory_space<hbm>> -> memref<10000x128xf32, #tpu.memory_space<hbm>>
      tpu.wait_indirect_dma semaphore(%arg11 : memref<!tpu.dma_semaphore, #tpu.memory_space<semaphore_mem>>) src(%dma_wait3A_199 : memref<10000x128xf32, #tpu.memory_space<hbm>>) dst(%arg10 : memref<128x128xf32, #tpu.memory_space<vmem>>)
      "tpu.region"() ({
        %run_scoped3A = tpu.sem_alloc : memref<!tpu.dma_semaphore, #tpu.memory_space<semaphore_mem>>
        %dma_start3A_200 = arith.constant 0 : i32
        %dma_start3A_201 = arith.constant 0 : i32
        %dma_start3A_202 = tpu.memref_slice %arg7[%dma_start3A_200, %dma_start3A_201] : memref<10000x128xf32, #tpu.memory_space<vmem_shared>> -> memref<10000x128xf32, #tpu.memory_space<vmem_shared>>
        tpu.enqueue_indirect_dma source(%arg10 : memref<128x128xf32, #tpu.memory_space<vmem>>) target(%dma_start3A_202 : memref<10000x128xf32, #tpu.memory_space<vmem_shared>>) offsets(%arg9 : memref<128xi32, #tpu.memory_space<vmem>>) semaphore(%run_scoped3A : memref<!tpu.dma_semaphore, #tpu.memory_space<semaphore_mem>>) {add = true}
        %dma_wait3A_203 = arith.constant 0 : i32
        %dma_wait3A_204 = arith.constant 0 : i32
        %dma_wait3A_205 = tpu.memref_slice %arg7[%dma_wait3A_203, %dma_wait3A_204] : memref<10000x128xf32, #tpu.memory_space<vmem_shared>> -> memref<10000x128xf32, #tpu.memory_space<vmem_shared>>
        tpu.wait_indirect_dma semaphore(%run_scoped3A : memref<!tpu.dma_semaphore, #tpu.memory_space<semaphore_mem>>) src(%arg10 : memref<128x128xf32, #tpu.memory_space<vmem>>) dst(%dma_wait3A_205 : memref<10000x128xf32, #tpu.memory_space<vmem_shared>>)
        tpu.yield
      }) : () -> ()
    }
    %while3A_108 = arith.constant 1 : i32
    scf.for %while3A_190 = %while3A_106 to %while3A_102 step %while3A_108  : i32 {
      %mul3A_191 = arith.constant 32 : i32
      %mul3A_192 = arith.muli %while3A_190, %mul3A_191 : i32
      %add3A_193 = arith.addi %add3A, %mul3A_192 : i32
      %mul3A_194 = arith.constant 128 : i32
      %mul3A_195 = arith.muli %add3A_193, %mul3A_194 : i32
      "tpu.region"() ({
        %run_scoped3A = tpu.sem_alloc : memref<!tpu.dma_semaphore, #tpu.memory_space<semaphore_mem>>
        %dma_start3A_200 = tpu.memref_slice %arg2[%mul3A_195] : memref<320000xi32, #tpu.memory_space<hbm>> -> memref<128xi32, #tpu.memory_space<hbm>>
        %dma_start3A_201 = tpu.memref_slice %arg2[%mul3A_195] : memref<320000xi32, #tpu.memory_space<hbm>> -> memref<128xi32, #tpu.memory_space<hbm>>
        tpu.enqueue_dma source(%dma_start3A_201 : memref<128xi32, #tpu.memory_space<hbm>>) target(%arg8 : memref<128xi32, #tpu.memory_space<vmem>>) target_semaphore(%run_scoped3A : memref<!tpu.dma_semaphore, #tpu.memory_space<semaphore_mem>>)
        %dma_wait3A_202 = tpu.memref_slice %arg2[%mul3A_195] : memref<320000xi32, #tpu.memory_space<hbm>> -> memref<128xi32, #tpu.memory_space<hbm>>
        %dma_wait3A_203 = tpu.memref_slice %arg2[%mul3A_195] : memref<320000xi32, #tpu.memory_space<hbm>> -> memref<128xi32, #tpu.memory_space<hbm>>
        tpu.wait_dma2 semaphore(%run_scoped3A : memref<!tpu.dma_semaphore, #tpu.memory_space<semaphore_mem>>) src(%dma_wait3A_203 : memref<128xi32, #tpu.memory_space<hbm>>) dst(%arg8 : memref<128xi32, #tpu.memory_space<vmem>>)
        tpu.yield
      }) : () -> ()
      "tpu.region"() ({
        %run_scoped3A = tpu.sem_alloc : memref<!tpu.dma_semaphore, #tpu.memory_space<semaphore_mem>>
        %dma_start3A_200 = tpu.memref_slice %arg3[%mul3A_195] : memref<320000xi32, #tpu.memory_space<hbm>> -> memref<128xi32, #tpu.memory_space<hbm>>
        %dma_start3A_201 = tpu.memref_slice %arg3[%mul3A_195] : memref<320000xi32, #tpu.memory_space<hbm>> -> memref<128xi32, #tpu.memory_space<hbm>>
        tpu.enqueue_dma source(%dma_start3A_201 : memref<128xi32, #tpu.memory_space<hbm>>) target(%arg9 : memref<128xi32, #tpu.memory_space<vmem>>) target_semaphore(%run_scoped3A : memref<!tpu.dma_semaphore, #tpu.memory_space<semaphore_mem>>)
        %dma_wait3A_202 = tpu.memref_slice %arg3[%mul3A_195] : memref<320000xi32, #tpu.memory_space<hbm>> -> memref<128xi32, #tpu.memory_space<hbm>>
        %dma_wait3A_203 = tpu.memref_slice %arg3[%mul3A_195] : memref<320000xi32, #tpu.memory_space<hbm>> -> memref<128xi32, #tpu.memory_space<hbm>>
        tpu.wait_dma2 semaphore(%run_scoped3A : memref<!tpu.dma_semaphore, #tpu.memory_space<semaphore_mem>>) src(%dma_wait3A_203 : memref<128xi32, #tpu.memory_space<hbm>>) dst(%arg9 : memref<128xi32, #tpu.memory_space<vmem>>)
        tpu.yield
      }) : () -> ()
      %dma_start3A = arith.constant 0 : i32
      %dma_start3A_196 = arith.constant 0 : i32
      %dma_start3A_197 = tpu.memref_slice %arg4[%dma_start3A, %dma_start3A_196] : memref<10000x128xf32, #tpu.memory_space<hbm>> -> memref<10000x128xf32, #tpu.memory_space<hbm>>
      tpu.enqueue_indirect_dma source(%dma_start3A_197 : memref<10000x128xf32, #tpu.memory_space<hbm>>) target(%arg10 : memref<128x128xf32, #tpu.memory_space<vmem>>) offsets(%arg8 : memref<128xi32, #tpu.memory_space<vmem>>) semaphore(%arg11 : memref<!tpu.dma_semaphore, #tpu.memory_space<semaphore_mem>>)
      %dma_wait3A = arith.constant 0 : i32
      %dma_wait3A_198 = arith.constant 0 : i32
      %dma_wait3A_199 = tpu.memref_slice %arg4[%dma_wait3A, %dma_wait3A_198] : memref<10000x128xf32, #tpu.memory_space<hbm>> -> memref<10000x128xf32, #tpu.memory_space<hbm>>
      tpu.wait_indirect_dma semaphore(%arg11 : memref<!tpu.dma_semaphore, #tpu.memory_space<semaphore_mem>>) src(%dma_wait3A_199 : memref<10000x128xf32, #tpu.memory_space<hbm>>) dst(%arg10 : memref<128x128xf32, #tpu.memory_space<vmem>>)
      "tpu.region"() ({
        %run_scoped3A = tpu.sem_alloc : memref<!tpu.dma_semaphore, #tpu.memory_space<semaphore_mem>>
        %dma_start3A_200 = arith.constant 0 : i32
        %dma_start3A_201 = arith.constant 0 : i32
        %dma_start3A_202 = tpu.memref_slice %arg7[%dma_start3A_200, %dma_start3A_201] : memref<10000x128xf32, #tpu.memory_space<vmem_shared>> -> memref<10000x128xf32, #tpu.memory_space<vmem_shared>>
        tpu.enqueue_indirect_dma source(%arg10 : memref<128x128xf32, #tpu.memory_space<vmem>>) target(%dma_start3A_202 : memref<10000x128xf32, #tpu.memory_space<vmem_shared>>) offsets(%arg9 : memref<128xi32, #tpu.memory_space<vmem>>) semaphore(%run_scoped3A : memref<!tpu.dma_semaphore, #tpu.memory_space<semaphore_mem>>) {add = true}
        %dma_wait3A_203 = arith.constant 0 : i32
        %dma_wait3A_204 = arith.constant 0 : i32
        %dma_wait3A_205 = tpu.memref_slice %arg7[%dma_wait3A_203, %dma_wait3A_204] : memref<10000x128xf32, #tpu.memory_space<vmem_shared>> -> memref<10000x128xf32, #tpu.memory_space<vmem_shared>>
        tpu.wait_indirect_dma semaphore(%run_scoped3A : memref<!tpu.dma_semaphore, #tpu.memory_space<semaphore_mem>>) src(%arg10 : memref<128x128xf32, #tpu.memory_space<vmem>>) dst(%dma_wait3A_205 : memref<10000x128xf32, #tpu.memory_space<vmem_shared>>)
        tpu.yield
      }) : () -> ()
    }
    %barrier3A_109 = arith.constant 0 : index
    tpu.barrier barrier_id(%barrier3A_109)
    %eq3A_110 = arith.constant 0 : i32
    %eq3A_111 = arith.cmpi eq, %arg1, %eq3A_110 : i32
    %convert_element_type3A_112 = arith.extui %eq3A_111 : i1 to i32
    %cond3A_113 = arith.constant 0 : i32
    %cond3A_114 = arith.cmpi ne, %convert_element_type3A_112, %cond3A_113 : i32
    scf.if %cond3A_114 {
      "tpu.region"() ({
        %run_scoped3A = tpu.sem_alloc : memref<!tpu.dma_semaphore, #tpu.memory_space<semaphore_mem>>
        %dma_start3A = arith.constant 0 : i32
        %dma_start3A_190 = arith.constant 0 : i32
        %dma_start3A_191 = tpu.memref_slice %arg6[%arg0, %dma_start3A, %dma_start3A_190] : memref<2x10000x128xf32, #tpu.memory_space<hbm>> -> memref<1x632x128xf32, #tpu.memory_space<hbm>>
        %dma_start3A_192 = tpu.memref_squeeze %dma_start3A_191 : memref<1x632x128xf32, #tpu.memory_space<hbm>> -> memref<632x128xf32, #tpu.memory_space<hbm>>
        %dma_start3A_193 = arith.constant 0 : i32
        %dma_start3A_194 = arith.constant 0 : i32
        %dma_start3A_195 = tpu.memref_slice %arg7[%dma_start3A_193, %dma_start3A_194] : memref<10000x128xf32, #tpu.memory_space<vmem_shared>> -> memref<632x128xf32, #tpu.memory_space<vmem_shared>>
        tpu.enqueue_dma source(%dma_start3A_195 : memref<632x128xf32, #tpu.memory_space<vmem_shared>>) target(%dma_start3A_192 : memref<632x128xf32, #tpu.memory_space<hbm>>) target_semaphore(%run_scoped3A : memref<!tpu.dma_semaphore, #tpu.memory_space<semaphore_mem>>)
        %dma_wait3A = arith.constant 0 : i32
        %dma_wait3A_196 = arith.constant 0 : i32
        %dma_wait3A_197 = tpu.memref_slice %arg6[%arg0, %dma_wait3A, %dma_wait3A_196] : memref<2x10000x128xf32, #tpu.memory_space<hbm>> -> memref<1x632x128xf32, #tpu.memory_space<hbm>>
        %dma_wait3A_198 = tpu.memref_squeeze %dma_wait3A_197 : memref<1x632x128xf32, #tpu.memory_space<hbm>> -> memref<632x128xf32, #tpu.memory_space<hbm>>
        %dma_wait3A_199 = arith.constant 0 : i32
        %dma_wait3A_200 = arith.constant 0 : i32
        %dma_wait3A_201 = tpu.memref_slice %arg7[%dma_wait3A_199, %dma_wait3A_200] : memref<10000x128xf32, #tpu.memory_space<vmem_shared>> -> memref<632x128xf32, #tpu.memory_space<vmem_shared>>
        tpu.wait_dma2 semaphore(%run_scoped3A : memref<!tpu.dma_semaphore, #tpu.memory_space<semaphore_mem>>) src(%dma_wait3A_201 : memref<632x128xf32, #tpu.memory_space<vmem_shared>>) dst(%dma_wait3A_198 : memref<632x128xf32, #tpu.memory_space<hbm>>)
        tpu.yield
      }) : () -> ()
    } else {
    }
    %eq3A_115 = arith.constant 1 : i32
    %eq3A_116 = arith.cmpi eq, %arg1, %eq3A_115 : i32
    %convert_element_type3A_117 = arith.extui %eq3A_116 : i1 to i32
    %cond3A_118 = arith.constant 0 : i32
    %cond3A_119 = arith.cmpi ne, %convert_element_type3A_117, %cond3A_118 : i32
    scf.if %cond3A_119 {
      "tpu.region"() ({
        %run_scoped3A = tpu.sem_alloc : memref<!tpu.dma_semaphore, #tpu.memory_space<semaphore_mem>>
        %dma_start3A = arith.constant 632 : i32
        %dma_start3A_190 = arith.constant 0 : i32
        %dma_start3A_191 = tpu.memref_slice %arg6[%arg0, %dma_start3A, %dma_start3A_190] : memref<2x10000x128xf32, #tpu.memory_space<hbm>> -> memref<1x632x128xf32, #tpu.memory_space<hbm>>
        %dma_start3A_192 = tpu.memref_squeeze %dma_start3A_191 : memref<1x632x128xf32, #tpu.memory_space<hbm>> -> memref<632x128xf32, #tpu.memory_space<hbm>>
        %dma_start3A_193 = arith.constant 632 : i32
        %dma_start3A_194 = arith.constant 0 : i32
        %dma_start3A_195 = tpu.memref_slice %arg7[%dma_start3A_193, %dma_start3A_194] : memref<10000x128xf32, #tpu.memory_space<vmem_shared>> -> memref<632x128xf32, #tpu.memory_space<vmem_shared>>
        tpu.enqueue_dma source(%dma_start3A_195 : memref<632x128xf32, #tpu.memory_space<vmem_shared>>) target(%dma_start3A_192 : memref<632x128xf32, #tpu.memory_space<hbm>>) target_semaphore(%run_scoped3A : memref<!tpu.dma_semaphore, #tpu.memory_space<semaphore_mem>>)
        %dma_wait3A = arith.constant 632 : i32
        %dma_wait3A_196 = arith.constant 0 : i32
        %dma_wait3A_197 = tpu.memref_slice %arg6[%arg0, %dma_wait3A, %dma_wait3A_196] : memref<2x10000x128xf32, #tpu.memory_space<hbm>> -> memref<1x632x128xf32, #tpu.memory_space<hbm>>
        %dma_wait3A_198 = tpu.memref_squeeze %dma_wait3A_197 : memref<1x632x128xf32, #tpu.memory_space<hbm>> -> memref<632x128xf32, #tpu.memory_space<hbm>>
        %dma_wait3A_199 = arith.constant 632 : i32
        %dma_wait3A_200 = arith.constant 0 : i32
        %dma_wait3A_201 = tpu.memref_slice %arg7[%dma_wait3A_199, %dma_wait3A_200] : memref<10000x128xf32, #tpu.memory_space<vmem_shared>> -> memref<632x128xf32, #tpu.memory_space<vmem_shared>>
        tpu.wait_dma2 semaphore(%run_scoped3A : memref<!tpu.dma_semaphore, #tpu.memory_space<semaphore_mem>>) src(%dma_wait3A_201 : memref<632x128xf32, #tpu.memory_space<vmem_shared>>) dst(%dma_wait3A_198 : memref<632x128xf32, #tpu.memory_space<hbm>>)
        tpu.yield
      }) : () -> ()
    } else {
    }
    %eq3A_120 = arith.constant 2 : i32
    %eq3A_121 = arith.cmpi eq, %arg1, %eq3A_120 : i32
    %convert_element_type3A_122 = arith.extui %eq3A_121 : i1 to i32
    %cond3A_123 = arith.constant 0 : i32
    %cond3A_124 = arith.cmpi ne, %convert_element_type3A_122, %cond3A_123 : i32
    scf.if %cond3A_124 {
      "tpu.region"() ({
        %run_scoped3A = tpu.sem_alloc : memref<!tpu.dma_semaphore, #tpu.memory_space<semaphore_mem>>
        %dma_start3A = arith.constant 1264 : i32
        %dma_start3A_190 = arith.constant 0 : i32
        %dma_start3A_191 = tpu.memref_slice %arg6[%arg0, %dma_start3A, %dma_start3A_190] : memref<2x10000x128xf32, #tpu.memory_space<hbm>> -> memref<1x632x128xf32, #tpu.memory_space<hbm>>
        %dma_start3A_192 = tpu.memref_squeeze %dma_start3A_191 : memref<1x632x128xf32, #tpu.memory_space<hbm>> -> memref<632x128xf32, #tpu.memory_space<hbm>>
        %dma_start3A_193 = arith.constant 1264 : i32
        %dma_start3A_194 = arith.constant 0 : i32
        %dma_start3A_195 = tpu.memref_slice %arg7[%dma_start3A_193, %dma_start3A_194] : memref<10000x128xf32, #tpu.memory_space<vmem_shared>> -> memref<632x128xf32, #tpu.memory_space<vmem_shared>>
        tpu.enqueue_dma source(%dma_start3A_195 : memref<632x128xf32, #tpu.memory_space<vmem_shared>>) target(%dma_start3A_192 : memref<632x128xf32, #tpu.memory_space<hbm>>) target_semaphore(%run_scoped3A : memref<!tpu.dma_semaphore, #tpu.memory_space<semaphore_mem>>)
        %dma_wait3A = arith.constant 1264 : i32
        %dma_wait3A_196 = arith.constant 0 : i32
        %dma_wait3A_197 = tpu.memref_slice %arg6[%arg0, %dma_wait3A, %dma_wait3A_196] : memref<2x10000x128xf32, #tpu.memory_space<hbm>> -> memref<1x632x128xf32, #tpu.memory_space<hbm>>
        %dma_wait3A_198 = tpu.memref_squeeze %dma_wait3A_197 : memref<1x632x128xf32, #tpu.memory_space<hbm>> -> memref<632x128xf32, #tpu.memory_space<hbm>>
        %dma_wait3A_199 = arith.constant 1264 : i32
        %dma_wait3A_200 = arith.constant 0 : i32
        %dma_wait3A_201 = tpu.memref_slice %arg7[%dma_wait3A_199, %dma_wait3A_200] : memref<10000x128xf32, #tpu.memory_space<vmem_shared>> -> memref<632x128xf32, #tpu.memory_space<vmem_shared>>
        tpu.wait_dma2 semaphore(%run_scoped3A : memref<!tpu.dma_semaphore, #tpu.memory_space<semaphore_mem>>) src(%dma_wait3A_201 : memref<632x128xf32, #tpu.memory_space<vmem_shared>>) dst(%dma_wait3A_198 : memref<632x128xf32, #tpu.memory_space<hbm>>)
        tpu.yield
      }) : () -> ()
    } else {
    }
    %eq3A_125 = arith.constant 3 : i32
    %eq3A_126 = arith.cmpi eq, %arg1, %eq3A_125 : i32
    %convert_element_type3A_127 = arith.extui %eq3A_126 : i1 to i32
    %cond3A_128 = arith.constant 0 : i32
    %cond3A_129 = arith.cmpi ne, %convert_element_type3A_127, %cond3A_128 : i32
    scf.if %cond3A_129 {
      "tpu.region"() ({
        %run_scoped3A = tpu.sem_alloc : memref<!tpu.dma_semaphore, #tpu.memory_space<semaphore_mem>>
        %dma_start3A = arith.constant 1896 : i32
        %dma_start3A_190 = arith.constant 0 : i32
        %dma_start3A_191 = tpu.memref_slice %arg6[%arg0, %dma_start3A, %dma_start3A_190] : memref<2x10000x128xf32, #tpu.memory_space<hbm>> -> memref<1x632x128xf32, #tpu.memory_space<hbm>>
        %dma_start3A_192 = tpu.memref_squeeze %dma_start3A_191 : memref<1x632x128xf32, #tpu.memory_space<hbm>> -> memref<632x128xf32, #tpu.memory_space<hbm>>
        %dma_start3A_193 = arith.constant 1896 : i32
        %dma_start3A_194 = arith.constant 0 : i32
        %dma_start3A_195 = tpu.memref_slice %arg7[%dma_start3A_193, %dma_start3A_194] : memref<10000x128xf32, #tpu.memory_space<vmem_shared>> -> memref<632x128xf32, #tpu.memory_space<vmem_shared>>
        tpu.enqueue_dma source(%dma_start3A_195 : memref<632x128xf32, #tpu.memory_space<vmem_shared>>) target(%dma_start3A_192 : memref<632x128xf32, #tpu.memory_space<hbm>>) target_semaphore(%run_scoped3A : memref<!tpu.dma_semaphore, #tpu.memory_space<semaphore_mem>>)
        %dma_wait3A = arith.constant 1896 : i32
        %dma_wait3A_196 = arith.constant 0 : i32
        %dma_wait3A_197 = tpu.memref_slice %arg6[%arg0, %dma_wait3A, %dma_wait3A_196] : memref<2x10000x128xf32, #tpu.memory_space<hbm>> -> memref<1x632x128xf32, #tpu.memory_space<hbm>>
        %dma_wait3A_198 = tpu.memref_squeeze %dma_wait3A_197 : memref<1x632x128xf32, #tpu.memory_space<hbm>> -> memref<632x128xf32, #tpu.memory_space<hbm>>
        %dma_wait3A_199 = arith.constant 1896 : i32
        %dma_wait3A_200 = arith.constant 0 : i32
        %dma_wait3A_201 = tpu.memref_slice %arg7[%dma_wait3A_199, %dma_wait3A_200] : memref<10000x128xf32, #tpu.memory_space<vmem_shared>> -> memref<632x128xf32, #tpu.memory_space<vmem_shared>>
        tpu.wait_dma2 semaphore(%run_scoped3A : memref<!tpu.dma_semaphore, #tpu.memory_space<semaphore_mem>>) src(%dma_wait3A_201 : memref<632x128xf32, #tpu.memory_space<vmem_shared>>) dst(%dma_wait3A_198 : memref<632x128xf32, #tpu.memory_space<hbm>>)
        tpu.yield
      }) : () -> ()
    } else {
    }
    %eq3A_130 = arith.constant 4 : i32
    %eq3A_131 = arith.cmpi eq, %arg1, %eq3A_130 : i32
    %convert_element_type3A_132 = arith.extui %eq3A_131 : i1 to i32
    %cond3A_133 = arith.constant 0 : i32
    %cond3A_134 = arith.cmpi ne, %convert_element_type3A_132, %cond3A_133 : i32
    scf.if %cond3A_134 {
      "tpu.region"() ({
        %run_scoped3A = tpu.sem_alloc : memref<!tpu.dma_semaphore, #tpu.memory_space<semaphore_mem>>
        %dma_start3A = arith.constant 2528 : i32
        %dma_start3A_190 = arith.constant 0 : i32
        %dma_start3A_191 = tpu.memref_slice %arg6[%arg0, %dma_start3A, %dma_start3A_190] : memref<2x10000x128xf32, #tpu.memory_space<hbm>> -> memref<1x632x128xf32, #tpu.memory_space<hbm>>
        %dma_start3A_192 = tpu.memref_squeeze %dma_start3A_191 : memref<1x632x128xf32, #tpu.memory_space<hbm>> -> memref<632x128xf32, #tpu.memory_space<hbm>>
        %dma_start3A_193 = arith.constant 2528 : i32
        %dma_start3A_194 = arith.constant 0 : i32
        %dma_start3A_195 = tpu.memref_slice %arg7[%dma_start3A_193, %dma_start3A_194] : memref<10000x128xf32, #tpu.memory_space<vmem_shared>> -> memref<632x128xf32, #tpu.memory_space<vmem_shared>>
        tpu.enqueue_dma source(%dma_start3A_195 : memref<632x128xf32, #tpu.memory_space<vmem_shared>>) target(%dma_start3A_192 : memref<632x128xf32, #tpu.memory_space<hbm>>) target_semaphore(%run_scoped3A : memref<!tpu.dma_semaphore, #tpu.memory_space<semaphore_mem>>)
        %dma_wait3A = arith.constant 2528 : i32
        %dma_wait3A_196 = arith.constant 0 : i32
        %dma_wait3A_197 = tpu.memref_slice %arg6[%arg0, %dma_wait3A, %dma_wait3A_196] : memref<2x10000x128xf32, #tpu.memory_space<hbm>> -> memref<1x632x128xf32, #tpu.memory_space<hbm>>
        %dma_wait3A_198 = tpu.memref_squeeze %dma_wait3A_197 : memref<1x632x128xf32, #tpu.memory_space<hbm>> -> memref<632x128xf32, #tpu.memory_space<hbm>>
        %dma_wait3A_199 = arith.constant 2528 : i32
        %dma_wait3A_200 = arith.constant 0 : i32
        %dma_wait3A_201 = tpu.memref_slice %arg7[%dma_wait3A_199, %dma_wait3A_200] : memref<10000x128xf32, #tpu.memory_space<vmem_shared>> -> memref<632x128xf32, #tpu.memory_space<vmem_shared>>
        tpu.wait_dma2 semaphore(%run_scoped3A : memref<!tpu.dma_semaphore, #tpu.memory_space<semaphore_mem>>) src(%dma_wait3A_201 : memref<632x128xf32, #tpu.memory_space<vmem_shared>>) dst(%dma_wait3A_198 : memref<632x128xf32, #tpu.memory_space<hbm>>)
        tpu.yield
      }) : () -> ()
    } else {
    }
    %eq3A_135 = arith.constant 5 : i32
    %eq3A_136 = arith.cmpi eq, %arg1, %eq3A_135 : i32
    %convert_element_type3A_137 = arith.extui %eq3A_136 : i1 to i32
    %cond3A_138 = arith.constant 0 : i32
    %cond3A_139 = arith.cmpi ne, %convert_element_type3A_137, %cond3A_138 : i32
    scf.if %cond3A_139 {
      "tpu.region"() ({
        %run_scoped3A = tpu.sem_alloc : memref<!tpu.dma_semaphore, #tpu.memory_space<semaphore_mem>>
        %dma_start3A = arith.constant 3160 : i32
        %dma_start3A_190 = arith.constant 0 : i32
        %dma_start3A_191 = tpu.memref_slice %arg6[%arg0, %dma_start3A, %dma_start3A_190] : memref<2x10000x128xf32, #tpu.memory_space<hbm>> -> memref<1x632x128xf32, #tpu.memory_space<hbm>>
        %dma_start3A_192 = tpu.memref_squeeze %dma_start3A_191 : memref<1x632x128xf32, #tpu.memory_space<hbm>> -> memref<632x128xf32, #tpu.memory_space<hbm>>
        %dma_start3A_193 = arith.constant 3160 : i32
        %dma_start3A_194 = arith.constant 0 : i32
        %dma_start3A_195 = tpu.memref_slice %arg7[%dma_start3A_193, %dma_start3A_194] : memref<10000x128xf32, #tpu.memory_space<vmem_shared>> -> memref<632x128xf32, #tpu.memory_space<vmem_shared>>
        tpu.enqueue_dma source(%dma_start3A_195 : memref<632x128xf32, #tpu.memory_space<vmem_shared>>) target(%dma_start3A_192 : memref<632x128xf32, #tpu.memory_space<hbm>>) target_semaphore(%run_scoped3A : memref<!tpu.dma_semaphore, #tpu.memory_space<semaphore_mem>>)
        %dma_wait3A = arith.constant 3160 : i32
        %dma_wait3A_196 = arith.constant 0 : i32
        %dma_wait3A_197 = tpu.memref_slice %arg6[%arg0, %dma_wait3A, %dma_wait3A_196] : memref<2x10000x128xf32, #tpu.memory_space<hbm>> -> memref<1x632x128xf32, #tpu.memory_space<hbm>>
        %dma_wait3A_198 = tpu.memref_squeeze %dma_wait3A_197 : memref<1x632x128xf32, #tpu.memory_space<hbm>> -> memref<632x128xf32, #tpu.memory_space<hbm>>
        %dma_wait3A_199 = arith.constant 3160 : i32
        %dma_wait3A_200 = arith.constant 0 : i32
        %dma_wait3A_201 = tpu.memref_slice %arg7[%dma_wait3A_199, %dma_wait3A_200] : memref<10000x128xf32, #tpu.memory_space<vmem_shared>> -> memref<632x128xf32, #tpu.memory_space<vmem_shared>>
        tpu.wait_dma2 semaphore(%run_scoped3A : memref<!tpu.dma_semaphore, #tpu.memory_space<semaphore_mem>>) src(%dma_wait3A_201 : memref<632x128xf32, #tpu.memory_space<vmem_shared>>) dst(%dma_wait3A_198 : memref<632x128xf32, #tpu.memory_space<hbm>>)
        tpu.yield
      }) : () -> ()
    } else {
    }
    %eq3A_140 = arith.constant 6 : i32
    %eq3A_141 = arith.cmpi eq, %arg1, %eq3A_140 : i32
    %convert_element_type3A_142 = arith.extui %eq3A_141 : i1 to i32
    %cond3A_143 = arith.constant 0 : i32
    %cond3A_144 = arith.cmpi ne, %convert_element_type3A_142, %cond3A_143 : i32
    scf.if %cond3A_144 {
      "tpu.region"() ({
        %run_scoped3A = tpu.sem_alloc : memref<!tpu.dma_semaphore, #tpu.memory_space<semaphore_mem>>
        %dma_start3A = arith.constant 3792 : i32
        %dma_start3A_190 = arith.constant 0 : i32
        %dma_start3A_191 = tpu.memref_slice %arg6[%arg0, %dma_start3A, %dma_start3A_190] : memref<2x10000x128xf32, #tpu.memory_space<hbm>> -> memref<1x632x128xf32, #tpu.memory_space<hbm>>
        %dma_start3A_192 = tpu.memref_squeeze %dma_start3A_191 : memref<1x632x128xf32, #tpu.memory_space<hbm>> -> memref<632x128xf32, #tpu.memory_space<hbm>>
        %dma_start3A_193 = arith.constant 3792 : i32
        %dma_start3A_194 = arith.constant 0 : i32
        %dma_start3A_195 = tpu.memref_slice %arg7[%dma_start3A_193, %dma_start3A_194] : memref<10000x128xf32, #tpu.memory_space<vmem_shared>> -> memref<632x128xf32, #tpu.memory_space<vmem_shared>>
        tpu.enqueue_dma source(%dma_start3A_195 : memref<632x128xf32, #tpu.memory_space<vmem_shared>>) target(%dma_start3A_192 : memref<632x128xf32, #tpu.memory_space<hbm>>) target_semaphore(%run_scoped3A : memref<!tpu.dma_semaphore, #tpu.memory_space<semaphore_mem>>)
        %dma_wait3A = arith.constant 3792 : i32
        %dma_wait3A_196 = arith.constant 0 : i32
        %dma_wait3A_197 = tpu.memref_slice %arg6[%arg0, %dma_wait3A, %dma_wait3A_196] : memref<2x10000x128xf32, #tpu.memory_space<hbm>> -> memref<1x632x128xf32, #tpu.memory_space<hbm>>
        %dma_wait3A_198 = tpu.memref_squeeze %dma_wait3A_197 : memref<1x632x128xf32, #tpu.memory_space<hbm>> -> memref<632x128xf32, #tpu.memory_space<hbm>>
        %dma_wait3A_199 = arith.constant 3792 : i32
        %dma_wait3A_200 = arith.constant 0 : i32
        %dma_wait3A_201 = tpu.memref_slice %arg7[%dma_wait3A_199, %dma_wait3A_200] : memref<10000x128xf32, #tpu.memory_space<vmem_shared>> -> memref<632x128xf32, #tpu.memory_space<vmem_shared>>
        tpu.wait_dma2 semaphore(%run_scoped3A : memref<!tpu.dma_semaphore, #tpu.memory_space<semaphore_mem>>) src(%dma_wait3A_201 : memref<632x128xf32, #tpu.memory_space<vmem_shared>>) dst(%dma_wait3A_198 : memref<632x128xf32, #tpu.memory_space<hbm>>)
        tpu.yield
      }) : () -> ()
    } else {
    }
    %eq3A_145 = arith.constant 7 : i32
    %eq3A_146 = arith.cmpi eq, %arg1, %eq3A_145 : i32
    %convert_element_type3A_147 = arith.extui %eq3A_146 : i1 to i32
    %cond3A_148 = arith.constant 0 : i32
    %cond3A_149 = arith.cmpi ne, %convert_element_type3A_147, %cond3A_148 : i32
    scf.if %cond3A_149 {
      "tpu.region"() ({
        %run_scoped3A = tpu.sem_alloc : memref<!tpu.dma_semaphore, #tpu.memory_space<semaphore_mem>>
        %dma_start3A = arith.constant 4424 : i32
        %dma_start3A_190 = arith.constant 0 : i32
        %dma_start3A_191 = tpu.memref_slice %arg6[%arg0, %dma_start3A, %dma_start3A_190] : memref<2x10000x128xf32, #tpu.memory_space<hbm>> -> memref<1x632x128xf32, #tpu.memory_space<hbm>>
        %dma_start3A_192 = tpu.memref_squeeze %dma_start3A_191 : memref<1x632x128xf32, #tpu.memory_space<hbm>> -> memref<632x128xf32, #tpu.memory_space<hbm>>
        %dma_start3A_193 = arith.constant 4424 : i32
        %dma_start3A_194 = arith.constant 0 : i32
        %dma_start3A_195 = tpu.memref_slice %arg7[%dma_start3A_193, %dma_start3A_194] : memref<10000x128xf32, #tpu.memory_space<vmem_shared>> -> memref<632x128xf32, #tpu.memory_space<vmem_shared>>
        tpu.enqueue_dma source(%dma_start3A_195 : memref<632x128xf32, #tpu.memory_space<vmem_shared>>) target(%dma_start3A_192 : memref<632x128xf32, #tpu.memory_space<hbm>>) target_semaphore(%run_scoped3A : memref<!tpu.dma_semaphore, #tpu.memory_space<semaphore_mem>>)
        %dma_wait3A = arith.constant 4424 : i32
        %dma_wait3A_196 = arith.constant 0 : i32
        %dma_wait3A_197 = tpu.memref_slice %arg6[%arg0, %dma_wait3A, %dma_wait3A_196] : memref<2x10000x128xf32, #tpu.memory_space<hbm>> -> memref<1x632x128xf32, #tpu.memory_space<hbm>>
        %dma_wait3A_198 = tpu.memref_squeeze %dma_wait3A_197 : memref<1x632x128xf32, #tpu.memory_space<hbm>> -> memref<632x128xf32, #tpu.memory_space<hbm>>
        %dma_wait3A_199 = arith.constant 4424 : i32
        %dma_wait3A_200 = arith.constant 0 : i32
        %dma_wait3A_201 = tpu.memref_slice %arg7[%dma_wait3A_199, %dma_wait3A_200] : memref<10000x128xf32, #tpu.memory_space<vmem_shared>> -> memref<632x128xf32, #tpu.memory_space<vmem_shared>>
        tpu.wait_dma2 semaphore(%run_scoped3A : memref<!tpu.dma_semaphore, #tpu.memory_space<semaphore_mem>>) src(%dma_wait3A_201 : memref<632x128xf32, #tpu.memory_space<vmem_shared>>) dst(%dma_wait3A_198 : memref<632x128xf32, #tpu.memory_space<hbm>>)
        tpu.yield
      }) : () -> ()
    } else {
    }
    %eq3A_150 = arith.constant 8 : i32
    %eq3A_151 = arith.cmpi eq, %arg1, %eq3A_150 : i32
    %convert_element_type3A_152 = arith.extui %eq3A_151 : i1 to i32
    %cond3A_153 = arith.constant 0 : i32
    %cond3A_154 = arith.cmpi ne, %convert_element_type3A_152, %cond3A_153 : i32
    scf.if %cond3A_154 {
      "tpu.region"() ({
        %run_scoped3A = tpu.sem_alloc : memref<!tpu.dma_semaphore, #tpu.memory_space<semaphore_mem>>
        %dma_start3A = arith.constant 5056 : i32
        %dma_start3A_190 = arith.constant 0 : i32
        %dma_start3A_191 = tpu.memref_slice %arg6[%arg0, %dma_start3A, %dma_start3A_190] : memref<2x10000x128xf32, #tpu.memory_space<hbm>> -> memref<1x632x128xf32, #tpu.memory_space<hbm>>
        %dma_start3A_192 = tpu.memref_squeeze %dma_start3A_191 : memref<1x632x128xf32, #tpu.memory_space<hbm>> -> memref<632x128xf32, #tpu.memory_space<hbm>>
        %dma_start3A_193 = arith.constant 5056 : i32
        %dma_start3A_194 = arith.constant 0 : i32
        %dma_start3A_195 = tpu.memref_slice %arg7[%dma_start3A_193, %dma_start3A_194] : memref<10000x128xf32, #tpu.memory_space<vmem_shared>> -> memref<632x128xf32, #tpu.memory_space<vmem_shared>>
        tpu.enqueue_dma source(%dma_start3A_195 : memref<632x128xf32, #tpu.memory_space<vmem_shared>>) target(%dma_start3A_192 : memref<632x128xf32, #tpu.memory_space<hbm>>) target_semaphore(%run_scoped3A : memref<!tpu.dma_semaphore, #tpu.memory_space<semaphore_mem>>)
        %dma_wait3A = arith.constant 5056 : i32
        %dma_wait3A_196 = arith.constant 0 : i32
        %dma_wait3A_197 = tpu.memref_slice %arg6[%arg0, %dma_wait3A, %dma_wait3A_196] : memref<2x10000x128xf32, #tpu.memory_space<hbm>> -> memref<1x632x128xf32, #tpu.memory_space<hbm>>
        %dma_wait3A_198 = tpu.memref_squeeze %dma_wait3A_197 : memref<1x632x128xf32, #tpu.memory_space<hbm>> -> memref<632x128xf32, #tpu.memory_space<hbm>>
        %dma_wait3A_199 = arith.constant 5056 : i32
        %dma_wait3A_200 = arith.constant 0 : i32
        %dma_wait3A_201 = tpu.memref_slice %arg7[%dma_wait3A_199, %dma_wait3A_200] : memref<10000x128xf32, #tpu.memory_space<vmem_shared>> -> memref<632x128xf32, #tpu.memory_space<vmem_shared>>
        tpu.wait_dma2 semaphore(%run_scoped3A : memref<!tpu.dma_semaphore, #tpu.memory_space<semaphore_mem>>) src(%dma_wait3A_201 : memref<632x128xf32, #tpu.memory_space<vmem_shared>>) dst(%dma_wait3A_198 : memref<632x128xf32, #tpu.memory_space<hbm>>)
        tpu.yield
      }) : () -> ()
    } else {
    }
    %eq3A_155 = arith.constant 9 : i32
    %eq3A_156 = arith.cmpi eq, %arg1, %eq3A_155 : i32
    %convert_element_type3A_157 = arith.extui %eq3A_156 : i1 to i32
    %cond3A_158 = arith.constant 0 : i32
    %cond3A_159 = arith.cmpi ne, %convert_element_type3A_157, %cond3A_158 : i32
    scf.if %cond3A_159 {
      "tpu.region"() ({
        %run_scoped3A = tpu.sem_alloc : memref<!tpu.dma_semaphore, #tpu.memory_space<semaphore_mem>>
        %dma_start3A = arith.constant 5688 : i32
        %dma_start3A_190 = arith.constant 0 : i32
        %dma_start3A_191 = tpu.memref_slice %arg6[%arg0, %dma_start3A, %dma_start3A_190] : memref<2x10000x128xf32, #tpu.memory_space<hbm>> -> memref<1x632x128xf32, #tpu.memory_space<hbm>>
        %dma_start3A_192 = tpu.memref_squeeze %dma_start3A_191 : memref<1x632x128xf32, #tpu.memory_space<hbm>> -> memref<632x128xf32, #tpu.memory_space<hbm>>
        %dma_start3A_193 = arith.constant 5688 : i32
        %dma_start3A_194 = arith.constant 0 : i32
        %dma_start3A_195 = tpu.memref_slice %arg7[%dma_start3A_193, %dma_start3A_194] : memref<10000x128xf32, #tpu.memory_space<vmem_shared>> -> memref<632x128xf32, #tpu.memory_space<vmem_shared>>
        tpu.enqueue_dma source(%dma_start3A_195 : memref<632x128xf32, #tpu.memory_space<vmem_shared>>) target(%dma_start3A_192 : memref<632x128xf32, #tpu.memory_space<hbm>>) target_semaphore(%run_scoped3A : memref<!tpu.dma_semaphore, #tpu.memory_space<semaphore_mem>>)
        %dma_wait3A = arith.constant 5688 : i32
        %dma_wait3A_196 = arith.constant 0 : i32
        %dma_wait3A_197 = tpu.memref_slice %arg6[%arg0, %dma_wait3A, %dma_wait3A_196] : memref<2x10000x128xf32, #tpu.memory_space<hbm>> -> memref<1x632x128xf32, #tpu.memory_space<hbm>>
        %dma_wait3A_198 = tpu.memref_squeeze %dma_wait3A_197 : memref<1x632x128xf32, #tpu.memory_space<hbm>> -> memref<632x128xf32, #tpu.memory_space<hbm>>
        %dma_wait3A_199 = arith.constant 5688 : i32
        %dma_wait3A_200 = arith.constant 0 : i32
        %dma_wait3A_201 = tpu.memref_slice %arg7[%dma_wait3A_199, %dma_wait3A_200] : memref<10000x128xf32, #tpu.memory_space<vmem_shared>> -> memref<632x128xf32, #tpu.memory_space<vmem_shared>>
        tpu.wait_dma2 semaphore(%run_scoped3A : memref<!tpu.dma_semaphore, #tpu.memory_space<semaphore_mem>>) src(%dma_wait3A_201 : memref<632x128xf32, #tpu.memory_space<vmem_shared>>) dst(%dma_wait3A_198 : memref<632x128xf32, #tpu.memory_space<hbm>>)
        tpu.yield
      }) : () -> ()
    } else {
    }
    %eq3A_160 = arith.constant 10 : i32
    %eq3A_161 = arith.cmpi eq, %arg1, %eq3A_160 : i32
    %convert_element_type3A_162 = arith.extui %eq3A_161 : i1 to i32
    %cond3A_163 = arith.constant 0 : i32
    %cond3A_164 = arith.cmpi ne, %convert_element_type3A_162, %cond3A_163 : i32
    scf.if %cond3A_164 {
      "tpu.region"() ({
        %run_scoped3A = tpu.sem_alloc : memref<!tpu.dma_semaphore, #tpu.memory_space<semaphore_mem>>
        %dma_start3A = arith.constant 6320 : i32
        %dma_start3A_190 = arith.constant 0 : i32
        %dma_start3A_191 = tpu.memref_slice %arg6[%arg0, %dma_start3A, %dma_start3A_190] : memref<2x10000x128xf32, #tpu.memory_space<hbm>> -> memref<1x632x128xf32, #tpu.memory_space<hbm>>
        %dma_start3A_192 = tpu.memref_squeeze %dma_start3A_191 : memref<1x632x128xf32, #tpu.memory_space<hbm>> -> memref<632x128xf32, #tpu.memory_space<hbm>>
        %dma_start3A_193 = arith.constant 6320 : i32
        %dma_start3A_194 = arith.constant 0 : i32
        %dma_start3A_195 = tpu.memref_slice %arg7[%dma_start3A_193, %dma_start3A_194] : memref<10000x128xf32, #tpu.memory_space<vmem_shared>> -> memref<632x128xf32, #tpu.memory_space<vmem_shared>>
        tpu.enqueue_dma source(%dma_start3A_195 : memref<632x128xf32, #tpu.memory_space<vmem_shared>>) target(%dma_start3A_192 : memref<632x128xf32, #tpu.memory_space<hbm>>) target_semaphore(%run_scoped3A : memref<!tpu.dma_semaphore, #tpu.memory_space<semaphore_mem>>)
        %dma_wait3A = arith.constant 6320 : i32
        %dma_wait3A_196 = arith.constant 0 : i32
        %dma_wait3A_197 = tpu.memref_slice %arg6[%arg0, %dma_wait3A, %dma_wait3A_196] : memref<2x10000x128xf32, #tpu.memory_space<hbm>> -> memref<1x632x128xf32, #tpu.memory_space<hbm>>
        %dma_wait3A_198 = tpu.memref_squeeze %dma_wait3A_197 : memref<1x632x128xf32, #tpu.memory_space<hbm>> -> memref<632x128xf32, #tpu.memory_space<hbm>>
        %dma_wait3A_199 = arith.constant 6320 : i32
        %dma_wait3A_200 = arith.constant 0 : i32
        %dma_wait3A_201 = tpu.memref_slice %arg7[%dma_wait3A_199, %dma_wait3A_200] : memref<10000x128xf32, #tpu.memory_space<vmem_shared>> -> memref<632x128xf32, #tpu.memory_space<vmem_shared>>
        tpu.wait_dma2 semaphore(%run_scoped3A : memref<!tpu.dma_semaphore, #tpu.memory_space<semaphore_mem>>) src(%dma_wait3A_201 : memref<632x128xf32, #tpu.memory_space<vmem_shared>>) dst(%dma_wait3A_198 : memref<632x128xf32, #tpu.memory_space<hbm>>)
        tpu.yield
      }) : () -> ()
    } else {
    }
    %eq3A_165 = arith.constant 11 : i32
    %eq3A_166 = arith.cmpi eq, %arg1, %eq3A_165 : i32
    %convert_element_type3A_167 = arith.extui %eq3A_166 : i1 to i32
    %cond3A_168 = arith.constant 0 : i32
    %cond3A_169 = arith.cmpi ne, %convert_element_type3A_167, %cond3A_168 : i32
    scf.if %cond3A_169 {
      "tpu.region"() ({
        %run_scoped3A = tpu.sem_alloc : memref<!tpu.dma_semaphore, #tpu.memory_space<semaphore_mem>>
        %dma_start3A = arith.constant 6952 : i32
        %dma_start3A_190 = arith.constant 0 : i32
        %dma_start3A_191 = tpu.memref_slice %arg6[%arg0, %dma_start3A, %dma_start3A_190] : memref<2x10000x128xf32, #tpu.memory_space<hbm>> -> memref<1x632x128xf32, #tpu.memory_space<hbm>>
        %dma_start3A_192 = tpu.memref_squeeze %dma_start3A_191 : memref<1x632x128xf32, #tpu.memory_space<hbm>> -> memref<632x128xf32, #tpu.memory_space<hbm>>
        %dma_start3A_193 = arith.constant 6952 : i32
        %dma_start3A_194 = arith.constant 0 : i32
        %dma_start3A_195 = tpu.memref_slice %arg7[%dma_start3A_193, %dma_start3A_194] : memref<10000x128xf32, #tpu.memory_space<vmem_shared>> -> memref<632x128xf32, #tpu.memory_space<vmem_shared>>
        tpu.enqueue_dma source(%dma_start3A_195 : memref<632x128xf32, #tpu.memory_space<vmem_shared>>) target(%dma_start3A_192 : memref<632x128xf32, #tpu.memory_space<hbm>>) target_semaphore(%run_scoped3A : memref<!tpu.dma_semaphore, #tpu.memory_space<semaphore_mem>>)
        %dma_wait3A = arith.constant 6952 : i32
        %dma_wait3A_196 = arith.constant 0 : i32
        %dma_wait3A_197 = tpu.memref_slice %arg6[%arg0, %dma_wait3A, %dma_wait3A_196] : memref<2x10000x128xf32, #tpu.memory_space<hbm>> -> memref<1x632x128xf32, #tpu.memory_space<hbm>>
        %dma_wait3A_198 = tpu.memref_squeeze %dma_wait3A_197 : memref<1x632x128xf32, #tpu.memory_space<hbm>> -> memref<632x128xf32, #tpu.memory_space<hbm>>
        %dma_wait3A_199 = arith.constant 6952 : i32
        %dma_wait3A_200 = arith.constant 0 : i32
        %dma_wait3A_201 = tpu.memref_slice %arg7[%dma_wait3A_199, %dma_wait3A_200] : memref<10000x128xf32, #tpu.memory_space<vmem_shared>> -> memref<632x128xf32, #tpu.memory_space<vmem_shared>>
        tpu.wait_dma2 semaphore(%run_scoped3A : memref<!tpu.dma_semaphore, #tpu.memory_space<semaphore_mem>>) src(%dma_wait3A_201 : memref<632x128xf32, #tpu.memory_space<vmem_shared>>) dst(%dma_wait3A_198 : memref<632x128xf32, #tpu.memory_space<hbm>>)
        tpu.yield
      }) : () -> ()
    } else {
    }
    %eq3A_170 = arith.constant 12 : i32
    %eq3A_171 = arith.cmpi eq, %arg1, %eq3A_170 : i32
    %convert_element_type3A_172 = arith.extui %eq3A_171 : i1 to i32
    %cond3A_173 = arith.constant 0 : i32
    %cond3A_174 = arith.cmpi ne, %convert_element_type3A_172, %cond3A_173 : i32
    scf.if %cond3A_174 {
      "tpu.region"() ({
        %run_scoped3A = tpu.sem_alloc : memref<!tpu.dma_semaphore, #tpu.memory_space<semaphore_mem>>
        %dma_start3A = arith.constant 7584 : i32
        %dma_start3A_190 = arith.constant 0 : i32
        %dma_start3A_191 = tpu.memref_slice %arg6[%arg0, %dma_start3A, %dma_start3A_190] : memref<2x10000x128xf32, #tpu.memory_space<hbm>> -> memref<1x632x128xf32, #tpu.memory_space<hbm>>
        %dma_start3A_192 = tpu.memref_squeeze %dma_start3A_191 : memref<1x632x128xf32, #tpu.memory_space<hbm>> -> memref<632x128xf32, #tpu.memory_space<hbm>>
        %dma_start3A_193 = arith.constant 7584 : i32
        %dma_start3A_194 = arith.constant 0 : i32
        %dma_start3A_195 = tpu.memref_slice %arg7[%dma_start3A_193, %dma_start3A_194] : memref<10000x128xf32, #tpu.memory_space<vmem_shared>> -> memref<632x128xf32, #tpu.memory_space<vmem_shared>>
        tpu.enqueue_dma source(%dma_start3A_195 : memref<632x128xf32, #tpu.memory_space<vmem_shared>>) target(%dma_start3A_192 : memref<632x128xf32, #tpu.memory_space<hbm>>) target_semaphore(%run_scoped3A : memref<!tpu.dma_semaphore, #tpu.memory_space<semaphore_mem>>)
        %dma_wait3A = arith.constant 7584 : i32
        %dma_wait3A_196 = arith.constant 0 : i32
        %dma_wait3A_197 = tpu.memref_slice %arg6[%arg0, %dma_wait3A, %dma_wait3A_196] : memref<2x10000x128xf32, #tpu.memory_space<hbm>> -> memref<1x632x128xf32, #tpu.memory_space<hbm>>
        %dma_wait3A_198 = tpu.memref_squeeze %dma_wait3A_197 : memref<1x632x128xf32, #tpu.memory_space<hbm>> -> memref<632x128xf32, #tpu.memory_space<hbm>>
        %dma_wait3A_199 = arith.constant 7584 : i32
        %dma_wait3A_200 = arith.constant 0 : i32
        %dma_wait3A_201 = tpu.memref_slice %arg7[%dma_wait3A_199, %dma_wait3A_200] : memref<10000x128xf32, #tpu.memory_space<vmem_shared>> -> memref<632x128xf32, #tpu.memory_space<vmem_shared>>
        tpu.wait_dma2 semaphore(%run_scoped3A : memref<!tpu.dma_semaphore, #tpu.memory_space<semaphore_mem>>) src(%dma_wait3A_201 : memref<632x128xf32, #tpu.memory_space<vmem_shared>>) dst(%dma_wait3A_198 : memref<632x128xf32, #tpu.memory_space<hbm>>)
        tpu.yield
      }) : () -> ()
    } else {
    }
    %eq3A_175 = arith.constant 13 : i32
    %eq3A_176 = arith.cmpi eq, %arg1, %eq3A_175 : i32
    %convert_element_type3A_177 = arith.extui %eq3A_176 : i1 to i32
    %cond3A_178 = arith.constant 0 : i32
    %cond3A_179 = arith.cmpi ne, %convert_element_type3A_177, %cond3A_178 : i32
    scf.if %cond3A_179 {
      "tpu.region"() ({
        %run_scoped3A = tpu.sem_alloc : memref<!tpu.dma_semaphore, #tpu.memory_space<semaphore_mem>>
        %dma_start3A = arith.constant 8216 : i32
        %dma_start3A_190 = arith.constant 0 : i32
        %dma_start3A_191 = tpu.memref_slice %arg6[%arg0, %dma_start3A, %dma_start3A_190] : memref<2x10000x128xf32, #tpu.memory_space<hbm>> -> memref<1x632x128xf32, #tpu.memory_space<hbm>>
        %dma_start3A_192 = tpu.memref_squeeze %dma_start3A_191 : memref<1x632x128xf32, #tpu.memory_space<hbm>> -> memref<632x128xf32, #tpu.memory_space<hbm>>
        %dma_start3A_193 = arith.constant 8216 : i32
        %dma_start3A_194 = arith.constant 0 : i32
        %dma_start3A_195 = tpu.memref_slice %arg7[%dma_start3A_193, %dma_start3A_194] : memref<10000x128xf32, #tpu.memory_space<vmem_shared>> -> memref<632x128xf32, #tpu.memory_space<vmem_shared>>
        tpu.enqueue_dma source(%dma_start3A_195 : memref<632x128xf32, #tpu.memory_space<vmem_shared>>) target(%dma_start3A_192 : memref<632x128xf32, #tpu.memory_space<hbm>>) target_semaphore(%run_scoped3A : memref<!tpu.dma_semaphore, #tpu.memory_space<semaphore_mem>>)
        %dma_wait3A = arith.constant 8216 : i32
        %dma_wait3A_196 = arith.constant 0 : i32
        %dma_wait3A_197 = tpu.memref_slice %arg6[%arg0, %dma_wait3A, %dma_wait3A_196] : memref<2x10000x128xf32, #tpu.memory_space<hbm>> -> memref<1x632x128xf32, #tpu.memory_space<hbm>>
        %dma_wait3A_198 = tpu.memref_squeeze %dma_wait3A_197 : memref<1x632x128xf32, #tpu.memory_space<hbm>> -> memref<632x128xf32, #tpu.memory_space<hbm>>
        %dma_wait3A_199 = arith.constant 8216 : i32
        %dma_wait3A_200 = arith.constant 0 : i32
        %dma_wait3A_201 = tpu.memref_slice %arg7[%dma_wait3A_199, %dma_wait3A_200] : memref<10000x128xf32, #tpu.memory_space<vmem_shared>> -> memref<632x128xf32, #tpu.memory_space<vmem_shared>>
        tpu.wait_dma2 semaphore(%run_scoped3A : memref<!tpu.dma_semaphore, #tpu.memory_space<semaphore_mem>>) src(%dma_wait3A_201 : memref<632x128xf32, #tpu.memory_space<vmem_shared>>) dst(%dma_wait3A_198 : memref<632x128xf32, #tpu.memory_space<hbm>>)
        tpu.yield
      }) : () -> ()
    } else {
    }
    %eq3A_180 = arith.constant 14 : i32
    %eq3A_181 = arith.cmpi eq, %arg1, %eq3A_180 : i32
    %convert_element_type3A_182 = arith.extui %eq3A_181 : i1 to i32
    %cond3A_183 = arith.constant 0 : i32
    %cond3A_184 = arith.cmpi ne, %convert_element_type3A_182, %cond3A_183 : i32
    scf.if %cond3A_184 {
      "tpu.region"() ({
        %run_scoped3A = tpu.sem_alloc : memref<!tpu.dma_semaphore, #tpu.memory_space<semaphore_mem>>
        %dma_start3A = arith.constant 8848 : i32
        %dma_start3A_190 = arith.constant 0 : i32
        %dma_start3A_191 = tpu.memref_slice %arg6[%arg0, %dma_start3A, %dma_start3A_190] : memref<2x10000x128xf32, #tpu.memory_space<hbm>> -> memref<1x632x128xf32, #tpu.memory_space<hbm>>
        %dma_start3A_192 = tpu.memref_squeeze %dma_start3A_191 : memref<1x632x128xf32, #tpu.memory_space<hbm>> -> memref<632x128xf32, #tpu.memory_space<hbm>>
        %dma_start3A_193 = arith.constant 8848 : i32
        %dma_start3A_194 = arith.constant 0 : i32
        %dma_start3A_195 = tpu.memref_slice %arg7[%dma_start3A_193, %dma_start3A_194] : memref<10000x128xf32, #tpu.memory_space<vmem_shared>> -> memref<632x128xf32, #tpu.memory_space<vmem_shared>>
        tpu.enqueue_dma source(%dma_start3A_195 : memref<632x128xf32, #tpu.memory_space<vmem_shared>>) target(%dma_start3A_192 : memref<632x128xf32, #tpu.memory_space<hbm>>) target_semaphore(%run_scoped3A : memref<!tpu.dma_semaphore, #tpu.memory_space<semaphore_mem>>)
        %dma_wait3A = arith.constant 8848 : i32
        %dma_wait3A_196 = arith.constant 0 : i32
        %dma_wait3A_197 = tpu.memref_slice %arg6[%arg0, %dma_wait3A, %dma_wait3A_196] : memref<2x10000x128xf32, #tpu.memory_space<hbm>> -> memref<1x632x128xf32, #tpu.memory_space<hbm>>
        %dma_wait3A_198 = tpu.memref_squeeze %dma_wait3A_197 : memref<1x632x128xf32, #tpu.memory_space<hbm>> -> memref<632x128xf32, #tpu.memory_space<hbm>>
        %dma_wait3A_199 = arith.constant 8848 : i32
        %dma_wait3A_200 = arith.constant 0 : i32
        %dma_wait3A_201 = tpu.memref_slice %arg7[%dma_wait3A_199, %dma_wait3A_200] : memref<10000x128xf32, #tpu.memory_space<vmem_shared>> -> memref<632x128xf32, #tpu.memory_space<vmem_shared>>
        tpu.wait_dma2 semaphore(%run_scoped3A : memref<!tpu.dma_semaphore, #tpu.memory_space<semaphore_mem>>) src(%dma_wait3A_201 : memref<632x128xf32, #tpu.memory_space<vmem_shared>>) dst(%dma_wait3A_198 : memref<632x128xf32, #tpu.memory_space<hbm>>)
        tpu.yield
      }) : () -> ()
    } else {
    }
    %eq3A_185 = arith.constant 15 : i32
    %eq3A_186 = arith.cmpi eq, %arg1, %eq3A_185 : i32
    %convert_element_type3A_187 = arith.extui %eq3A_186 : i1 to i32
    %cond3A_188 = arith.constant 0 : i32
    %cond3A_189 = arith.cmpi ne, %convert_element_type3A_187, %cond3A_188 : i32
    scf.if %cond3A_189 {
      "tpu.region"() ({
        %run_scoped3A = tpu.sem_alloc : memref<!tpu.dma_semaphore, #tpu.memory_space<semaphore_mem>>
        %dma_start3A = arith.constant 9480 : i32
        %dma_start3A_190 = arith.constant 0 : i32
        %dma_start3A_191 = tpu.memref_slice %arg6[%arg0, %dma_start3A, %dma_start3A_190] : memref<2x10000x128xf32, #tpu.memory_space<hbm>> -> memref<1x520x128xf32, #tpu.memory_space<hbm>>
        %dma_start3A_192 = tpu.memref_squeeze %dma_start3A_191 : memref<1x520x128xf32, #tpu.memory_space<hbm>> -> memref<520x128xf32, #tpu.memory_space<hbm>>
        %dma_start3A_193 = arith.constant 9480 : i32
        %dma_start3A_194 = arith.constant 0 : i32
        %dma_start3A_195 = tpu.memref_slice %arg7[%dma_start3A_193, %dma_start3A_194] : memref<10000x128xf32, #tpu.memory_space<vmem_shared>> -> memref<520x128xf32, #tpu.memory_space<vmem_shared>>
        tpu.enqueue_dma source(%dma_start3A_195 : memref<520x128xf32, #tpu.memory_space<vmem_shared>>) target(%dma_start3A_192 : memref<520x128xf32, #tpu.memory_space<hbm>>) target_semaphore(%run_scoped3A : memref<!tpu.dma_semaphore, #tpu.memory_space<semaphore_mem>>)
        %dma_wait3A = arith.constant 9480 : i32
        %dma_wait3A_196 = arith.constant 0 : i32
        %dma_wait3A_197 = tpu.memref_slice %arg6[%arg0, %dma_wait3A, %dma_wait3A_196] : memref<2x10000x128xf32, #tpu.memory_space<hbm>> -> memref<1x520x128xf32, #tpu.memory_space<hbm>>
        %dma_wait3A_198 = tpu.memref_squeeze %dma_wait3A_197 : memref<1x520x128xf32, #tpu.memory_space<hbm>> -> memref<520x128xf32, #tpu.memory_space<hbm>>
        %dma_wait3A_199 = arith.constant 9480 : i32
        %dma_wait3A_200 = arith.constant 0 : i32
        %dma_wait3A_201 = tpu.memref_slice %arg7[%dma_wait3A_199, %dma_wait3A_200] : memref<10000x128xf32, #tpu.memory_space<vmem_shared>> -> memref<520x128xf32, #tpu.memory_space<vmem_shared>>
        tpu.wait_dma2 semaphore(%run_scoped3A : memref<!tpu.dma_semaphore, #tpu.memory_space<semaphore_mem>>) src(%dma_wait3A_201 : memref<520x128xf32, #tpu.memory_space<vmem_shared>>) dst(%dma_wait3A_198 : memref<520x128xf32, #tpu.memory_space<hbm>>)
        tpu.yield
      }) : () -> ()
    } else {
    }
    return
  }
}

#map = affine_map<(d0, d1) -> (0)>
#map1 = affine_map<(d0, d1) -> (0, 0)>
module attributes {stable_mosaic.version = 14 : i64} {
  func.func @_stats_body(%arg0: i32, %arg1: i32, %arg2: memref<320000xi32, #tpu.memory_space<hbm>>, %arg3: memref<2x10000xf32, #tpu.memory_space<hbm>>, %arg4: memref<10000xf32, #tpu.memory_space<vmem_shared>>, %arg5: memref<128xi32, #tpu.memory_space<vmem>>, %arg6: memref<128xf32, #tpu.memory_space<vmem>>, %arg7: memref<128xf32, #tpu.memory_space<vmem>>) attributes {dimension_semantics = [#tpu.dimension_semantics<core_parallel>, #tpu.dimension_semantics<subcore_parallel>], iteration_bounds = array<i64: 2, 16>, scalar_prefetch = 0 : i64, scratch_operands = 4 : i64, tpu.core_type = #tpu.core_type<sc_vector_subcore>, window_params = [{transform_indices = #map}, {transform_indices = #map1}]} {
    %mul3A = arith.constant 2 : i32
    %mul3A_0 = arith.muli %arg1, %mul3A : i32
    %add3A = arith.addi %mul3A_0, %arg0 : i32
    %broadcast_in_dim3A = arith.constant 1.000000e+00 : f32
    %broadcast_in_dim3A_1 = vector.broadcast %broadcast_in_dim3A : f32 to vector<16xf32>
    %swap3A = arith.constant 0 : index
    %swap3A_2 = tpu.vector_load %arg6[%swap3A] {strides = array<i32>} : memref<128xf32, #tpu.memory_space<vmem>>, vector<16xf32>,
    %swap3A_3 = vector.shape_cast %swap3A_2 : vector<16xf32> to vector<16xf32>
    %swap3A_4 = vector.shape_cast %broadcast_in_dim3A_1 : vector<16xf32> to vector<16xf32>
    tpu.vector_store %arg6[%swap3A], %swap3A_4 {strides = array<i32>} : memref<128xf32, #tpu.memory_space<vmem>>, vector<16xf32>,
    %broadcast_in_dim3A_5 = arith.constant 1.000000e+00 : f32
    %broadcast_in_dim3A_6 = vector.broadcast %broadcast_in_dim3A_5 : f32 to vector<16xf32>
    %swap3A_7 = arith.constant 16 : index
    %swap3A_8 = tpu.vector_load %arg6[%swap3A_7] {strides = array<i32>} : memref<128xf32, #tpu.memory_space<vmem>>, vector<16xf32>,
    %swap3A_9 = vector.shape_cast %swap3A_8 : vector<16xf32> to vector<16xf32>
    %swap3A_10 = vector.shape_cast %broadcast_in_dim3A_6 : vector<16xf32> to vector<16xf32>
    tpu.vector_store %arg6[%swap3A_7], %swap3A_10 {strides = array<i32>} : memref<128xf32, #tpu.memory_space<vmem>>, vector<16xf32>,
    %broadcast_in_dim3A_11 = arith.constant 1.000000e+00 : f32
    %broadcast_in_dim3A_12 = vector.broadcast %broadcast_in_dim3A_11 : f32 to vector<16xf32>
    %swap3A_13 = arith.constant 32 : index
    %swap3A_14 = tpu.vector_load %arg6[%swap3A_13] {strides = array<i32>} : memref<128xf32, #tpu.memory_space<vmem>>, vector<16xf32>,
    %swap3A_15 = vector.shape_cast %swap3A_14 : vector<16xf32> to vector<16xf32>
    %swap3A_16 = vector.shape_cast %broadcast_in_dim3A_12 : vector<16xf32> to vector<16xf32>
    tpu.vector_store %arg6[%swap3A_13], %swap3A_16 {strides = array<i32>} : memref<128xf32, #tpu.memory_space<vmem>>, vector<16xf32>,
    %broadcast_in_dim3A_17 = arith.constant 1.000000e+00 : f32
    %broadcast_in_dim3A_18 = vector.broadcast %broadcast_in_dim3A_17 : f32 to vector<16xf32>
    %swap3A_19 = arith.constant 48 : index
    %swap3A_20 = tpu.vector_load %arg6[%swap3A_19] {strides = array<i32>} : memref<128xf32, #tpu.memory_space<vmem>>, vector<16xf32>,
    %swap3A_21 = vector.shape_cast %swap3A_20 : vector<16xf32> to vector<16xf32>
    %swap3A_22 = vector.shape_cast %broadcast_in_dim3A_18 : vector<16xf32> to vector<16xf32>
    tpu.vector_store %arg6[%swap3A_19], %swap3A_22 {strides = array<i32>} : memref<128xf32, #tpu.memory_space<vmem>>, vector<16xf32>,
    %broadcast_in_dim3A_23 = arith.constant 1.000000e+00 : f32
    %broadcast_in_dim3A_24 = vector.broadcast %broadcast_in_dim3A_23 : f32 to vector<16xf32>
    %swap3A_25 = arith.constant 64 : index
    %swap3A_26 = tpu.vector_load %arg6[%swap3A_25] {strides = array<i32>} : memref<128xf32, #tpu.memory_space<vmem>>, vector<16xf32>,
    %swap3A_27 = vector.shape_cast %swap3A_26 : vector<16xf32> to vector<16xf32>
    %swap3A_28 = vector.shape_cast %broadcast_in_dim3A_24 : vector<16xf32> to vector<16xf32>
    tpu.vector_store %arg6[%swap3A_25], %swap3A_28 {strides = array<i32>} : memref<128xf32, #tpu.memory_space<vmem>>, vector<16xf32>,
    %broadcast_in_dim3A_29 = arith.constant 1.000000e+00 : f32
    %broadcast_in_dim3A_30 = vector.broadcast %broadcast_in_dim3A_29 : f32 to vector<16xf32>
    %swap3A_31 = arith.constant 80 : index
    %swap3A_32 = tpu.vector_load %arg6[%swap3A_31] {strides = array<i32>} : memref<128xf32, #tpu.memory_space<vmem>>, vector<16xf32>,
    %swap3A_33 = vector.shape_cast %swap3A_32 : vector<16xf32> to vector<16xf32>
    %swap3A_34 = vector.shape_cast %broadcast_in_dim3A_30 : vector<16xf32> to vector<16xf32>
    tpu.vector_store %arg6[%swap3A_31], %swap3A_34 {strides = array<i32>} : memref<128xf32, #tpu.memory_space<vmem>>, vector<16xf32>,
    %broadcast_in_dim3A_35 = arith.constant 1.000000e+00 : f32
    %broadcast_in_dim3A_36 = vector.broadcast %broadcast_in_dim3A_35 : f32 to vector<16xf32>
    %swap3A_37 = arith.constant 96 : index
    %swap3A_38 = tpu.vector_load %arg6[%swap3A_37] {strides = array<i32>} : memref<128xf32, #tpu.memory_space<vmem>>, vector<16xf32>,
    %swap3A_39 = vector.shape_cast %swap3A_38 : vector<16xf32> to vector<16xf32>
    %swap3A_40 = vector.shape_cast %broadcast_in_dim3A_36 : vector<16xf32> to vector<16xf32>
    tpu.vector_store %arg6[%swap3A_37], %swap3A_40 {strides = array<i32>} : memref<128xf32, #tpu.memory_space<vmem>>, vector<16xf32>,
    %broadcast_in_dim3A_41 = arith.constant 1.000000e+00 : f32
    %broadcast_in_dim3A_42 = vector.broadcast %broadcast_in_dim3A_41 : f32 to vector<16xf32>
    %swap3A_43 = arith.constant 112 : index
    %swap3A_44 = tpu.vector_load %arg6[%swap3A_43] {strides = array<i32>} : memref<128xf32, #tpu.memory_space<vmem>>, vector<16xf32>,
    %swap3A_45 = vector.shape_cast %swap3A_44 : vector<16xf32> to vector<16xf32>
    %swap3A_46 = vector.shape_cast %broadcast_in_dim3A_42 : vector<16xf32> to vector<16xf32>
    tpu.vector_store %arg6[%swap3A_43], %swap3A_46 {strides = array<i32>} : memref<128xf32, #tpu.memory_space<vmem>>, vector<16xf32>,
    %broadcast_in_dim3A_47 = arith.constant 0.000000e+00 : f32
    %broadcast_in_dim3A_48 = vector.broadcast %broadcast_in_dim3A_47 : f32 to vector<16xf32>
    %swap3A_49 = arith.constant 0 : index
    %swap3A_50 = tpu.vector_load %arg7[%swap3A_49] {strides = array<i32>} : memref<128xf32, #tpu.memory_space<vmem>>, vector<16xf32>,
    %swap3A_51 = vector.shape_cast %swap3A_50 : vector<16xf32> to vector<16xf32>
    %swap3A_52 = vector.shape_cast %broadcast_in_dim3A_48 : vector<16xf32> to vector<16xf32>
    tpu.vector_store %arg7[%swap3A_49], %swap3A_52 {strides = array<i32>} : memref<128xf32, #tpu.memory_space<vmem>>, vector<16xf32>,
    %broadcast_in_dim3A_53 = arith.constant 0.000000e+00 : f32
    %broadcast_in_dim3A_54 = vector.broadcast %broadcast_in_dim3A_53 : f32 to vector<16xf32>
    %swap3A_55 = arith.constant 16 : index
    %swap3A_56 = tpu.vector_load %arg7[%swap3A_55] {strides = array<i32>} : memref<128xf32, #tpu.memory_space<vmem>>, vector<16xf32>,
    %swap3A_57 = vector.shape_cast %swap3A_56 : vector<16xf32> to vector<16xf32>
    %swap3A_58 = vector.shape_cast %broadcast_in_dim3A_54 : vector<16xf32> to vector<16xf32>
    tpu.vector_store %arg7[%swap3A_55], %swap3A_58 {strides = array<i32>} : memref<128xf32, #tpu.memory_space<vmem>>, vector<16xf32>,
    %broadcast_in_dim3A_59 = arith.constant 0.000000e+00 : f32
    %broadcast_in_dim3A_60 = vector.broadcast %broadcast_in_dim3A_59 : f32 to vector<16xf32>
    %swap3A_61 = arith.constant 32 : index
    %swap3A_62 = tpu.vector_load %arg7[%swap3A_61] {strides = array<i32>} : memref<128xf32, #tpu.memory_space<vmem>>, vector<16xf32>,
    %swap3A_63 = vector.shape_cast %swap3A_62 : vector<16xf32> to vector<16xf32>
    %swap3A_64 = vector.shape_cast %broadcast_in_dim3A_60 : vector<16xf32> to vector<16xf32>
    tpu.vector_store %arg7[%swap3A_61], %swap3A_64 {strides = array<i32>} : memref<128xf32, #tpu.memory_space<vmem>>, vector<16xf32>,
    %broadcast_in_dim3A_65 = arith.constant 0.000000e+00 : f32
    %broadcast_in_dim3A_66 = vector.broadcast %broadcast_in_dim3A_65 : f32 to vector<16xf32>
    %swap3A_67 = arith.constant 48 : index
    %swap3A_68 = tpu.vector_load %arg7[%swap3A_67] {strides = array<i32>} : memref<128xf32, #tpu.memory_space<vmem>>, vector<16xf32>,
    %swap3A_69 = vector.shape_cast %swap3A_68 : vector<16xf32> to vector<16xf32>
    %swap3A_70 = vector.shape_cast %broadcast_in_dim3A_66 : vector<16xf32> to vector<16xf32>
    tpu.vector_store %arg7[%swap3A_67], %swap3A_70 {strides = array<i32>} : memref<128xf32, #tpu.memory_space<vmem>>, vector<16xf32>,
    %broadcast_in_dim3A_71 = arith.constant 0.000000e+00 : f32
    %broadcast_in_dim3A_72 = vector.broadcast %broadcast_in_dim3A_71 : f32 to vector<16xf32>
    %swap3A_73 = arith.constant 64 : index
    %swap3A_74 = tpu.vector_load %arg7[%swap3A_73] {strides = array<i32>} : memref<128xf32, #tpu.memory_space<vmem>>, vector<16xf32>,
    %swap3A_75 = vector.shape_cast %swap3A_74 : vector<16xf32> to vector<16xf32>
    %swap3A_76 = vector.shape_cast %broadcast_in_dim3A_72 : vector<16xf32> to vector<16xf32>
    tpu.vector_store %arg7[%swap3A_73], %swap3A_76 {strides = array<i32>} : memref<128xf32, #tpu.memory_space<vmem>>, vector<16xf32>,
    %broadcast_in_dim3A_77 = arith.constant 0.000000e+00 : f32
    %broadcast_in_dim3A_78 = vector.broadcast %broadcast_in_dim3A_77 : f32 to vector<16xf32>
    %swap3A_79 = arith.constant 80 : index
    %swap3A_80 = tpu.vector_load %arg7[%swap3A_79] {strides = array<i32>} : memref<128xf32, #tpu.memory_space<vmem>>, vector<16xf32>,
    %swap3A_81 = vector.shape_cast %swap3A_80 : vector<16xf32> to vector<16xf32>
    %swap3A_82 = vector.shape_cast %broadcast_in_dim3A_78 : vector<16xf32> to vector<16xf32>
    tpu.vector_store %arg7[%swap3A_79], %swap3A_82 {strides = array<i32>} : memref<128xf32, #tpu.memory_space<vmem>>, vector<16xf32>,
    %broadcast_in_dim3A_83 = arith.constant 0.000000e+00 : f32
    %broadcast_in_dim3A_84 = vector.broadcast %broadcast_in_dim3A_83 : f32 to vector<16xf32>
    %swap3A_85 = arith.constant 96 : index
    %swap3A_86 = tpu.vector_load %arg7[%swap3A_85] {strides = array<i32>} : memref<128xf32, #tpu.memory_space<vmem>>, vector<16xf32>,
    %swap3A_87 = vector.shape_cast %swap3A_86 : vector<16xf32> to vector<16xf32>
    %swap3A_88 = vector.shape_cast %broadcast_in_dim3A_84 : vector<16xf32> to vector<16xf32>
    tpu.vector_store %arg7[%swap3A_85], %swap3A_88 {strides = array<i32>} : memref<128xf32, #tpu.memory_space<vmem>>, vector<16xf32>,
    %broadcast_in_dim3A_89 = arith.constant 0.000000e+00 : f32
    %broadcast_in_dim3A_90 = vector.broadcast %broadcast_in_dim3A_89 : f32 to vector<16xf32>
    %swap3A_91 = arith.constant 112 : index
    %swap3A_92 = tpu.vector_load %arg7[%swap3A_91] {strides = array<i32>} : memref<128xf32, #tpu.memory_space<vmem>>, vector<16xf32>,
    %swap3A_93 = vector.shape_cast %swap3A_92 : vector<16xf32> to vector<16xf32>
    %swap3A_94 = vector.shape_cast %broadcast_in_dim3A_90 : vector<16xf32> to vector<16xf32>
    tpu.vector_store %arg7[%swap3A_91], %swap3A_94 {strides = array<i32>} : memref<128xf32, #tpu.memory_space<vmem>>, vector<16xf32>,
    %eq3A = arith.constant 0 : i32
    %eq3A_95 = arith.cmpi eq, %arg1, %eq3A : i32
    %convert_element_type3A = arith.extui %eq3A_95 : i1 to i32
    %cond3A = arith.constant 0 : i32
    %cond3A_96 = arith.cmpi ne, %convert_element_type3A, %cond3A : i32
    scf.if %cond3A_96 {
      %scan3A = arith.constant 0 : i32
      %scan3A_134 = arith.constant 0 : i32
      %scan3A_135 = arith.constant 78 : i32
      %scan3A_136 = arith.addi %scan3A_134, %scan3A_135 : i32
      %scan3A_137 = arith.constant 1 : i32
      scf.for %scan3A_139 = %scan3A_134 to %scan3A_136 step %scan3A_137  : i32 {
        %mul3A_140 = arith.constant 128 : i32
        %mul3A_141 = arith.muli %scan3A_139, %mul3A_140 : i32
        "tpu.region"() ({
          %run_scoped3A = tpu.sem_alloc : memref<!tpu.dma_semaphore, #tpu.memory_space<semaphore_mem>>
          %dma_start3A = tpu.memref_slice %arg4[%mul3A_141] : memref<10000xf32, #tpu.memory_space<vmem_shared>> -> memref<128xf32, #tpu.memory_space<vmem_shared>>
          %dma_start3A_142 = tpu.memref_slice %arg4[%mul3A_141] : memref<10000xf32, #tpu.memory_space<vmem_shared>> -> memref<128xf32, #tpu.memory_space<vmem_shared>>
          tpu.enqueue_dma source(%arg7 : memref<128xf32, #tpu.memory_space<vmem>>) target(%dma_start3A_142 : memref<128xf32, #tpu.memory_space<vmem_shared>>) target_semaphore(%run_scoped3A : memref<!tpu.dma_semaphore, #tpu.memory_space<semaphore_mem>>)
          %dma_wait3A = tpu.memref_slice %arg4[%mul3A_141] : memref<10000xf32, #tpu.memory_space<vmem_shared>> -> memref<128xf32, #tpu.memory_space<vmem_shared>>
          %dma_wait3A_143 = tpu.memref_slice %arg4[%mul3A_141] : memref<10000xf32, #tpu.memory_space<vmem_shared>> -> memref<128xf32, #tpu.memory_space<vmem_shared>>
          tpu.wait_dma2 semaphore(%run_scoped3A : memref<!tpu.dma_semaphore, #tpu.memory_space<semaphore_mem>>) src(%arg7 : memref<128xf32, #tpu.memory_space<vmem>>) dst(%dma_wait3A_143 : memref<128xf32, #tpu.memory_space<vmem_shared>>)
          tpu.yield
        }) : () -> ()
      }
      %scan3A_138 = arith.constant 78 : i32
      "tpu.region"() ({
        %run_scoped3A = tpu.sem_alloc : memref<!tpu.dma_semaphore, #tpu.memory_space<semaphore_mem>>
        %dma_start3A = arith.constant 0 : i32
        %dma_start3A_139 = tpu.memref_slice %arg7[%dma_start3A] : memref<128xf32, #tpu.memory_space<vmem>> -> memref<16xf32, #tpu.memory_space<vmem>>
        %dma_start3A_140 = arith.constant 9984 : i32
        %dma_start3A_141 = tpu.memref_slice %arg4[%dma_start3A_140] : memref<10000xf32, #tpu.memory_space<vmem_shared>> -> memref<16xf32, #tpu.memory_space<vmem_shared>>
        %dma_start3A_142 = arith.constant 9984 : i32
        %dma_start3A_143 = tpu.memref_slice %arg4[%dma_start3A_142] : memref<10000xf32, #tpu.memory_space<vmem_shared>> -> memref<16xf32, #tpu.memory_space<vmem_shared>>
        %dma_start3A_144 = arith.constant 0 : i32
        %dma_start3A_145 = tpu.memref_slice %arg7[%dma_start3A_144] : memref<128xf32, #tpu.memory_space<vmem>> -> memref<16xf32, #tpu.memory_space<vmem>>
        tpu.enqueue_dma source(%dma_start3A_145 : memref<16xf32, #tpu.memory_space<vmem>>) target(%dma_start3A_143 : memref<16xf32, #tpu.memory_space<vmem_shared>>) target_semaphore(%run_scoped3A : memref<!tpu.dma_semaphore, #tpu.memory_space<semaphore_mem>>)
        %dma_wait3A = arith.constant 0 : i32
        %dma_wait3A_146 = tpu.memref_slice %arg7[%dma_wait3A] : memref<128xf32, #tpu.memory_space<vmem>> -> memref<16xf32, #tpu.memory_space<vmem>>
        %dma_wait3A_147 = arith.constant 9984 : i32
        %dma_wait3A_148 = tpu.memref_slice %arg4[%dma_wait3A_147] : memref<10000xf32, #tpu.memory_space<vmem_shared>> -> memref<16xf32, #tpu.memory_space<vmem_shared>>
        %dma_wait3A_149 = arith.constant 9984 : i32
        %dma_wait3A_150 = tpu.memref_slice %arg4[%dma_wait3A_149] : memref<10000xf32, #tpu.memory_space<vmem_shared>> -> memref<16xf32, #tpu.memory_space<vmem_shared>>
        %dma_wait3A_151 = arith.constant 0 : i32
        %dma_wait3A_152 = tpu.memref_slice %arg7[%dma_wait3A_151] : memref<128xf32, #tpu.memory_space<vmem>> -> memref<16xf32, #tpu.memory_space<vmem>>
        tpu.wait_dma2 semaphore(%run_scoped3A : memref<!tpu.dma_semaphore, #tpu.memory_space<semaphore_mem>>) src(%dma_wait3A_152 : memref<16xf32, #tpu.memory_space<vmem>>) dst(%dma_wait3A_150 : memref<16xf32, #tpu.memory_space<vmem_shared>>)
        tpu.yield
      }) : () -> ()
    } else {
    }
    %barrier3A = arith.constant 0 : index
    tpu.barrier barrier_id(%barrier3A)
    %sub3A = arith.constant 2500 : i32
    %sub3A_97 = arith.subi %sub3A, %add3A : i32
    %add3A_98 = arith.constant 32 : i32
    %add3A_99 = arith.addi %sub3A_97, %add3A_98 : i32
    %sub3A_100 = arith.constant 1 : i32
    %sub3A_101 = arith.subi %add3A_99, %sub3A_100 : i32
    %jit3A = arith.constant 32 : i32
    %div3A = arith.divsi %sub3A_101, %jit3A : i32
    %sign3A = arith.constant 0 : i32
    %sign3A_102 = arith.cmpi sgt, %sub3A_101, %sign3A : i32
    %sign3A_103 = arith.extui %sign3A_102 : i1 to i32
    %sign3A_104 = arith.constant 0 : i32
    %sign3A_105 = arith.cmpi slt, %sub3A_101, %sign3A_104 : i32
    %sign3A_106 = arith.extui %sign3A_105 : i1 to i32
    %sign3A_107 = arith.subi %sign3A_103, %sign3A_106 : i32
    %sign3A_108 = arith.constant 0 : i32
    %sign3A_109 = arith.cmpi sgt, %jit3A, %sign3A_108 : i32
    %sign3A_110 = arith.extui %sign3A_109 : i1 to i32
    %sign3A_111 = arith.constant 0 : i32
    %sign3A_112 = arith.cmpi slt, %jit3A, %sign3A_111 : i32
    %sign3A_113 = arith.extui %sign3A_112 : i1 to i32
    %sign3A_114 = arith.subi %sign3A_110, %sign3A_113 : i32
    %ne3A = arith.cmpi ne, %sign3A_107, %sign3A_114 : i32
    %rem3A = arith.remsi %sub3A_101, %jit3A : i32
    %ne3A_115 = arith.constant 0 : i32
    %ne3A_116 = arith.cmpi ne, %rem3A, %ne3A_115 : i32
    %and3A = arith.andi %ne3A, %ne3A_116 : i1
    %sub3A_117 = arith.constant 1 : i32
    %sub3A_118 = arith.subi %div3A, %sub3A_117 : i32
    %select_n3A = arith.select %and3A, %sub3A_118, %div3A : i32
    %while3A = arith.constant 0 : i32
    %while3A_119 = arith.constant 0 : i32
    %while3A_120 = arith.subi %select_n3A, %while3A_119 : i32
    %while3A_121 = arith.addi %while3A_119, %while3A_120 : i32
    %while3A_122 = arith.constant 1 : i32
    %while3A_123 = arith.divsi %while3A_120, %while3A_122 : i32
    %while3A_124 = arith.muli %while3A_123, %while3A_122 : i32
    %while3A_125 = arith.addi %while3A_119, %while3A_124 : i32
    %while3A_126 = arith.constant 1 : i32
    scf.for %while3A_134 = %while3A_119 to %while3A_125 step %while3A_126  : i32 {
      %mul3A_135 = arith.constant 32 : i32
      %mul3A_136 = arith.muli %while3A_134, %mul3A_135 : i32
      %add3A_137 = arith.addi %add3A, %mul3A_136 : i32
      %mul3A_138 = arith.constant 128 : i32
      %mul3A_139 = arith.muli %add3A_137, %mul3A_138 : i32
      "tpu.region"() ({
        %run_scoped3A = tpu.sem_alloc : memref<!tpu.dma_semaphore, #tpu.memory_space<semaphore_mem>>
        %dma_start3A = tpu.memref_slice %arg2[%mul3A_139] : memref<320000xi32, #tpu.memory_space<hbm>> -> memref<128xi32, #tpu.memory_space<hbm>>
        %dma_start3A_140 = tpu.memref_slice %arg2[%mul3A_139] : memref<320000xi32, #tpu.memory_space<hbm>> -> memref<128xi32, #tpu.memory_space<hbm>>
        tpu.enqueue_dma source(%dma_start3A_140 : memref<128xi32, #tpu.memory_space<hbm>>) target(%arg5 : memref<128xi32, #tpu.memory_space<vmem>>) target_semaphore(%run_scoped3A : memref<!tpu.dma_semaphore, #tpu.memory_space<semaphore_mem>>)
        %dma_wait3A = tpu.memref_slice %arg2[%mul3A_139] : memref<320000xi32, #tpu.memory_space<hbm>> -> memref<128xi32, #tpu.memory_space<hbm>>
        %dma_wait3A_141 = tpu.memref_slice %arg2[%mul3A_139] : memref<320000xi32, #tpu.memory_space<hbm>> -> memref<128xi32, #tpu.memory_space<hbm>>
        tpu.wait_dma2 semaphore(%run_scoped3A : memref<!tpu.dma_semaphore, #tpu.memory_space<semaphore_mem>>) src(%dma_wait3A_141 : memref<128xi32, #tpu.memory_space<hbm>>) dst(%arg5 : memref<128xi32, #tpu.memory_space<vmem>>)
        tpu.yield
      }) : () -> ()
      "tpu.region"() ({
        %run_scoped3A = tpu.sem_alloc : memref<!tpu.dma_semaphore, #tpu.memory_space<semaphore_mem>>
        %dma_start3A = arith.constant 0 : i32
        %dma_start3A_140 = tpu.memref_slice %arg4[%dma_start3A] : memref<10000xf32, #tpu.memory_space<vmem_shared>> -> memref<10000xf32, #tpu.memory_space<vmem_shared>>
        tpu.enqueue_indirect_dma source(%arg6 : memref<128xf32, #tpu.memory_space<vmem>>) target(%dma_start3A_140 : memref<10000xf32, #tpu.memory_space<vmem_shared>>) offsets(%arg5 : memref<128xi32, #tpu.memory_space<vmem>>) semaphore(%run_scoped3A : memref<!tpu.dma_semaphore, #tpu.memory_space<semaphore_mem>>) {add = true}
        %dma_wait3A = arith.constant 0 : i32
        %dma_wait3A_141 = tpu.memref_slice %arg4[%dma_wait3A] : memref<10000xf32, #tpu.memory_space<vmem_shared>> -> memref<10000xf32, #tpu.memory_space<vmem_shared>>
        tpu.wait_indirect_dma semaphore(%run_scoped3A : memref<!tpu.dma_semaphore, #tpu.memory_space<semaphore_mem>>) src(%arg6 : memref<128xf32, #tpu.memory_space<vmem>>) dst(%dma_wait3A_141 : memref<10000xf32, #tpu.memory_space<vmem_shared>>)
        tpu.yield
      }) : () -> ()
    }
    %while3A_127 = arith.constant 1 : i32
    scf.for %while3A_134 = %while3A_125 to %while3A_121 step %while3A_127  : i32 {
      %mul3A_135 = arith.constant 32 : i32
      %mul3A_136 = arith.muli %while3A_134, %mul3A_135 : i32
      %add3A_137 = arith.addi %add3A, %mul3A_136 : i32
      %mul3A_138 = arith.constant 128 : i32
      %mul3A_139 = arith.muli %add3A_137, %mul3A_138 : i32
      "tpu.region"() ({
        %run_scoped3A = tpu.sem_alloc : memref<!tpu.dma_semaphore, #tpu.memory_space<semaphore_mem>>
        %dma_start3A = tpu.memref_slice %arg2[%mul3A_139] : memref<320000xi32, #tpu.memory_space<hbm>> -> memref<128xi32, #tpu.memory_space<hbm>>
        %dma_start3A_140 = tpu.memref_slice %arg2[%mul3A_139] : memref<320000xi32, #tpu.memory_space<hbm>> -> memref<128xi32, #tpu.memory_space<hbm>>
        tpu.enqueue_dma source(%dma_start3A_140 : memref<128xi32, #tpu.memory_space<hbm>>) target(%arg5 : memref<128xi32, #tpu.memory_space<vmem>>) target_semaphore(%run_scoped3A : memref<!tpu.dma_semaphore, #tpu.memory_space<semaphore_mem>>)
        %dma_wait3A = tpu.memref_slice %arg2[%mul3A_139] : memref<320000xi32, #tpu.memory_space<hbm>> -> memref<128xi32, #tpu.memory_space<hbm>>
        %dma_wait3A_141 = tpu.memref_slice %arg2[%mul3A_139] : memref<320000xi32, #tpu.memory_space<hbm>> -> memref<128xi32, #tpu.memory_space<hbm>>
        tpu.wait_dma2 semaphore(%run_scoped3A : memref<!tpu.dma_semaphore, #tpu.memory_space<semaphore_mem>>) src(%dma_wait3A_141 : memref<128xi32, #tpu.memory_space<hbm>>) dst(%arg5 : memref<128xi32, #tpu.memory_space<vmem>>)
        tpu.yield
      }) : () -> ()
      "tpu.region"() ({
        %run_scoped3A = tpu.sem_alloc : memref<!tpu.dma_semaphore, #tpu.memory_space<semaphore_mem>>
        %dma_start3A = arith.constant 0 : i32
        %dma_start3A_140 = tpu.memref_slice %arg4[%dma_start3A] : memref<10000xf32, #tpu.memory_space<vmem_shared>> -> memref<10000xf32, #tpu.memory_space<vmem_shared>>
        tpu.enqueue_indirect_dma source(%arg6 : memref<128xf32, #tpu.memory_space<vmem>>) target(%dma_start3A_140 : memref<10000xf32, #tpu.memory_space<vmem_shared>>) offsets(%arg5 : memref<128xi32, #tpu.memory_space<vmem>>) semaphore(%run_scoped3A : memref<!tpu.dma_semaphore, #tpu.memory_space<semaphore_mem>>) {add = true}
        %dma_wait3A = arith.constant 0 : i32
        %dma_wait3A_141 = tpu.memref_slice %arg4[%dma_wait3A] : memref<10000xf32, #tpu.memory_space<vmem_shared>> -> memref<10000xf32, #tpu.memory_space<vmem_shared>>
        tpu.wait_indirect_dma semaphore(%run_scoped3A : memref<!tpu.dma_semaphore, #tpu.memory_space<semaphore_mem>>) src(%arg6 : memref<128xf32, #tpu.memory_space<vmem>>) dst(%dma_wait3A_141 : memref<10000xf32, #tpu.memory_space<vmem_shared>>)
        tpu.yield
      }) : () -> ()
    }
    %barrier3A_128 = arith.constant 0 : index
    tpu.barrier barrier_id(%barrier3A_128)
    %eq3A_129 = arith.constant 0 : i32
    %eq3A_130 = arith.cmpi eq, %arg1, %eq3A_129 : i32
    %convert_element_type3A_131 = arith.extui %eq3A_130 : i1 to i32
    %cond3A_132 = arith.constant 0 : i32
    %cond3A_133 = arith.cmpi ne, %convert_element_type3A_131, %cond3A_132 : i32
    scf.if %cond3A_133 {
      "tpu.region"() ({
        %run_scoped3A = tpu.sem_alloc : memref<!tpu.dma_semaphore, #tpu.memory_space<semaphore_mem>>
        %dma_start3A = arith.constant 0 : i32
        %dma_start3A_134 = tpu.memref_slice %arg3[%arg0, %dma_start3A] : memref<2x10000xf32, #tpu.memory_space<hbm>> -> memref<1x10000xf32, #tpu.memory_space<hbm>>
        %dma_start3A_135 = tpu.memref_squeeze %dma_start3A_134 : memref<1x10000xf32, #tpu.memory_space<hbm>> -> memref<10000xf32, #tpu.memory_space<hbm>>
        tpu.enqueue_dma source(%arg4 : memref<10000xf32, #tpu.memory_space<vmem_shared>>) target(%dma_start3A_135 : memref<10000xf32, #tpu.memory_space<hbm>>) target_semaphore(%run_scoped3A : memref<!tpu.dma_semaphore, #tpu.memory_space<semaphore_mem>>)
        %dma_wait3A = arith.constant 0 : i32
        %dma_wait3A_136 = tpu.memref_slice %arg3[%arg0, %dma_wait3A] : memref<2x10000xf32, #tpu.memory_space<hbm>> -> memref<1x10000xf32, #tpu.memory_space<hbm>>
        %dma_wait3A_137 = tpu.memref_squeeze %dma_wait3A_136 : memref<1x10000xf32, #tpu.memory_space<hbm>> -> memref<10000xf32, #tpu.memory_space<hbm>>
        tpu.wait_dma2 semaphore(%run_scoped3A : memref<!tpu.dma_semaphore, #tpu.memory_space<semaphore_mem>>) src(%arg4 : memref<10000xf32, #tpu.memory_space<vmem_shared>>) dst(%dma_wait3A_137 : memref<10000xf32, #tpu.memory_space<hbm>>)
        tpu.yield
      }) : () -> ()
    } else {
    }
    return
  }
}

module attributes {stable_mosaic.version = 14 : i64} {
  func.func @_dense_body(%arg0: i32, %arg1: memref<1000x128xf32, #tpu.memory_space<vmem>>, %arg2: memref<1000x2xf32, #tpu.memory_space<vmem>>, %arg3: memref<128x128xf32, #tpu.memory_space<vmem>>, %arg4: memref<1x10000xi32, #tpu.memory_space<vmem>>, %arg5: memref<10000x128xf32, #tpu.memory_space<vmem>>, %arg6: memref<128x128xf32, #tpu.memory_space<vmem>>, %arg7: memref<1x128xf32, #tpu.memory_space<vmem>>, %arg8: memref<1000x128xf32, #tpu.memory_space<vmem>>, %arg9: memref<1000x1xf32, #tpu.memory_space<vmem>>, %arg10: memref<128x128xf32, #tpu.memory_space<vmem>>) attributes {dimension_semantics = [#tpu.dimension_semantics<arbitrary>], iteration_bounds = array<i64: 10>, scalar_prefetch = 0 : i64, scratch_operands = 0 : i64, tpu.core_type = #tpu.core_type<tc>, window_params = [{transform_indices = @transform_0, window_bounds = array<i64: 1000, 128>}, {transform_indices = @transform_1, window_bounds = array<i64: 1000, 2>}, {pipeline_mode = #tpu.pipeline_mode<synchronous>, transform_indices = @transform_2, window_bounds = array<i64: 128, 128>}, {pipeline_mode = #tpu.pipeline_mode<synchronous>, transform_indices = @transform_3, window_bounds = array<i64: 1, 10000>}, {pipeline_mode = #tpu.pipeline_mode<synchronous>, transform_indices = @transform_4, window_bounds = array<i64: 10000, 128>}, {pipeline_mode = #tpu.pipeline_mode<synchronous>, transform_indices = @transform_5, window_bounds = array<i64: 128, 128>}, {pipeline_mode = #tpu.pipeline_mode<synchronous>, transform_indices = @transform_6, window_bounds = array<i64: 1, 128>}, {transform_indices = @transform_7, window_bounds = array<i64: 1000, 128>}, {transform_indices = @transform_8, window_bounds = array<i64: 1000, 1>}, {pipeline_mode = #tpu.pipeline_mode<synchronous>, transform_indices = @transform_9, window_bounds = array<i64: 128, 128>}]} {
    %get3A = arith.constant 0 : index
    %get3A_0 = arith.constant 0 : index
    %get3A_1 = vector.load %arg2[%get3A, %get3A_0] : memref<1000x2xf32, #tpu.memory_space<vmem>>, vector<1000x1xf32>
    %get3A_2 = arith.constant 0 : index
    %get3A_3 = arith.constant 1 : index
    %get3A_4 = vector.load %arg2[%get3A_2, %get3A_3] : memref<1000x2xf32, #tpu.memory_space<vmem>>, vector<1000x1xf32>
    %add3A = arith.addf %get3A_1, %get3A_4 : vector<1000x1xf32>
    %add3A_5 = arith.constant 1.000000e+00 : f32
    %add3A_6 = vector.broadcast %add3A_5 : f32 to vector<1000x1xf32>
    %add3A_7 = arith.addf %add3A, %add3A_6 : vector<1000x1xf32>
    %rsqrt3A = math.rsqrt %add3A_7 : vector<1000x1xf32>
    %get3A_8 = arith.constant 0 : index
    %get3A_9 = arith.constant 0 : index
    %get3A_10 = vector.load %arg1[%get3A_8, %get3A_9] : memref<1000x128xf32, #tpu.memory_space<vmem>>, vector<1000x128xf32>
    %get3A_11 = arith.constant 0 : index
    %get3A_12 = arith.constant 0 : index
    %get3A_13 = vector.load %arg3[%get3A_11, %get3A_12] : memref<128x128xf32, #tpu.memory_space<vmem>>, vector<128x128xf32>
    %dot_general3A = arith.constant dense<0.000000e+00> : vector<1000x128xf32>
    %dot_general3A_14 = tpu.matmul %get3A_10, %get3A_13, %dot_general3A {dimension_numbers = #tpu.dot_dimension_numbers<[1], [0], [0], [1], [0, 0, 1, 1], [], []>, transpose_lhs_hint = false} : vector<1000x128xf32>, vector<128x128xf32>, vector<1000x128xf32> -> vector<1000x128xf32>
    %mul3A = vector.broadcast %rsqrt3A : vector<1000x1xf32> to vector<1000x128xf32>
    %mul3A_15 = arith.mulf %dot_general3A_14, %mul3A : vector<1000x128xf32>
    %swap3A = arith.constant 0 : index
    %swap3A_16 = arith.constant 0 : index
    %swap3A_17 = vector.load %arg8[%swap3A, %swap3A_16] : memref<1000x128xf32, #tpu.memory_space<vmem>>, vector<1000x128xf32>
    tpu.vector_store %arg8[%swap3A, %swap3A_16], %mul3A_15 {strides = array<i32>} : memref<1000x128xf32, #tpu.memory_space<vmem>>, vector<1000x128xf32>,
    %swap3A_18 = arith.constant 0 : index
    %swap3A_19 = arith.constant 0 : index
    %swap3A_20 = vector.load %arg9[%swap3A_18, %swap3A_19] : memref<1000x1xf32, #tpu.memory_space<vmem>>, vector<1000x1xf32>
    tpu.vector_store %arg9[%swap3A_18, %swap3A_19], %rsqrt3A {strides = array<i32>} : memref<1000x1xf32, #tpu.memory_space<vmem>>, vector<1000x1xf32>,
    %eq3A = arith.constant 9 : i32
    %eq3A_21 = arith.cmpi eq, %arg0, %eq3A : i32
    %convert_element_type3A = arith.extui %eq3A_21 : i1 to i32
    %cond3A = arith.constant 0 : i32
    %cond3A_22 = arith.cmpi ne, %convert_element_type3A, %cond3A : i32
    scf.if %cond3A_22 {
      %get3A_23 = arith.constant 0 : index
      %get3A_24 = arith.constant 0 : index
      %get3A_25 = vector.load %arg4[%get3A_23, %get3A_24] : memref<1x10000xi32, #tpu.memory_space<vmem>>, vector<1x10000xi32>
      %iota3A = tpu.iota {dimensions = array<i32: 0>} : vector<128x1xi32>
      %lt3A = vector.broadcast %get3A_25 : vector<1x10000xi32> to vector<128x10000xi32>
      %lt3A_26 = vector.broadcast %iota3A : vector<128x1xi32> to vector<128x10000xi32>
      %lt3A_27 = arith.cmpi slt, %lt3A, %lt3A_26 : vector<128x10000xi32>
      %convert_element_type3A_28 = arith.extui %lt3A_27 : vector<128x10000xi1> to vector<128x10000xi32>
      %convert_element_type3A_29 = arith.sitofp %convert_element_type3A_28 : vector<128x10000xi32> to vector<128x10000xf32>
      %reduce_sum3A = arith.constant dense<0.000000e+00> : vector<128xf32>
      %reduce_sum3A_30 = vector.multi_reduction <add>, %convert_element_type3A_29, %reduce_sum3A [1] : vector<128x10000xf32> to vector<128xf32>
      %broadcast_in_dim3A = vector.shape_cast %reduce_sum3A_30 : vector<128xf32> to vector<128x1xf32>
      %min3A = arith.constant 9.999000e+03 : f32
      %min3A_31 = vector.broadcast %min3A : f32 to vector<128x1xf32>
      %min3A_32 = arith.minimumf %broadcast_in_dim3A, %min3A_31 : vector<128x1xf32>
      %convert_element_type3A_33 = arith.fptosi %min3A_32 : vector<128x1xf32> to vector<128x1xi32>
      %iota3A_34 = tpu.iota {dimensions = array<i32: 1>} : vector<128x10000xi32>
      %eq3A_35 = vector.broadcast %convert_element_type3A_33 : vector<128x1xi32> to vector<128x10000xi32>
      %eq3A_36 = arith.cmpi eq, %iota3A_34, %eq3A_35 : vector<128x10000xi32>
      %convert_element_type3A_37 = arith.extui %eq3A_36 : vector<128x10000xi1> to vector<128x10000xi32>
      %convert_element_type3A_38 = arith.sitofp %convert_element_type3A_37 : vector<128x10000xi32> to vector<128x10000xf32>
      %get3A_39 = arith.constant 0 : index
      %get3A_40 = arith.constant 0 : index
      %get3A_41 = vector.load %arg5[%get3A_39, %get3A_40] : memref<10000x128xf32, #tpu.memory_space<vmem>>, vector<10000x128xf32>
      %dot_general3A_42 = arith.constant dense<0.000000e+00> : vector<128x128xf32>
      %dot_general3A_43 = tpu.matmul %convert_element_type3A_38, %get3A_41, %dot_general3A_42 {dimension_numbers = #tpu.dot_dimension_numbers<[1], [0], [0], [1], [0, 0, 1, 1], [], []>, transpose_lhs_hint = false} : vector<128x10000xf32>, vector<10000x128xf32>, vector<128x128xf32> -> vector<128x128xf32>
      %get3A_44 = arith.constant 0 : index
      %get3A_45 = arith.constant 0 : index
      %get3A_46 = vector.load %arg6[%get3A_44, %get3A_45] : memref<128x128xf32, #tpu.memory_space<vmem>>, vector<128x128xf32>
      %dot_general3A_47 = arith.constant dense<0.000000e+00> : vector<128x128xf32>
      %dot_general3A_48 = tpu.matmul %dot_general3A_43, %get3A_46, %dot_general3A_47 {dimension_numbers = #tpu.dot_dimension_numbers<[1], [0], [0], [1], [0, 0, 1, 1], [], []>, transpose_lhs_hint = false} : vector<128x128xf32>, vector<128x128xf32>, vector<128x128xf32> -> vector<128x128xf32>
      %get3A_49 = arith.constant 0 : index
      %get3A_50 = arith.constant 0 : index
      %get3A_51 = vector.load %arg7[%get3A_49, %get3A_50] : memref<1x128xf32, #tpu.memory_space<vmem>>, vector<1x128xf32>
      %add3A_52 = vector.broadcast %get3A_51 : vector<1x128xf32> to vector<128x128xf32>
      %add3A_53 = arith.addf %dot_general3A_48, %add3A_52 : vector<128x128xf32>
      %max3A = arith.constant 0.000000e+00 : f32
      %max3A_54 = vector.broadcast %max3A : f32 to vector<128x128xf32>
      %max3A_55 = arith.maximumf %add3A_53, %max3A_54 : vector<128x128xf32>
      %swap3A_56 = arith.constant 0 : index
      %swap3A_57 = arith.constant 0 : index
      %swap3A_58 = vector.load %arg10[%swap3A_56, %swap3A_57] : memref<128x128xf32, #tpu.memory_space<vmem>>, vector<128x128xf32>
      tpu.vector_store %arg10[%swap3A_56, %swap3A_57], %max3A_55 {strides = array<i32>} : memref<128x128xf32, #tpu.memory_space<vmem>>, vector<128x128xf32>,
    } else {
    }
    return
  }
  func.func @transform_0(%arg0: i32) -> (i32, i32) {
    %c0_i32 = arith.constant 0 : i32
    %c0_i32_0 = arith.constant 0 : i32
    return %arg0, %c0_i32 : i32, i32
  }
  func.func @transform_1(%arg0: i32) -> (i32, i32) {
    %c0_i32 = arith.constant 0 : i32
    %c0_i32_0 = arith.constant 0 : i32
    return %arg0, %c0_i32 : i32, i32
  }
  func.func @transform_2(%arg0: i32) -> (i32, i32) {
    %c0_i32 = arith.constant 0 : i32
    %c0_i32_0 = arith.constant 0 : i32
    %c0_i32_1 = arith.constant 0 : i32
    return %c0_i32, %c0_i32_0 : i32, i32
  }
  func.func @transform_3(%arg0: i32) -> (i32, i32) {
    %c0_i32 = arith.constant 0 : i32
    %c0_i32_0 = arith.constant 0 : i32
    %c0_i32_1 = arith.constant 0 : i32
    return %c0_i32, %c0_i32_0 : i32, i32
  }
  func.func @transform_4(%arg0: i32) -> (i32, i32) {
    %c0_i32 = arith.constant 0 : i32
    %c0_i32_0 = arith.constant 0 : i32
    %c0_i32_1 = arith.constant 0 : i32
    return %c0_i32, %c0_i32_0 : i32, i32
  }
  func.func @transform_5(%arg0: i32) -> (i32, i32) {
    %c0_i32 = arith.constant 0 : i32
    %c0_i32_0 = arith.constant 0 : i32
    %c0_i32_1 = arith.constant 0 : i32
    return %c0_i32, %c0_i32_0 : i32, i32
  }
  func.func @transform_6(%arg0: i32) -> (i32, i32) {
    %c0_i32 = arith.constant 0 : i32
    %c0_i32_0 = arith.constant 0 : i32
    %c0_i32_1 = arith.constant 0 : i32
    return %c0_i32, %c0_i32_0 : i32, i32
  }
  func.func @transform_7(%arg0: i32) -> (i32, i32) {
    %c0_i32 = arith.constant 0 : i32
    %c0_i32_0 = arith.constant 0 : i32
    return %arg0, %c0_i32 : i32, i32
  }
  func.func @transform_8(%arg0: i32) -> (i32, i32) {
    %c0_i32 = arith.constant 0 : i32
    %c0_i32_0 = arith.constant 0 : i32
    return %arg0, %c0_i32 : i32, i32
  }
  func.func @transform_9(%arg0: i32) -> (i32, i32) {
    %c0_i32 = arith.constant 0 : i32
    %c0_i32_0 = arith.constant 0 : i32
    %c0_i32_1 = arith.constant 0 : i32
    return %c0_i32, %c0_i32_0 : i32, i32
  }
}

module attributes {stable_mosaic.version = 14 : i64} {
  func.func @_readout_body(%arg0: i32, %arg1: memref<1000x128xf32, #tpu.memory_space<vmem>>, %arg2: memref<1000x1xf32, #tpu.memory_space<vmem>>, %arg3: memref<2x1000x128xf32, #tpu.memory_space<vmem>>, %arg4: memref<1x128xf32, #tpu.memory_space<vmem>>, %arg5: memref<1000x1xi32, #tpu.memory_space<vmem>>, %arg6: memref<128x128xf32, #tpu.memory_space<vmem>>, %arg7: memref<256x128xf32, #tpu.memory_space<vmem>>, %arg8: memref<1x128xf32, #tpu.memory_space<vmem>>, %arg9: memref<128x2xf32, #tpu.memory_space<vmem>>, %arg10: memref<1x2xf32, #tpu.memory_space<vmem>>, %arg11: memref<128x2xf32, #tpu.memory_space<vmem>>, %arg12: memref<128x128xf32, #tpu.memory_space<vmem>>) attributes {dimension_semantics = [#tpu.dimension_semantics<arbitrary>], iteration_bounds = array<i64: 10>, scalar_prefetch = 0 : i64, scratch_operands = 1 : i64, tpu.core_type = #tpu.core_type<tc>, window_params = [{transform_indices = @transform_0, window_bounds = array<i64: 1000, 128>}, {transform_indices = @transform_1, window_bounds = array<i64: 1000, 1>}, {transform_indices = @transform_2, window_bounds = array<i64: 2, 1000, 128>}, {pipeline_mode = #tpu.pipeline_mode<synchronous>, transform_indices = @transform_3, window_bounds = array<i64: 1, 128>}, {transform_indices = @transform_4, window_bounds = array<i64: 1000, 1>}, {pipeline_mode = #tpu.pipeline_mode<synchronous>, transform_indices = @transform_5, window_bounds = array<i64: 128, 128>}, {pipeline_mode = #tpu.pipeline_mode<synchronous>, transform_indices = @transform_6, window_bounds = array<i64: 256, 128>}, {pipeline_mode = #tpu.pipeline_mode<synchronous>, transform_indices = @transform_7, window_bounds = array<i64: 1, 128>}, {pipeline_mode = #tpu.pipeline_mode<synchronous>, transform_indices = @transform_8, window_bounds = array<i64: 128, 2>}, {pipeline_mode = #tpu.pipeline_mode<synchronous>, transform_indices = @transform_9, window_bounds = array<i64: 1, 2>}, {pipeline_mode = #tpu.pipeline_mode<synchronous>, transform_indices = @transform_10, window_bounds = array<i64: 128, 2>}]} {
    %eq3A = arith.constant 0 : i32
    %eq3A_0 = arith.cmpi eq, %arg0, %eq3A : i32
    %convert_element_type3A = arith.extui %eq3A_0 : i1 to i32
    %cond3A = arith.constant 0 : i32
    %cond3A_1 = arith.cmpi ne, %convert_element_type3A, %cond3A : i32
    scf.if %cond3A_1 {
      %broadcast_in_dim3A = arith.constant 0xFF800000 : f32
      %broadcast_in_dim3A_52 = vector.broadcast %broadcast_in_dim3A : f32 to vector<128x128xf32>
      %swap3A = arith.constant 0 : index
      %swap3A_53 = arith.constant 0 : index
      %swap3A_54 = vector.load %arg12[%swap3A, %swap3A_53] : memref<128x128xf32, #tpu.memory_space<vmem>>, vector<128x128xf32>
      tpu.vector_store %arg12[%swap3A, %swap3A_53], %broadcast_in_dim3A_52 {strides = array<i32>} : memref<128x128xf32, #tpu.memory_space<vmem>>, vector<128x128xf32>,
    } else {
    }
    %get3A = arith.constant 0 : index
    %get3A_2 = arith.constant 0 : index
    %get3A_3 = arith.constant 0 : index
    %get3A_4 = vector.load %arg3[%get3A, %get3A_2, %get3A_3] : memref<2x1000x128xf32, #tpu.memory_space<vmem>>, vector<1x1000x128xf32>
    %get3A_5 = vector.shape_cast %get3A_4 : vector<1x1000x128xf32> to vector<1000x128xf32>
    %get3A_6 = arith.constant 1 : index
    %get3A_7 = arith.constant 0 : index
    %get3A_8 = arith.constant 0 : index
    %get3A_9 = vector.load %arg3[%get3A_6, %get3A_7, %get3A_8] : memref<2x1000x128xf32, #tpu.memory_space<vmem>>, vector<1x1000x128xf32>
    %get3A_10 = vector.shape_cast %get3A_9 : vector<1x1000x128xf32> to vector<1000x128xf32>
    %add3A = arith.addf %get3A_5, %get3A_10 : vector<1000x128xf32>
    %get3A_11 = arith.constant 0 : index
    %get3A_12 = arith.constant 0 : index
    %get3A_13 = vector.load %arg1[%get3A_11, %get3A_12] : memref<1000x128xf32, #tpu.memory_space<vmem>>, vector<1000x128xf32>
    %add3A_14 = arith.addf %add3A, %get3A_13 : vector<1000x128xf32>
    %get3A_15 = arith.constant 0 : index
    %get3A_16 = arith.constant 0 : index
    %get3A_17 = vector.load %arg2[%get3A_15, %get3A_16] : memref<1000x1xf32, #tpu.memory_space<vmem>>, vector<1000x1xf32>
    %mul3A = vector.broadcast %get3A_17 : vector<1000x1xf32> to vector<1000x128xf32>
    %mul3A_18 = arith.mulf %add3A_14, %mul3A : vector<1000x128xf32>
    %get3A_19 = arith.constant 0 : index
    %get3A_20 = arith.constant 0 : index
    %get3A_21 = vector.load %arg4[%get3A_19, %get3A_20] : memref<1x128xf32, #tpu.memory_space<vmem>>, vector<1x128xf32>
    %add3A_22 = vector.broadcast %get3A_21 : vector<1x128xf32> to vector<1000x128xf32>
    %add3A_23 = arith.addf %mul3A_18, %add3A_22 : vector<1000x128xf32>
    %max3A = arith.constant 0.000000e+00 : f32
    %max3A_24 = vector.broadcast %max3A : f32 to vector<1000x128xf32>
    %max3A_25 = arith.maximumf %add3A_23, %max3A_24 : vector<1000x128xf32>
    %get3A_26 = arith.constant 0 : index
    %get3A_27 = arith.constant 0 : index
    %get3A_28 = vector.load %arg5[%get3A_26, %get3A_27] : memref<1000x1xi32, #tpu.memory_space<vmem>>, vector<1000x1xi32>
    %reduce_min3A = vector.shape_cast %get3A_28 : vector<1000x1xi32> to vector<1x1000x1xi32>
    %reduce_min3A_29 = arith.constant dense<2147483647> : vector<1xi32>
    %reduce_min3A_30 = vector.multi_reduction <minsi>, %reduce_min3A, %reduce_min3A_29 [1, 2] : vector<1x1000x1xi32> to vector<1xi32>
    %reduce_min3A_31 = vector.shape_cast %reduce_min3A_30 : vector<1xi32> to vector<1x1x1xi32>
    %reduce_min3A_32 = vector.extract %reduce_min3A_31[0, 0, 0] : i32 from vector<1x1x1xi32>
    %reduce_max3A = vector.shape_cast %get3A_28 : vector<1000x1xi32> to vector<1x1000x1xi32>
    %reduce_max3A_33 = arith.constant dense<-2147483648> : vector<1xi32>
    %reduce_max3A_34 = vector.multi_reduction <maxsi>, %reduce_max3A, %reduce_max3A_33 [1, 2] : vector<1x1000x1xi32> to vector<1xi32>
    %reduce_max3A_35 = vector.shape_cast %reduce_max3A_34 : vector<1xi32> to vector<1x1x1xi32>
    %reduce_max3A_36 = vector.extract %reduce_max3A_35[0, 0, 0] : i32 from vector<1x1x1xi32>
    %add3A_37 = arith.constant 1 : i32
    %add3A_38 = arith.addi %reduce_max3A_36, %add3A_37 : i32
    %while3A = arith.constant 0 : i32
    %while3A_39 = arith.subi %add3A_38, %reduce_min3A_32 : i32
    %while3A_40 = arith.addi %reduce_min3A_32, %while3A_39 : i32
    %while3A_41 = arith.constant 1 : i32
    %while3A_42 = arith.divsi %while3A_39, %while3A_41 : i32
    %while3A_43 = arith.muli %while3A_42, %while3A_41 : i32
    %while3A_44 = arith.addi %reduce_min3A_32, %while3A_43 : i32
    %while3A_45 = arith.constant 1 : i32
    scf.for %while3A_52 = %reduce_min3A_32 to %while3A_44 step %while3A_45  : i32 {
      %eq3A_53 = vector.broadcast %while3A_52 : i32 to vector<1000x1xi32>
      %eq3A_54 = arith.cmpi eq, %get3A_28, %eq3A_53 : vector<1000x1xi32>
      %jit3A = arith.constant 0xFF800000 : f32
      %broadcast_in_dim3A = vector.shape_cast %eq3A_54 : vector<1000x1xi1> to vector<1000x1xi1>
      %broadcast_in_dim3A_55 = vector.broadcast %broadcast_in_dim3A : vector<1000x1xi1> to vector<1000x128xi1>
      %broadcast_in_dim3A_56 = vector.broadcast %jit3A : f32 to vector<1000x128xf32>
      %select_n3A = arith.select %broadcast_in_dim3A_55, %max3A_25, %broadcast_in_dim3A_56 : vector<1000x128xi1>, vector<1000x128xf32>
      %reduce_max3A_57 = arith.constant dense<0xFF800000> : vector<128xf32>
      %reduce_max3A_58 = vector.multi_reduction <maximumf>, %select_n3A, %reduce_max3A_57 [0] : vector<1000x128xf32> to vector<128xf32>
      %broadcast_in_dim3A_59 = vector.shape_cast %reduce_max3A_58 : vector<128xf32> to vector<1x128xf32>
      %get3A_60 = arith.index_cast %while3A_52 : i32 to index
      %get3A_61 = arith.constant 0 : index
      %get3A_62 = vector.load %arg12[%get3A_60, %get3A_61] : memref<128x128xf32, #tpu.memory_space<vmem>>, vector<1x128xf32>
      %max3A_63 = arith.maximumf %get3A_62, %broadcast_in_dim3A_59 : vector<1x128xf32>
      %swap3A = arith.index_cast %while3A_52 : i32 to index
      %swap3A_64 = arith.constant 0 : index
      %swap3A_65 = vector.load %arg12[%swap3A, %swap3A_64] : memref<128x128xf32, #tpu.memory_space<vmem>>, vector<1x128xf32>
      tpu.vector_store %arg12[%swap3A, %swap3A_64], %max3A_63 {strides = array<i32>} : memref<128x128xf32, #tpu.memory_space<vmem>>, vector<1x128xf32>,
    }
    %while3A_46 = arith.constant 1 : i32
    scf.for %while3A_52 = %while3A_44 to %while3A_40 step %while3A_46  : i32 {
      %eq3A_53 = vector.broadcast %while3A_52 : i32 to vector<1000x1xi32>
      %eq3A_54 = arith.cmpi eq, %get3A_28, %eq3A_53 : vector<1000x1xi32>
      %jit3A = arith.constant 0xFF800000 : f32
      %broadcast_in_dim3A = vector.shape_cast %eq3A_54 : vector<1000x1xi1> to vector<1000x1xi1>
      %broadcast_in_dim3A_55 = vector.broadcast %broadcast_in_dim3A : vector<1000x1xi1> to vector<1000x128xi1>
      %broadcast_in_dim3A_56 = vector.broadcast %jit3A : f32 to vector<1000x128xf32>
      %select_n3A = arith.select %broadcast_in_dim3A_55, %max3A_25, %broadcast_in_dim3A_56 : vector<1000x128xi1>, vector<1000x128xf32>
      %reduce_max3A_57 = arith.constant dense<0xFF800000> : vector<128xf32>
      %reduce_max3A_58 = vector.multi_reduction <maximumf>, %select_n3A, %reduce_max3A_57 [0] : vector<1000x128xf32> to vector<128xf32>
      %broadcast_in_dim3A_59 = vector.shape_cast %reduce_max3A_58 : vector<128xf32> to vector<1x128xf32>
      %get3A_60 = arith.index_cast %while3A_52 : i32 to index
      %get3A_61 = arith.constant 0 : index
      %get3A_62 = vector.load %arg12[%get3A_60, %get3A_61] : memref<128x128xf32, #tpu.memory_space<vmem>>, vector<1x128xf32>
      %max3A_63 = arith.maximumf %get3A_62, %broadcast_in_dim3A_59 : vector<1x128xf32>
      %swap3A = arith.index_cast %while3A_52 : i32 to index
      %swap3A_64 = arith.constant 0 : index
      %swap3A_65 = vector.load %arg12[%swap3A, %swap3A_64] : memref<128x128xf32, #tpu.memory_space<vmem>>, vector<1x128xf32>
      tpu.vector_store %arg12[%swap3A, %swap3A_64], %max3A_63 {strides = array<i32>} : memref<128x128xf32, #tpu.memory_space<vmem>>, vector<1x128xf32>,
    }
    %eq3A_47 = arith.constant 9 : i32
    %eq3A_48 = arith.cmpi eq, %arg0, %eq3A_47 : i32
    %convert_element_type3A_49 = arith.extui %eq3A_48 : i1 to i32
    %cond3A_50 = arith.constant 0 : i32
    %cond3A_51 = arith.cmpi ne, %convert_element_type3A_49, %cond3A_50 : i32
    scf.if %cond3A_51 {
      %get3A_52 = arith.constant 0 : index
      %get3A_53 = arith.constant 0 : index
      %get3A_54 = vector.load %arg12[%get3A_52, %get3A_53] : memref<128x128xf32, #tpu.memory_space<vmem>>, vector<128x128xf32>
      %get3A_55 = arith.constant 0 : index
      %get3A_56 = arith.constant 0 : index
      %get3A_57 = vector.load %arg7[%get3A_55, %get3A_56] : memref<256x128xf32, #tpu.memory_space<vmem>>, vector<128x128xf32>
      %dot_general3A = arith.constant dense<0.000000e+00> : vector<128x128xf32>
      %dot_general3A_58 = tpu.matmul %get3A_54, %get3A_57, %dot_general3A {dimension_numbers = #tpu.dot_dimension_numbers<[1], [0], [0], [1], [0, 0, 1, 1], [], []>, transpose_lhs_hint = false} : vector<128x128xf32>, vector<128x128xf32>, vector<128x128xf32> -> vector<128x128xf32>
      %get3A_59 = arith.constant 0 : index
      %get3A_60 = arith.constant 0 : index
      %get3A_61 = vector.load %arg6[%get3A_59, %get3A_60] : memref<128x128xf32, #tpu.memory_space<vmem>>, vector<128x128xf32>
      %get3A_62 = arith.constant 128 : index
      %get3A_63 = arith.constant 0 : index
      %get3A_64 = vector.load %arg7[%get3A_62, %get3A_63] : memref<256x128xf32, #tpu.memory_space<vmem>>, vector<128x128xf32>
      %dot_general3A_65 = arith.constant dense<0.000000e+00> : vector<128x128xf32>
      %dot_general3A_66 = tpu.matmul %get3A_61, %get3A_64, %dot_general3A_65 {dimension_numbers = #tpu.dot_dimension_numbers<[1], [0], [0], [1], [0, 0, 1, 1], [], []>, transpose_lhs_hint = false} : vector<128x128xf32>, vector<128x128xf32>, vector<128x128xf32> -> vector<128x128xf32>
      %add3A_67 = arith.addf %dot_general3A_58, %dot_general3A_66 : vector<128x128xf32>
      %get3A_68 = arith.constant 0 : index
      %get3A_69 = arith.constant 0 : index
      %get3A_70 = vector.load %arg8[%get3A_68, %get3A_69] : memref<1x128xf32, #tpu.memory_space<vmem>>, vector<1x128xf32>
      %add3A_71 = vector.broadcast %get3A_70 : vector<1x128xf32> to vector<128x128xf32>
      %add3A_72 = arith.addf %add3A_67, %add3A_71 : vector<128x128xf32>
      %max3A_73 = arith.constant 0.000000e+00 : f32
      %max3A_74 = vector.broadcast %max3A_73 : f32 to vector<128x128xf32>
      %max3A_75 = arith.maximumf %add3A_72, %max3A_74 : vector<128x128xf32>
      %get3A_76 = arith.constant 0 : index
      %get3A_77 = arith.constant 0 : index
      %get3A_78 = vector.load %arg9[%get3A_76, %get3A_77] : memref<128x2xf32, #tpu.memory_space<vmem>>, vector<128x2xf32>
      %dot_general3A_79 = arith.constant dense<0.000000e+00> : vector<128x2xf32>
      %dot_general3A_80 = tpu.matmul %max3A_75, %get3A_78, %dot_general3A_79 {dimension_numbers = #tpu.dot_dimension_numbers<[1], [0], [0], [1], [0, 0, 1, 1], [], []>, transpose_lhs_hint = false} : vector<128x128xf32>, vector<128x2xf32>, vector<128x2xf32> -> vector<128x2xf32>
      %get3A_81 = arith.constant 0 : index
      %get3A_82 = arith.constant 0 : index
      %get3A_83 = vector.load %arg10[%get3A_81, %get3A_82] : memref<1x2xf32, #tpu.memory_space<vmem>>, vector<1x2xf32>
      %add3A_84 = vector.broadcast %get3A_83 : vector<1x2xf32> to vector<128x2xf32>
      %add3A_85 = arith.addf %dot_general3A_80, %add3A_84 : vector<128x2xf32>
      %reduce_max3A_86 = arith.constant dense<0xFF800000> : vector<128xf32>
      %reduce_max3A_87 = vector.multi_reduction <maximumf>, %add3A_85, %reduce_max3A_86 [1] : vector<128x2xf32> to vector<128xf32>
      %broadcast_in_dim3A = vector.shape_cast %reduce_max3A_87 : vector<128xf32> to vector<128x1xf32>
      %sub3A = vector.broadcast %broadcast_in_dim3A : vector<128x1xf32> to vector<128x2xf32>
      %sub3A_88 = arith.subf %add3A_85, %sub3A : vector<128x2xf32>
      %exp3A = math.exp %sub3A_88 : vector<128x2xf32>
      %reduce_sum3A = arith.constant dense<0.000000e+00> : vector<128xf32>
      %reduce_sum3A_89 = vector.multi_reduction <add>, %exp3A, %reduce_sum3A [1] : vector<128x2xf32> to vector<128xf32>
      %broadcast_in_dim3A_90 = vector.shape_cast %reduce_sum3A_89 : vector<128xf32> to vector<128x1xf32>
      %log3A = math.log %broadcast_in_dim3A_90 : vector<128x1xf32>
      %add3A_91 = arith.addf %broadcast_in_dim3A, %log3A : vector<128x1xf32>
      %sub3A_92 = vector.broadcast %add3A_91 : vector<128x1xf32> to vector<128x2xf32>
      %sub3A_93 = arith.subf %add3A_85, %sub3A_92 : vector<128x2xf32>
      %swap3A = arith.constant 0 : index
      %swap3A_94 = arith.constant 0 : index
      %swap3A_95 = vector.load %arg11[%swap3A, %swap3A_94] : memref<128x2xf32, #tpu.memory_space<vmem>>, vector<128x2xf32>
      tpu.vector_store %arg11[%swap3A, %swap3A_94], %sub3A_93 {strides = array<i32>} : memref<128x2xf32, #tpu.memory_space<vmem>>, vector<128x2xf32>,
    } else {
    }
    return
  }
  func.func @transform_0(%arg0: i32) -> (i32, i32) {
    %c0_i32 = arith.constant 0 : i32
    %c0_i32_0 = arith.constant 0 : i32
    return %arg0, %c0_i32 : i32, i32
  }
  func.func @transform_1(%arg0: i32) -> (i32, i32) {
    %c0_i32 = arith.constant 0 : i32
    %c0_i32_0 = arith.constant 0 : i32
    return %arg0, %c0_i32 : i32, i32
  }
  func.func @transform_2(%arg0: i32) -> (i32, i32, i32) {
    %c0_i32 = arith.constant 0 : i32
    %c0_i32_0 = arith.constant 0 : i32
    %c0_i32_1 = arith.constant 0 : i32
    return %c0_i32, %arg0, %c0_i32_0 : i32, i32, i32
  }
  func.func @transform_3(%arg0: i32) -> (i32, i32) {
    %c0_i32 = arith.constant 0 : i32
    %c0_i32_0 = arith.constant 0 : i32
    %c0_i32_1 = arith.constant 0 : i32
    return %c0_i32, %c0_i32_0 : i32, i32
  }
  func.func @transform_4(%arg0: i32) -> (i32, i32) {
    %c0_i32 = arith.constant 0 : i32
    %c0_i32_0 = arith.constant 0 : i32
    return %arg0, %c0_i32 : i32, i32
  }
  func.func @transform_5(%arg0: i32) -> (i32, i32) {
    %c0_i32 = arith.constant 0 : i32
    %c0_i32_0 = arith.constant 0 : i32
    %c0_i32_1 = arith.constant 0 : i32
    return %c0_i32, %c0_i32_0 : i32, i32
  }
  func.func @transform_6(%arg0: i32) -> (i32, i32) {
    %c0_i32 = arith.constant 0 : i32
    %c0_i32_0 = arith.constant 0 : i32
    %c0_i32_1 = arith.constant 0 : i32
    return %c0_i32, %c0_i32_0 : i32, i32
  }
  func.func @transform_7(%arg0: i32) -> (i32, i32) {
    %c0_i32 = arith.constant 0 : i32
    %c0_i32_0 = arith.constant 0 : i32
    %c0_i32_1 = arith.constant 0 : i32
    return %c0_i32, %c0_i32_0 : i32, i32
  }
  func.func @transform_8(%arg0: i32) -> (i32, i32) {
    %c0_i32 = arith.constant 0 : i32
    %c0_i32_0 = arith.constant 0 : i32
    %c0_i32_1 = arith.constant 0 : i32
    return %c0_i32, %c0_i32_0 : i32, i32
  }
  func.func @transform_9(%arg0: i32) -> (i32, i32) {
    %c0_i32 = arith.constant 0 : i32
    %c0_i32_0 = arith.constant 0 : i32
    %c0_i32_1 = arith.constant 0 : i32
    return %c0_i32, %c0_i32_0 : i32, i32
  }
  func.func @transform_10(%arg0: i32) -> (i32, i32) {
    %c0_i32 = arith.constant 0 : i32
    %c0_i32_0 = arith.constant 0 : i32
    %c0_i32_1 = arith.constant 0 : i32
    return %c0_i32, %c0_i32_0 : i32, i32
  }
}

</mosaic_0001>

<sc_bundles>
// kernel: kernel.6.cloned.1.call-start
scs
__scs_entry_jumppad:
0x0: {  	(pc) =	sbr.rel $0x88, $3  }
0x1: {  	(tag) =	ssettag $0x0;
	lr =	simm.s32 $0x1  }
0x2: {  	[smem:$0x3F96] =	sst lr;
	_ =	strace $0xD0000000  }
0x3: {  	_ = 	snop  }
0x4: {  	_ = 	snop  }
0x5: {  	_ = 	snop  }
0x6: {  	_ = 	snop  }
0x7: {  	_ = 	snop  }
__scs_overlays_trampoline_lowered:
0x8: {  	[smem:$0x3FA5] =	sst s0  }
0x9: {  	[smem:$0x3FA6] =	sst s1  }
0xa: {  	[smem:$0x3FA7] =	sst s2  }
0xb: {  	[smem:$0x3FA8] =	sst s3  }
0xc: {  	[smem:$0x3FA9] =	sst s4  }
0xd: {  	[smem:$0x3FAA] =	sst s5  }
0xe: {  	[smem:$0x3FAB] =	sst s6  }
0xf: {  	[smem:$0x3FAC] =	sst s7  }
0x10: {  	[smem:$0x3FAD] =	sst s8  }
0x11: {  	[smem:$0x3FAE] =	sst s9;
	s0 =	simm.s32 @!p0 $0x0  }
0x12: {  	s1 =	sld [smem:$0x3F94];
	s0 =	simm.s32 @p0 $0x1  }
0x13: {  	[smem:$0x3FAF] =	sst s0;
	s0 =	simm.s32 @!p1 $0x0  }
0x14: {  	s2 =	sld [smem:$0x3F93];
	s0 =	simm.s32 @p1 $0x1  }
0x15: {  	[smem:$0x3FB0] =	sst s0;
	s0 =	simm.s32 @!p2 $0x0  }
0x16: {  	s3 =	sld [smem:$0x3FDB];
	s0 =	simm.s32 @p2 $0x1  }
0x17: {  	s4 =	simm.s32 $0x1BF5;
	[smem:$0x3FB2] =	sst s0  }
0x18: {  	s0 =	sld [smem:$0x3F95];
	_ =	swait.ge [sflag:s4], $0x0  }
0x19: {  	s7 =	sld [smem:$0x3F96]  }
0x1a: {  	s8 =	sadd.s32 $0xFFFFE003, lr  }
0x1b: {  	s9 =	sadd.s32 $0xFFFFFEF7, lr;
	s5 =	simm.s32 $0xFFFFFFFF;
	p2 =	slt.u32 s8, $0xFFFFF086  }
0x1c: {  	p1 =	slt.u32 s9, $0xF7A;
	s5 =	simm.s32 @!p2 $0x0  }
0x1d: {  	s5 =	simm.s32 @p1 $0x1;
	p0 =	seq.s32 s7, s2  }
0x1e: {  	s7 =	smul.u32 @!p0 $0xF7A, s2;
	p2 =	seq.s32 @!p0 s5, $0x0  }
0x1f: {  	s9 =	smul.u32 $0xF7A, s1;
	s8 =	simm.s32 @!p0 $0x1BF5;
	p2 =	por !p2, p0  }
0x20: {  	[sflag:s8] =	ssyncset.s32 @!p0 $0xFFFFF086;
	s6 =	sadd.s32 @!p0 s3, s7;
	s7 =	simm.s32 @!p0 $0x108  }
0x21: {  	s3 =	sadd.s32 s3, s9;
	s6 =	sadd.s32 @!p0 $0x88, s6;
	s7 =	simm.s32 @p2 $0x1082  }
0x22: {  	[simem:s7], [sflag:s8] =	dma.local @!p0 [hbm:s6], $0xF7A  }
0x23: {  	s9 =	sor.u32 $0xD0000000, s2;
	s6 =	simm.s32 $0x108;
	_ =	swait.ge @!p0 [sflag:s8], $0x0  }
0x24: {  	s3 =	sadd.s32 $0x88, s3;
	s6 =	simm.s32 @!p1 $0x1082;
	[sflag:s4] =	ssyncset.s32 $0xFFFFF086  }
0x25: {  	[simem:s6], [sflag:s4] =	dma.local [hbm:s3], $0xF7A  }
0x26: {  	[smem:$0x3F96] =	sst s1;
	(tag) =	ssettag s2;
	_ =	strace s9  }
0x27: {  	s1 =	sld [smem:$0x3FA6]  }
0x28: {  	s2 =	sld [smem:$0x3FA7]  }
0x29: {  	s4 =	sld [smem:$0x3FA9]  }
0x2a: {  	p0 =	seq.s32 s5, $0x0;
	s5 =	sld [smem:$0x3FAA]  }
0x2b: {  	s6 =	sld [smem:$0x3FAB]  }
0x2c: {  	s7 =	sld [smem:$0x3FAC]  }
0x2d: {  	s3 =	simm.s32 $0x108;
	s8 =	sld [smem:$0x3FAD]  }
0x2e: {  	s3 =	simm.s32 @!p0 $0x1082;
	s9 =	sld [smem:$0x3FAE]  }
0x2f: {  	lr =	sadd.s32 s0, s3;
	s0 =	sld [smem:$0x3FA5]  }
0x30: {  	s3 =	sld [smem:$0x3FA8]  }
0x31: {  	[smem:$0x3FB1] =	sst s10  }
0x32: {  	s10 =	sld [smem:$0x3FAF];
	_ =	sdelay $0x3  }
0x33: {  	p0 =	seq.s32 s10, $0x1;
	s10 =	sld [smem:$0x3FB1];
	_ =	sdelay $0x3  }
0x34: {  	[smem:$0x3FB1] =	sst s10  }
0x35: {  	s10 =	sld [smem:$0x3FB0];
	_ =	sdelay $0x3  }
0x36: {  	p1 =	seq.s32 s10, $0x1;
	s10 =	sld [smem:$0x3FB1];
	_ =	sdelay $0x3  }
0x37: {  	[smem:$0x3FB1] =	sst s10  }
0x38: {  	s10 =	sld [smem:$0x3FB2]  }
0x39: {  	_ = 	snop;
	(pc) =	sbr.ind lr, $3  }
0x3a: {  	_ = 	snop  }
0x3b: {  	_ = 	snop  }
0x3c: {  	p2 =	seq.s32 s10, $0x1;
	s10 =	sld [smem:$0x3FB1]  }
0x3d: {  	_ =	shalt  }
0x3e: {  	_ =	shalt  }
0x3f: {  	_ =	shalt  }
0x40: {  	_ =	shalt  }
0x41: {  	_ =	shalt  }
0x42: {  	_ =	shalt  }
0x43: {  	_ =	shalt  }
0x44: {  	_ =	shalt  }
0x45: {  	_ =	shalt  }
0x46: {  	_ =	shalt  }
0x47: {  	_ =	shalt  }
0x48: {  	_ =	shalt  }
0x49: {  	_ =	shalt  }
0x4a: {  	_ =	shalt  }
0x4b: {  	_ =	shalt  }
0x4c: {  	_ =	shalt  }
0x4d: {  	_ =	shalt  }
0x4e: {  	_ =	shalt  }
0x4f: {  	_ =	shalt  }
0x50: {  	_ =	shalt  }
0x51: {  	_ =	shalt  }
0x52: {  	_ =	shalt  }
0x53: {  	_ =	shalt  }
0x54: {  	_ =	shalt  }
0x55: {  	_ =	shalt  }
0x56: {  	_ =	shalt  }
0x57: {  	_ =	shalt  }
0x58: {  	_ =	shalt  }
0x59: {  	_ =	shalt  }
0x5a: {  	_ =	shalt  }
0x5b: {  	_ =	shalt  }
0x5c: {  	_ =	shalt  }
0x5d: {  	_ =	shalt  }
0x5e: {  	_ =	shalt  }
0x5f: {  	_ =	shalt  }
0x60: {  	_ =	shalt  }
0x61: {  	_ =	shalt  }
0x62: {  	_ =	shalt  }
0x63: {  	_ =	shalt  }
0x64: {  	_ =	shalt  }
0x65: {  	_ =	shalt  }
0x66: {  	_ =	shalt  }
0x67: {  	_ =	shalt  }
0x68: {  	_ =	shalt  }
0x69: {  	_ =	shalt  }
0x6a: {  	_ =	shalt  }
0x6b: {  	_ =	shalt  }
0x6c: {  	_ =	shalt  }
0x6d: {  	_ =	shalt  }
0x6e: {  	_ =	shalt  }
0x6f: {  	_ =	shalt  }
0x70: {  	_ =	shalt  }
0x71: {  	_ =	shalt  }
0x72: {  	_ =	shalt  }
0x73: {  	_ =	shalt  }
0x74: {  	_ =	shalt  }
0x75: {  	_ =	shalt  }
0x76: {  	_ =	shalt  }
0x77: {  	_ =	shalt  }
0x78: {  	_ =	shalt  }
0x79: {  	_ =	shalt  }
0x7a: {  	_ =	shalt  }
0x7b: {  	_ =	shalt  }
0x7c: {  	_ =	shalt  }
0x7d: {  	_ =	shalt  }
0x7e: {  	_ =	shalt  }
0x7f: {  	_ =	shalt  }
0x80: {  	_ =	shalt  }
0x81: {  	_ =	shalt  }
0x82: {  	_ =	shalt  }
0x83: {  	_ =	shalt  }
0x84: {  	_ =	shalt  }
0x85: {  	_ =	shalt  }
0x86: {  	_ =	shalt  }
0x87: {  	_ =	shalt  }
.Lfunc_end0:
.L_simem_size_0:
called_computation_lowered:
.L_overlay_start_0:
0x88: {  	s2 =	sld [smem:$0x3FD9]  }
0x89: {  	s3 =	sld [smem:$0x3FFE];
	_ =	sdelay $0x1  }
0x8a: {  	s1 =	srdreg.scid  }
0x8b: {  	s0 =	sand.u32 $0x1, s1  }
0x8c: {  	s16 =	sshll.u32 s0, $0xA;
	s2 =	sadd.s32 s3, s2  }
0x8d: {  	s2 =	sadd.s32 s2, s16  }
0x8e: {  	[smem:$0x3FBD] =	sst s2  }
0x8f: {  	_ = 	snop  }
0x90: {  	(tm) =	ssettm $0x1  }
0x91: {  	s17 =	sld [smem:$0x3FFB];
	_ =	sdelay $0x3  }
0x92: {  	_ =	strace s17  }
0x93: {  	s2 =	sld [smem:$0x3FFC];
	_ =	sdelay $0x3  }
0x94: {  	_ =	strace s2  }
0x95: {  	s2 =	sld [smem:$0x3FFD];
	_ =	sdelay $0x3  }
0x96: {  	_ =	strace s2  }
0x97: {  	_ =	strace $0x8FFFFFFF  }
0x98: {  	s18 =	sld [smem:$0x3FDB];
	_ =	sdelay $0x1  }
0x99: {  	s19 =	simm.s32 $_scs_section_size  }
0x9a: {  	s4 =	simm.s32 $_size__tile_overlayer_lowered;
	s5 =	simm.s32 $_tile_overlayer_lowered  }
0x9b: {  	s22 =	simm.s32 $0x1BFF;
	s21 =	sshll.u32 s5, $0x1;
	s2 =	sadd.s32 s19, s18  }
0x9c: {  	s6 =	simm.s32 $0x0;
	s20 =	sshll.u32 s4, $0x1;
	s4 =	sadd.s32 s21, s2  }
0x9d: {  	[timem:s6], [sflag:s22] =	dma.local [hbm:s4], s20  }
0x9e: {  	_ =	swait.ge [sflag:s22], s20  }
0x9f: {  	s3 =	ssub.s32 $0x0, s20;
	[sflag:s22] =	ssyncset.done $0x0  }
0xa0: {  	[sflag:s22] =	ssyncadd.s32 s3;
	_ =	sdelay $0x1  }
0xa1: {  	s23 =	simm.s32 $0x1B8B  }
0xa2: {  	_ =	swait.ge [sflag:s23], $0x1  }
0xa3: {  	[sflag:s23] =	ssyncset.done $0x0  }
0xa4: {  	s25 =	simm.s32 $0x1B8E;
	s24 =	sld [smem:$0x3FFE];
	[sflag:s23] =	ssyncadd.s32 $0xFFFFFFFF  }
0xa5: {  	s26 =	simm.s32 $execute0_lowered;
	[smem:$0x3FD2] =	sst s25  }
0xa6: {  	s4 =	sshll.u32 s26, $0x1;
	_ =	strace $0x80000046;
	[dreg:$0x1] =	wrdreg $0xFFFFFFFF  }
0xa7: {  	s28 =	simm.s32 $_size_execute0_lowered;
	s2 =	sadd.s32 s2, s4;
	[dreg:$0x0] =	wrdreg $0x0  }
0xa8: {  	s4 =	sshll.u32 s28, $0x1;
	[dreg:$0x2] =	wrdreg s2  }
0xa9: {  	[dreg:$0x3] =	wrdreg s4  }
0xaa: {  	[dreg:$0x4] =	wrdreg $0xC0  }
0xab: {  	_ =	task [dreg:s6], $0x5FFFF  }
0xac: {  	[dreg:$0x1] =	wrdreg $0xFFFFFFFF  }
0xad: {  	[dreg:$0x0] =	wrdreg $0x60  }
0xae: {  	[dreg:$0x2] =	wrdreg s24  }
0xaf: {  	[dreg:$0x3] =	wrdreg $0x0  }
0xb0: {  	[dreg:$0x4] =	wrdreg $0x9  }
0xb1: {  	_ =	task.clear_ibuf [dreg:s6], $0x5FFFF;
	_ =	strace $0x90000046  }
0xb2: {  	s29 =	simm.s32 $0x9;
	_ =	strace $0x80000048  }
0xb3: {  	_ =	swait.ge [sflag:s29], $0x1  }
0xb4: {  	[sflag:s29] =	ssyncadd.s32 $0xFFFFFFFF  }
0xb5: {  	_ =	strace $0x90000048  }
0xb6: {  	_ =	sfence  }
0xb7: {  	s30 =	sld [smem:$0x0];
	_ =	sdelay $0x2  }
0xb8: {  	s31 =	sshll.u32 s1, $0xD;
	s1 =	sshrl.u32 s1, $0x2  }
0xb9: {  	s3 =	sand.u32 $0x4000, s31;
	s1 =	sadd.s32 s1, s30  }
0xba: {  	s0 =	sor.u32 s3, s0;
	s1 =	sshll.u32 s1, $0x11  }
0xbb: {  	s0 =	sor.u32 s1, s0  }
0xbc: {  	s0 =	sadd.s32 $0x8F2B, s0  }
0xbd: {  	[sflag:s0] =	ssyncadd.remote.s32 $0x1  }
0xbe: {  	_ =	sfence.sel $0xFFFF  }
0xbf: {  	[dreg:$0x0] =	wrdreg $0xFFFFFFFF;
	(pc) =	sbr.abs _section_cstart, $3  }
0xc0: {  	[dreg:$0x1] =	wrdreg $0xFFFFFFFF  }
0xc1: {  	_ =	task.clear_ibuf [dreg:s6], $0x2FFFF;
	_ =	strace $0x9FFFFFFF  }
0xc2: {  	(tm) =	ssettm $0x7FFFFFFF  }
0xc3: {  	_ =	shalt  }
tec
execute0_lowered:
.L_overlay_start_1:
0x0: {  	(tag) =	ssettag $0x1  }
0x1: {  	s4 =	rddreg [dreg:$0x0]  }
0x2: {  	s1 =	rddreg [dreg:$0x1]  }
0x3: {  	s0 =	rddreg [dreg:$0x2]  }
0x4: {  	s2 =	simm.s32 $0x0;
	s5 =	srdreg.scid;
	s9 =	stileid.u32  }
0x5: {  	s11 =	simm.s32 $0x278;
	s12 =	simm.s32 $0x80;
	s13 =	simm.s32 $0x2F8  }
0x6: {  	s15 =	simm.s32 $0x0;
	[smem:$0x7FF] =	sst s2;
	s3 =	sadd.s32 $0xBE00, s4  }
0x7: {  	s8 =	sand.u32 $0x1, s5;
	s7 =	sshll.u32 s9, $0x1;
	s10 =	sshll.u32 s9, $0x8  }
0x8: {  	p0 =	sne.s32 s9, $0x0;
	s9 =	simm.s32 $0x378;
	_ =	strace $0x80000047  }
0x9: {  	s5 =	sshll.u32 s8, $0x4;
	s6 =	ssub.s32 $0x2, s8;
	s7 =	sor.u32 s7, s8  }
0xa: {  	s8 =	sshll.u32 s8, $0x7;
	s14 =	sshrl.u32 @!p0 s1, $0x3;
	s5 =	sadd.s32 s5, s4  }
0xb: {  	s31 =	sshrl.u32 s6, $0x1;
	s4 =	sadd.s32 $0x2700, s1;
	s7 =	ssub.s32 $0x9E3, s7  }
0xc: {  	s8 =	sor.u32 s8, s10;
	s10 =	simm.s32 $0x1;
	s6 =	ssub.s32 s6, s31  }
0xd: {  	v0 =	vimm.f32 $1.000000000e+00;
	v1 =	vimm.f32 $0.0e+00;
	s5 =	sadd.s32 $0x15C00, s5;
	s7 =	sshrl.u32 s7, $0x5;
	s6 =	smax.u32 s6, $0x1  }
.LBB2_1:
0xe: {  	[tilespmem:$0x2F8] =	vst v0  }
0xf: {  	[tilespmem:$0x308] =	vst v0  }
0x10: {  	[tilespmem:$0x318] =	vst v0  }
0x11: {  	[tilespmem:$0x328] =	vst v0  }
0x12: {  	[tilespmem:$0x338] =	vst v0  }
0x13: {  	[tilespmem:$0x348] =	vst v0  }
0x14: {  	[tilespmem:$0x358] =	vst v0  }
0x15: {  	[tilespmem:$0x368] =	vst v0  }
0x16: {  	[tilespmem:$0x378] =	vst v1  }
0x17: {  	[tilespmem:$0x388] =	vst v1  }
0x18: {  	[tilespmem:$0x398] =	vst v1  }
.Ltmp0:
0x19: {  	[tilespmem:$0x3A8] =	vst v1;
	(pc) =	sbr.rel @p0 .LBB2_5-.Ltmp0, $4  }
0x1a: {  	[tilespmem:$0x3B8] =	vst v1  }
0x1b: {  	[tilespmem:$0x3C8] =	vst v1  }
0x1c: {  	[tilespmem:$0x3D8] =	vst v1  }
0x1d: {  	[tilespmem:$0x3E8] =	vst v1  }
0x1e: {  	s16 =	sadd.s32 $0x0, s1  }
0x1f: {  	[spmem:s16] =	stream.linear.scatter [tilespmem:s9], [sflag:$0x1], $0x80, $0x38;
	[tilespmem:$0x3F8] =	vst v63  }
0x20: {  	s16 =	simm.s32 $0x200;
	_ =	swait.ge [sflag:s10], $0x80  }
.LBB2_3:
0x21: {  	s17 =	sshra.s32 s16, $0x2;
	[sflag:s10] =	ssyncset.done $0x0;
	p1 =	sne.s32 s16, $0x9A00  }
.Ltmp1:
0x22: {  	s17 =	sadd.s32 s17, s1;
	[sflag:s10] =	ssyncadd.s32 $0xFFFFFF80;
	(pc) =	sbr.rel @p1 .LBB2_3-.Ltmp1, $3  }
0x23: {  	[spmem:s17] =	stream.linear.scatter [tilespmem:s9], [sflag:$0x1], $0x80, $0x38;
	[tilespmem:$0x3F8] =	vst v63  }
0x24: {  	s16 =	sadd.s32 $0x200, s16;
	_ =	sdelay $0x1  }
0x25: {  	_ =	swait.ge [sflag:s10], $0x80  }
0x26: {  	[sflag:s10] =	ssyncset.done $0x0  }
0x27: {  	[sflag:s10] =	ssyncadd.s32 $0xFFFFFF80  }
0x28: {  	[spmem:s4] =	stream.linear.scatter [tilespmem:s9], [sflag:$0x1], $0x10, $0x38;
	[tilespmem:$0x3F8] =	vst v63  }
0x29: {  	_ =	swait.ge [sflag:s10], $0x10  }
0x2a: {  	[sflag:s10] =	ssyncset.done $0x0  }
0x2b: {  	[sflag:s10] =	ssyncadd.s32 $0xFFFFFFF0  }
.LBB2_5:
0x2c: {  	p2 =	sne.s32 s7, $0x1  }
.Ltmp2:
0x2d: {  	_ = 	snop;
	(pc) =	sbr.rel @!p2 .LBB2_8-.Ltmp2, $3  }
0x2e: {  	_ =	sdelay $0x1  }
0x2f: {  	[bflag:$0x0] =	sbarrier.arrive $0xFFFF  }
0x30: {  	s16 =	sadd.s32 $0xFFFFFFFF, s7;
	s18 =	sshrl.u32 s8, $0x3;
	p1 =	por $0x0, $0x0  }
0x31: {  	s17 =	sadd.s32 s3, s18  }
0x32: {  	[tilespmem:s11], [sflag:$0x1] =	stream.linear.gather [hbm4b:s17+s2], $0x80, $0x38;
	[tilespmem:$0x3F8] =	vst v63  }
0x33: {  	p2 =	sne.s32 s16, $0x1;
	_ =	swait.ge [sflag:s10], $0x80  }
.Ltmp3:
0x34: {  	[sflag:s10] =	ssyncset.done $0x0;
	(pc) =	sbr.rel @!p2 .LBB2_8-.Ltmp3, $4  }
0x35: {  	[sflag:s10] =	ssyncadd.s32 $0xFFFFFF80  }
0x36: {  	[spmem:s1] =	stream.indirect.scatter.add.f32 [tilespmem:s13], [sflag:$0x1], $0x1, s11, s12, $0xb8;
	[tilespmem:$0x3F8] =	vst v63  }
0x37: {  	s16 =	sadd.s32 $0xFFFFFFFF, s16;
	s17 =	sadd.s32 $0x1000, s8;
	_ =	swait.ge [sflag:s10], $0x80  }
0x38: {  	p1 =	por $0x1, $0x1;
	s18 =	sshrl.u32 s17, $0x3;
	[sflag:s10] =	ssyncset.done $0x0  }
.LBB2_7:
0x39: {  	p2 =	sne.s32 s16, $0x1;
	s18 =	sadd.s32 s3, s18;
	[sflag:s10] =	ssyncadd.s32 $0xFFFFFF80  }
0x3a: {  	[tilespmem:s11], [sflag:$0x1] =	stream.linear.gather [hbm4b:s18+s2], $0x80, $0x38;
	[tilespmem:$0x3F8] =	vst v63  }
0x3b: {  	s16 =	sadd.s32 $0xFFFFFFFF, s16;
	_ =	swait.ge [sflag:s10], $0x80  }
.Ltmp4:
0x3c: {  	[sflag:s10] =	ssyncset.done $0x0;
	(pc) =	sbr.rel @p2 .LBB2_7-.Ltmp4, $4  }
0x3d: {  	[sflag:s10] =	ssyncadd.s32 $0xFFFFFF80  }
0x3e: {  	[spmem:s1] =	stream.indirect.scatter.add.f32 [tilespmem:s13], [sflag:$0x1], $0x1, s11, s12, $0xb8;
	[tilespmem:$0x3F8] =	vst v63  }
0x3f: {  	s17 =	sadd.s32 $0x1000, s17;
	_ =	swait.ge [sflag:s10], $0x80  }
0x40: {  	s18 =	sshrl.u32 s17, $0x3;
	[sflag:s10] =	ssyncset.done $0x0  }
.LBB2_8:
0x41: {  	s16 =	sadd.s32 s3, s18;
	[sflag:s10] =	ssyncadd.s32 @p1 $0xFFFFFF80  }
0x42: {  	[tilespmem:s11], [sflag:$0x1] =	stream.linear.gather [hbm4b:s16+s2], $0x80, $0x38;
	[tilespmem:$0x3F8] =	vst v63  }
0x43: {  	_ =	swait.ge [sflag:s10], $0x80  }
0x44: {  	[sflag:s10] =	ssyncset.done $0x0  }
0x45: {  	[sflag:s10] =	ssyncadd.s32 $0xFFFFFF80  }
0x46: {  	[spmem:s1] =	stream.indirect.scatter.add.f32 [tilespmem:s13], [sflag:$0x1], $0x1, s11, s12, $0xb8;
	[tilespmem:$0x3F8] =	vst v63  }
0x47: {  	s17 =	simm.s32 @!p0 $0x20;
	_ =	swait.ge [sflag:s10], $0x80  }
0x48: {  	s18 =	simm.s32 @!p0 $0x10;
	s15 =	sadd.s32 $0x1, s15;
	[sflag:s10] =	ssyncset.done $0x0  }
0x49: {  	s19 =	simm.s32 @!p0 $0x1C01;
	p1 =	sne.s32 s15, s6;
	[sflag:s10] =	ssyncadd.s32 $0xFFFFFF80  }
.Ltmp5:
0x4a: {  	s16 =	simm.s32 @!p0 $0x1;
	[bflag:$0x0] =	sbarrier.arrive $0xFFFF;
	(pc) =	sbr.rel @p1 .LBB2_1-.Ltmp5, $4  }
0x4b: {  	[hbm:s5@s17], [sflag:s19] =	dma.strided @!p0 [spmem:s14@s18], $0x4F0, s16, $0x10   }
0x4c: {  	_ =	swait.ge @!p0 [sflag:s16], $0x4F0  }
0x4d: {  	[sflag:s16] =	ssyncset.done @!p0 $0x0  }
0x4e: {  	[sflag:s16] =	ssyncadd.s32 @!p0 $0xFFFFFB10  }
0x4f: {  	_ =	sfence.sel $0x180000  }
0x50: {  	[bflag:$0x0] =	sbarrier.arrive $0xFFFF  }
0x51: {  	_ =	strace $0x90000047  }
0x52: {  	s0 =	sadd.s32 @!p0 $0x100000, s0;
	[bflag:$0x2] =	sbarrier.arrive $0xFFFF  }
0x53: {  	[sflag:s0] =	ssyncadd.tile.s32 @!p0 $0x1;
	_ =	shalt  }
.Lfunc_end2:
_tile_overlayer_lowered:
.L_overlay_start_2:
0x54: {  	(tag) =	ssettag $0x2  }
0x55: {  	s0 =	rddreg [dreg:$0x0];
	s2 =	stileid.u32  }
0x56: {  	s1 =	rddreg [dreg:$0x1];
	p0 =	sne.s32 s2, $0x0  }
0x57: {  	s3 =	rddreg [dreg:$0x2];
	[bflag:$0x3] =	sbarrier.arrive $0xFFFF;
	s2 =	simm.s32 @!p0 $0x1C01  }
0x58: {  	[timem:s3], [sflag:s2] =	dma.local @!p0 [hbm:s0], s1  }
0x59: {  	s0 =	simm.s32 @!p0 $0x1  }
0x5a: {  	_ =	swait.ge @!p0 [sflag:s0], s1  }
0x5b: {  	s1 =	ssub.s32 @!p0 $0x0, s1;
	[sflag:s0] =	ssyncset.done @!p0 $0x0  }
0x5c: {  	[sflag:s0] =	ssyncadd.s32 @!p0 s1  }
0x5d: {  	[bflag:$0x3] =	sbarrier.arrive $0xFFFF  }
0x5e: {  	_ =	shalt  }

// kernel: kernel.9.cloned.1.call-start
scs
__scs_entry_jumppad:
0x0: {  	(pc) =	sbr.rel $0x88, $3  }
0x1: {  	(tag) =	ssettag $0x0;
	lr =	simm.s32 $0x1  }
0x2: {  	[smem:$0x3F96] =	sst lr;
	_ =	strace $0xD0000000  }
0x3: {  	_ = 	snop  }
0x4: {  	_ = 	snop  }
0x5: {  	_ = 	snop  }
0x6: {  	_ = 	snop  }
0x7: {  	_ = 	snop  }
__scs_overlays_trampoline_lowered:
0x8: {  	[smem:$0x3FA5] =	sst s0  }
0x9: {  	[smem:$0x3FA6] =	sst s1  }
0xa: {  	[smem:$0x3FA7] =	sst s2  }
0xb: {  	[smem:$0x3FA8] =	sst s3  }
0xc: {  	[smem:$0x3FA9] =	sst s4  }
0xd: {  	[smem:$0x3FAA] =	sst s5  }
0xe: {  	[smem:$0x3FAB] =	sst s6  }
0xf: {  	[smem:$0x3FAC] =	sst s7  }
0x10: {  	[smem:$0x3FAD] =	sst s8  }
0x11: {  	[smem:$0x3FAE] =	sst s9;
	s0 =	simm.s32 @!p0 $0x0  }
0x12: {  	s1 =	sld [smem:$0x3F94];
	s0 =	simm.s32 @p0 $0x1  }
0x13: {  	[smem:$0x3FAF] =	sst s0;
	s0 =	simm.s32 @!p1 $0x0  }
0x14: {  	s2 =	sld [smem:$0x3F93];
	s0 =	simm.s32 @p1 $0x1  }
0x15: {  	[smem:$0x3FB0] =	sst s0;
	s0 =	simm.s32 @!p2 $0x0  }
0x16: {  	s3 =	sld [smem:$0x3FDB];
	s0 =	simm.s32 @p2 $0x1  }
0x17: {  	s4 =	simm.s32 $0x1BF5;
	[smem:$0x3FB2] =	sst s0  }
0x18: {  	s0 =	sld [smem:$0x3F95];
	_ =	swait.ge [sflag:s4], $0x0  }
0x19: {  	s7 =	sld [smem:$0x3F96]  }
0x1a: {  	s8 =	sadd.s32 $0xFFFFE003, lr  }
0x1b: {  	s9 =	sadd.s32 $0xFFFFFEF7, lr;
	s5 =	simm.s32 $0xFFFFFFFF;
	p2 =	slt.u32 s8, $0xFFFFF086  }
0x1c: {  	p1 =	slt.u32 s9, $0xF7A;
	s5 =	simm.s32 @!p2 $0x0  }
0x1d: {  	s5 =	simm.s32 @p1 $0x1;
	p0 =	seq.s32 s7, s2  }
0x1e: {  	s7 =	smul.u32 @!p0 $0xF7A, s2;
	p2 =	seq.s32 @!p0 s5, $0x0  }
0x1f: {  	s9 =	smul.u32 $0xF7A, s1;
	s8 =	simm.s32 @!p0 $0x1BF5;
	p2 =	por !p2, p0  }
0x20: {  	[sflag:s8] =	ssyncset.s32 @!p0 $0xFFFFF086;
	s6 =	sadd.s32 @!p0 s3, s7;
	s7 =	simm.s32 @!p0 $0x108  }
0x21: {  	s3 =	sadd.s32 s3, s9;
	s6 =	sadd.s32 @!p0 $0x88, s6;
	s7 =	simm.s32 @p2 $0x1082  }
0x22: {  	[simem:s7], [sflag:s8] =	dma.local @!p0 [hbm:s6], $0xF7A  }
0x23: {  	s9 =	sor.u32 $0xD0000000, s2;
	s6 =	simm.s32 $0x108;
	_ =	swait.ge @!p0 [sflag:s8], $0x0  }
0x24: {  	s3 =	sadd.s32 $0x88, s3;
	s6 =	simm.s32 @!p1 $0x1082;
	[sflag:s4] =	ssyncset.s32 $0xFFFFF086  }
0x25: {  	[simem:s6], [sflag:s4] =	dma.local [hbm:s3], $0xF7A  }
0x26: {  	[smem:$0x3F96] =	sst s1;
	(tag) =	ssettag s2;
	_ =	strace s9  }
0x27: {  	s1 =	sld [smem:$0x3FA6]  }
0x28: {  	s2 =	sld [smem:$0x3FA7]  }
0x29: {  	s4 =	sld [smem:$0x3FA9]  }
0x2a: {  	p0 =	seq.s32 s5, $0x0;
	s5 =	sld [smem:$0x3FAA]  }
0x2b: {  	s6 =	sld [smem:$0x3FAB]  }
0x2c: {  	s7 =	sld [smem:$0x3FAC]  }
0x2d: {  	s3 =	simm.s32 $0x108;
	s8 =	sld [smem:$0x3FAD]  }
0x2e: {  	s3 =	simm.s32 @!p0 $0x1082;
	s9 =	sld [smem:$0x3FAE]  }
0x2f: {  	lr =	sadd.s32 s0, s3;
	s0 =	sld [smem:$0x3FA5]  }
0x30: {  	s3 =	sld [smem:$0x3FA8]  }
0x31: {  	[smem:$0x3FB1] =	sst s10  }
0x32: {  	s10 =	sld [smem:$0x3FAF];
	_ =	sdelay $0x3  }
0x33: {  	p0 =	seq.s32 s10, $0x1;
	s10 =	sld [smem:$0x3FB1];
	_ =	sdelay $0x3  }
0x34: {  	[smem:$0x3FB1] =	sst s10  }
0x35: {  	s10 =	sld [smem:$0x3FB0];
	_ =	sdelay $0x3  }
0x36: {  	p1 =	seq.s32 s10, $0x1;
	s10 =	sld [smem:$0x3FB1];
	_ =	sdelay $0x3  }
0x37: {  	[smem:$0x3FB1] =	sst s10  }
0x38: {  	s10 =	sld [smem:$0x3FB2]  }
0x39: {  	_ = 	snop;
	(pc) =	sbr.ind lr, $3  }
0x3a: {  	_ = 	snop  }
0x3b: {  	_ = 	snop  }
0x3c: {  	p2 =	seq.s32 s10, $0x1;
	s10 =	sld [smem:$0x3FB1]  }
0x3d: {  	_ =	shalt  }
0x3e: {  	_ =	shalt  }
0x3f: {  	_ =	shalt  }
0x40: {  	_ =	shalt  }
0x41: {  	_ =	shalt  }
0x42: {  	_ =	shalt  }
0x43: {  	_ =	shalt  }
0x44: {  	_ =	shalt  }
0x45: {  	_ =	shalt  }
0x46: {  	_ =	shalt  }
0x47: {  	_ =	shalt  }
0x48: {  	_ =	shalt  }
0x49: {  	_ =	shalt  }
0x4a: {  	_ =	shalt  }
0x4b: {  	_ =	shalt  }
0x4c: {  	_ =	shalt  }
0x4d: {  	_ =	shalt  }
0x4e: {  	_ =	shalt  }
0x4f: {  	_ =	shalt  }
0x50: {  	_ =	shalt  }
0x51: {  	_ =	shalt  }
0x52: {  	_ =	shalt  }
0x53: {  	_ =	shalt  }
0x54: {  	_ =	shalt  }
0x55: {  	_ =	shalt  }
0x56: {  	_ =	shalt  }
0x57: {  	_ =	shalt  }
0x58: {  	_ =	shalt  }
0x59: {  	_ =	shalt  }
0x5a: {  	_ =	shalt  }
0x5b: {  	_ =	shalt  }
0x5c: {  	_ =	shalt  }
0x5d: {  	_ =	shalt  }
0x5e: {  	_ =	shalt  }
0x5f: {  	_ =	shalt  }
0x60: {  	_ =	shalt  }
0x61: {  	_ =	shalt  }
0x62: {  	_ =	shalt  }
0x63: {  	_ =	shalt  }
0x64: {  	_ =	shalt  }
0x65: {  	_ =	shalt  }
0x66: {  	_ =	shalt  }
0x67: {  	_ =	shalt  }
0x68: {  	_ =	shalt  }
0x69: {  	_ =	shalt  }
0x6a: {  	_ =	shalt  }
0x6b: {  	_ =	shalt  }
0x6c: {  	_ =	shalt  }
0x6d: {  	_ =	shalt  }
0x6e: {  	_ =	shalt  }
0x6f: {  	_ =	shalt  }
0x70: {  	_ =	shalt  }
0x71: {  	_ =	shalt  }
0x72: {  	_ =	shalt  }
0x73: {  	_ =	shalt  }
0x74: {  	_ =	shalt  }
0x75: {  	_ =	shalt  }
0x76: {  	_ =	shalt  }
0x77: {  	_ =	shalt  }
0x78: {  	_ =	shalt  }
0x79: {  	_ =	shalt  }
0x7a: {  	_ =	shalt  }
0x7b: {  	_ =	shalt  }
0x7c: {  	_ =	shalt  }
0x7d: {  	_ =	shalt  }
0x7e: {  	_ =	shalt  }
0x7f: {  	_ =	shalt  }
0x80: {  	_ =	shalt  }
0x81: {  	_ =	shalt  }
0x82: {  	_ =	shalt  }
0x83: {  	_ =	shalt  }
0x84: {  	_ =	shalt  }
0x85: {  	_ =	shalt  }
0x86: {  	_ =	shalt  }
0x87: {  	_ =	shalt  }
.Lfunc_end0:
.L_simem_size_0:
called_computation.1_lowered:
.L_overlay_start_0:
0x88: {  	s2 =	sld [smem:$0x3FD9]  }
0x89: {  	s3 =	sld [smem:$0x3FFE];
	_ =	sdelay $0x1  }
0x8a: {  	s1 =	srdreg.scid  }
0x8b: {  	s0 =	sand.u32 $0x1, s1  }
0x8c: {  	s16 =	sshll.u32 s0, $0xA;
	s2 =	sadd.s32 s3, s2  }
0x8d: {  	s2 =	sadd.s32 s2, s16  }
0x8e: {  	[smem:$0x3FBD] =	sst s2  }
0x8f: {  	_ = 	snop  }
0x90: {  	(tm) =	ssettm $0x1  }
0x91: {  	s17 =	sld [smem:$0x3FFB];
	_ =	sdelay $0x3  }
0x92: {  	_ =	strace s17  }
0x93: {  	s2 =	sld [smem:$0x3FFC];
	_ =	sdelay $0x3  }
0x94: {  	_ =	strace s2  }
0x95: {  	s2 =	sld [smem:$0x3FFD];
	_ =	sdelay $0x3  }
0x96: {  	_ =	strace s2  }
0x97: {  	_ =	strace $0x8FFFFFFF  }
0x98: {  	s18 =	sld [smem:$0x3FDB];
	_ =	sdelay $0x1  }
0x99: {  	s19 =	simm.s32 $_scs_section_size  }
0x9a: {  	s4 =	simm.s32 $_size__tile_overlayer_lowered;
	s5 =	simm.s32 $_tile_overlayer_lowered  }
0x9b: {  	s22 =	simm.s32 $0x1BFF;
	s21 =	sshll.u32 s5, $0x1;
	s2 =	sadd.s32 s19, s18  }
0x9c: {  	s6 =	simm.s32 $0x0;
	s20 =	sshll.u32 s4, $0x1;
	s4 =	sadd.s32 s21, s2  }
0x9d: {  	[timem:s6], [sflag:s22] =	dma.local [hbm:s4], s20  }
0x9e: {  	_ =	swait.ge [sflag:s22], s20  }
0x9f: {  	s3 =	ssub.s32 $0x0, s20;
	[sflag:s22] =	ssyncset.done $0x0  }
0xa0: {  	[sflag:s22] =	ssyncadd.s32 s3;
	_ =	sdelay $0x1  }
0xa1: {  	s23 =	simm.s32 $0x1B8B  }
0xa2: {  	_ =	swait.ge [sflag:s23], $0x1  }
0xa3: {  	[sflag:s23] =	ssyncset.done $0x0  }
0xa4: {  	s25 =	simm.s32 $0x1B8E;
	s24 =	sld [smem:$0x3FFE];
	[sflag:s23] =	ssyncadd.s32 $0xFFFFFFFF  }
0xa5: {  	s26 =	simm.s32 $execute0_lowered;
	[smem:$0x3FD2] =	sst s25  }
0xa6: {  	s4 =	sshll.u32 s26, $0x1;
	_ =	strace $0x80000049;
	[dreg:$0x1] =	wrdreg $0xFFFFFFFF  }
0xa7: {  	s28 =	simm.s32 $_size_execute0_lowered;
	s2 =	sadd.s32 s2, s4;
	[dreg:$0x0] =	wrdreg $0x0  }
0xa8: {  	s4 =	sshll.u32 s28, $0x1;
	[dreg:$0x2] =	wrdreg s2  }
0xa9: {  	[dreg:$0x3] =	wrdreg s4  }
0xaa: {  	[dreg:$0x4] =	wrdreg $0xC0  }
0xab: {  	_ =	task [dreg:s6], $0x5FFFF  }
0xac: {  	[dreg:$0x1] =	wrdreg $0xFFFFFFFF  }
0xad: {  	[dreg:$0x0] =	wrdreg $0x60  }
0xae: {  	[dreg:$0x2] =	wrdreg s24  }
0xaf: {  	[dreg:$0x3] =	wrdreg $0x0  }
0xb0: {  	[dreg:$0x4] =	wrdreg $0x9  }
0xb1: {  	_ =	task.clear_ibuf [dreg:s6], $0x5FFFF;
	_ =	strace $0x90000049  }
0xb2: {  	s29 =	simm.s32 $0x9;
	_ =	strace $0x8000004B  }
0xb3: {  	_ =	swait.ge [sflag:s29], $0x1  }
0xb4: {  	[sflag:s29] =	ssyncadd.s32 $0xFFFFFFFF  }
0xb5: {  	_ =	strace $0x9000004B  }
0xb6: {  	_ =	sfence  }
0xb7: {  	s30 =	sld [smem:$0x0];
	_ =	sdelay $0x2  }
0xb8: {  	s31 =	sshll.u32 s1, $0xD;
	s1 =	sshrl.u32 s1, $0x2  }
0xb9: {  	s3 =	sand.u32 $0x4000, s31;
	s1 =	sadd.s32 s1, s30  }
0xba: {  	s0 =	sor.u32 s3, s0;
	s1 =	sshll.u32 s1, $0x11  }
0xbb: {  	s0 =	sor.u32 s1, s0  }
0xbc: {  	s0 =	sadd.s32 $0x8F2B, s0  }
0xbd: {  	[sflag:s0] =	ssyncadd.remote.s32 $0x1  }
0xbe: {  	_ =	sfence.sel $0xFFFF  }
0xbf: {  	[dreg:$0x0] =	wrdreg $0xFFFFFFFF;
	(pc) =	sbr.abs _section_cstart, $3  }
0xc0: {  	[dreg:$0x1] =	wrdreg $0xFFFFFFFF  }
0xc1: {  	_ =	task.clear_ibuf [dreg:s6], $0x2FFFF;
	_ =	strace $0x9FFFFFFF  }
0xc2: {  	(tm) =	ssettm $0x7FFFFFFF  }
0xc3: {  	_ =	shalt  }
tec
execute0_lowered:
.L_overlay_start_1:
0x0: {  	(tag) =	ssettag $0x1  }
0x1: {  	s0 =	rddreg [dreg:$0x0]  }
0x2: {  	s1 =	rddreg [dreg:$0x1];
	s2 =	simm.s32 $0x0;
	s3 =	srdreg.scid  }
0x3: {  	[smem:$0x7FF] =	sst s2;
	s6 =	sand.u32 $0x1, s3;
	s7 =	sadd.s32 $0x3CE00, s0  }
0x4: {  	s11 =	sadd.s32 $0x61E80, s0;
	_ =	strace $0x8000004A;
	[dreg:$0x3] =	wrdreg s7  }
0x5: {  	s3 =	sadd.s32 $0x2000, s0;
	s19 =	sadd.s32 $0x5F700, s0;
	[dreg:$0x4] =	wrdreg s11  }
0x6: {  	s4 =	sadd.s32 $0xBE00, s0;
	s20 =	sadd.s32 $0x5CF80, s0;
	[dreg:$0x5] =	wrdreg s19  }
0x7: {  	s5 =	sadd.s32 $0x15C00, s0;
	s21 =	sadd.s32 $0x5A800, s0;
	[dreg:$0x6] =	wrdreg s20  }
0x8: {  	s10 =	sadd.s32 $0x64000, s0;
	s12 =	sadd.s32 $0x58080, s0;
	[dreg:$0x7] =	wrdreg s21  }
0x9: {  	s23 =	sadd.s32 $0x55900, s0;
	s13 =	sadd.s32 $0x53180, s0;
	[dreg:$0x8] =	wrdreg s12  }
0xa: {  	s25 =	sadd.s32 $0x50A00, s0;
	s26 =	sadd.s32 $0x4E280, s0;
	[dreg:$0x9] =	wrdreg s23  }
0xb: {  	s14 =	sadd.s32 $0x4BB00, s0;
	s28 =	sadd.s32 $0x76800, s1;
	[dreg:$0xa] =	wrdreg s13  }
0xc: {  	s29 =	sadd.s32 $0x62C00, s1;
	s7 =	stileid.u32;
	[dreg:$0xb] =	wrdreg s25  }
0xd: {  	s8 =	ssub.s32 $0x2, s6;
	s22 =	smul.u32 $0x27100, s6;
	[dreg:$0xc] =	wrdreg s26  }
0xe: {  	s24 =	smul.u32 $0x138800, s6;
	[dreg:$0xd] =	wrdreg s14;
	s19 =	sadd.s32 $0x46C00, s0  }
0xf: {  	s17 =	sshll.u32 s6, $0x7;
	s21 =	sadd.s32 $0x44480, s0;
	[dreg:$0x10] =	wrdreg s19  }
0x10: {  	s18 =	sshll.u32 s7, $0x1;
	[dreg:$0x11] =	wrdreg s21;
	s11 =	sadd.s32 s10, s22  }
0x11: {  	s6 =	sor.u32 s18, s6;
	s18 =	sadd.s32 $0x49380, s0;
	[dreg:$0xe] =	wrdreg s11  }
0x12: {  	s15 =	sshrl.u32 s24, $0x3;
	s22 =	sadd.s32 $0x41D00, s0;
	[dreg:$0xf] =	wrdreg s18  }
0x13: {  	s0 =	sadd.s32 $0x3F580, s0;
	s10 =	sadd.s32 s10, s15;
	[dreg:$0x12] =	wrdreg s22  }
0x14: {  	s30 =	sadd.s32 $0x4F000, s1;
	[dreg:$0x13] =	wrdreg s0;
	s23 =	sadd.s32 $0x2780, s10  }
0x15: {  	s31 =	sadd.s32 $0x3B400, s1;
	s24 =	sadd.s32 $0x4F00, s10;
	[dreg:$0x14] =	wrdreg s23  }
0x16: {  	s9 =	sshrl.u32 s8, $0x1;
	s25 =	sadd.s32 $0x7680, s10;
	[dreg:$0x15] =	wrdreg s24  }
0x17: {  	s16 =	sshll.u32 s7, $0x8;
	s26 =	sadd.s32 $0x9E00, s10;
	[dreg:$0x16] =	wrdreg s25  }
0x18: {  	s8 =	ssub.s32 s8, s9;
	s9 =	sadd.s32 $0xC580, s10;
	[dreg:$0x17] =	wrdreg s26  }
0x19: {  	p2 =	sgt.s32 s7, $0x1;
	s11 =	sadd.s32 $0xED00, s10;
	[dreg:$0x18] =	wrdreg s9  }
0x1a: {  	p3 =	sgt.s32 s7, $0x5;
	s12 =	sadd.s32 $0x11480, s10;
	[dreg:$0x19] =	wrdreg s11  }
0x1b: {  	s20 =	sor.u32 s17, s16;
	s13 =	sadd.s32 $0x13C00, s10;
	[dreg:$0x1a] =	wrdreg s12  }
0x1c: {  	p0 =	seq.s32 @p2 s7, $0x2;
	s14 =	sadd.s32 $0x16380, s10;
	[dreg:$0x1b] =	wrdreg s13  }
0x1d: {  	s22 =	ssub.s32 $0x9E3, s6;
	s15 =	sadd.s32 $0x18B00, s10;
	[dreg:$0x1c] =	wrdreg s14  }
0x1e: {  	p1 =	por !p0, !p2;
	s16 =	sadd.s32 $0x1B280, s10;
	[dreg:$0x1d] =	wrdreg s15  }
0x1f: {  	p0 =	por p0, !p2;
	s17 =	sadd.s32 $0x1DA00, s10;
	[dreg:$0x1e] =	wrdreg s16  }
0x20: {  	s6 =	sadd.s32 $0x13C00, s1;
	s18 =	sadd.s32 $0x20180, s10;
	[dreg:$0x1f] =	wrdreg s17  }
0x21: {  	s19 =	sadd.s32 $0x22900, s10;
	s0 =	simm.s32 @!p1 $0x0;
	[smem:$0x7EB] =	sst s18  }
0x22: {  	s21 =	sadd.s32 $0x25080, s10;
	[smem:$0x7EC] =	sst s19;
	s0 =	simm.s32 @p1 $0x1  }
0x23: {  	p1 =	seq.s32 @!p2 s7, $0x0;
	[smem:$0x7EF] =	sst s0;
	s0 =	simm.s32 @!p0 $0x0  }
0x24: {  	[smem:$0x7ED] =	sst s21;
	s0 =	simm.s32 @p0 $0x1;
	p0 =	por !p1, p2  }
0x25: {  	s10 =	simm.s32 $0x13900;
	[smem:$0x7F0] =	sst s0;
	s0 =	simm.s32 @!p0 $0x0  }
0x26: {  	s23 =	smax.u32 s8, $0x1;
	s16 =	sshrl.u32 s22, $0x5;
	s0 =	simm.s32 @p0 $0x1  }
0x27: {  	s24 =	sadd.s32 $0x128400, s1;
	[smem:$0x7F1] =	sst s0;
	s0 =	simm.s32 @!p2 $0x0  }
0x28: {  	s25 =	sadd.s32 $0x114800, s1;
	p1 =	por p1, p2;
	s0 =	simm.s32 @p2 $0x1  }
0x29: {  	p0 =	seq.s32 @p3 s7, $0x6;
	[smem:$0x7F2] =	sst s0;
	s0 =	simm.s32 @!p1 $0x0  }
0x2a: {  	s26 =	sadd.s32 $0x100C00, s1;
	s0 =	simm.s32 @p1 $0x1;
	p1 =	por !p0, !p3  }
0x2b: {  	s22 =	sadd.s32 $0xED000, s1;
	[smem:$0x7F3] =	sst s0;
	s0 =	simm.s32 @!p1 $0x0  }
0x2c: {  	s18 =	sadd.s32 $0xB1C00, s1;
	p0 =	por p0, !p3;
	s0 =	simm.s32 @p1 $0x1  }
0x2d: {  	p1 =	seq.s32 @!p3 s7, $0x4;
	[smem:$0x7F4] =	sst s0;
	s0 =	simm.s32 @!p0 $0x0  }
0x2e: {  	s8 =	simm.s32 $0x13880;
	s0 =	simm.s32 @p0 $0x1;
	p0 =	por !p1, p3  }
0x2f: {  	s9 =	simm.s32 $0x2;
	[smem:$0x7F5] =	sst s0;
	s0 =	simm.s32 @!p0 $0x0  }
0x30: {  	s11 =	simm.s32 $0x80;
	[smem:$0x7EE] =	sst s23;
	s0 =	simm.s32 @p0 $0x1  }
0x31: {  	s12 =	simm.s32 $0x13980;
	[smem:$0x7F6] =	sst s0;
	s0 =	simm.s32 @!p3 $0x0  }
0x32: {  	[smem:$0x7FA] =	sst s24;
	p0 =	por p1, p3;
	s0 =	simm.s32 @p3 $0x1  }
0x33: {  	s13 =	simm.s32 $0x1;
	[smem:$0x7F7] =	sst s0;
	s0 =	simm.s32 @!p0 $0x0  }
0x34: {  	[smem:$0x7FB] =	sst s25;
	s0 =	simm.s32 @p0 $0x1;
	p0 =	sgt.s32 s7, $0x7  }
0x35: {  	s14 =	simm.s32 $0x0;
	[smem:$0x7F8] =	sst s0;
	s0 =	simm.s32 @!p0 $0x0  }
0x36: {  	[smem:$0x7FD] =	sst s26;
	s0 =	simm.s32 @p0 $0x1;
	p0 =	sgt.s32 s7, $0x3  }
0x37: {  	s23 =	sadd.s32 $0xD9400, s1;
	[smem:$0x7F9] =	sst s0;
	s0 =	simm.s32 @!p0 $0x0  }
0x38: {  	s24 =	sadd.s32 $0xC5800, s1;
	s25 =	sadd.s32 $0x9E000, s1;
	s0 =	simm.s32 @p0 $0x1  }
0x39: {  	s26 =	sadd.s32 $0x8A400, s1;
	[smem:$0x7FC] =	sst s0;
	s0 =	sadd.s32 $0x27800, s1  }
.LBB2_1:
0x3a: {  	s15 =	sld [smem:$0x7F9];
	_ =	sdelay $0x2  }
0x3b: {  	p0 =	seq.s32 s15, $0x1  }
.Ltmp0:
0x3c: {  	_ = 	snop;
	(pc) =	sbr.rel @p0 .LBB2_5-.Ltmp0, $1  }
0x3d: {  	_ =	sdelay $0x3  }
0x3e: {  	s15 =	sld [smem:$0x7FC];
	_ =	sdelay $0x2  }
0x3f: {  	p0 =	seq.s32 s15, $0x1  }
.Ltmp1:
0x40: {  	_ = 	snop;
	(pc) =	sbr.rel @p0 .LBB2_4-.Ltmp1, $1  }
0x41: {  	_ =	sdelay $0x3  }
0x42: {  	s15 =	sld [smem:$0x7EF];
	_ =	sdelay $0x2  }
0x43: {  	p6 =	seq.s32 s15, $0x1  }
0x44: {  	s19 =	rddreg [dreg:$0x12];
	s15 =	sshrl.u32 @!p6 s0, $0x3;
	s17 =	simm.s32 @!p6 $0x1C82  }
0x45: {  	[spmem:s15], [sflag:s17] =	dma.local @!p6 [hbm:s19], $0x2780  }
0x46: {  	s15 =	simm.s32 @!p6 $0x2  }
0x47: {  	_ =	swait.ge @!p6 [sflag:s15], $0x2780  }
0x48: {  	s17 =	sld [smem:$0x7F0];
	_ =	sdelay $0x2  }
0x49: {  	[sflag:s15] =	ssyncset.done @!p6 $0x0;
	s19 =	rddreg [dreg:$0x11];
	p2 =	seq.s32 s17, $0x1  }
0x4a: {  	[sflag:s15] =	ssyncadd.s32 @!p6 $0xFFFFD880;
	s15 =	sshrl.u32 @!p2 s31, $0x3;
	s17 =	simm.s32 @!p2 $0x1CC2  }
0x4b: {  	[spmem:s15], [sflag:s17] =	dma.local @!p2 [hbm:s19], $0x2780  }
0x4c: {  	s15 =	simm.s32 @!p2 $0x2  }
0x4d: {  	_ =	swait.ge @!p2 [sflag:s15], $0x2780  }
0x4e: {  	s19 =	sld [smem:$0x7F1];
	_ =	sdelay $0x1  }
0x4f: {  	[sflag:s15] =	ssyncset.done @!p2 $0x0  }
0x50: {  	[sflag:s15] =	ssyncadd.s32 @!p2 $0xFFFFD880;
	p0 =	seq.s32 s19, $0x1  }
0x51: {  	s19 =	rddreg [dreg:$0x3];
	s15 =	sshrl.u32 @!p0 s1, $0x3;
	s17 =	simm.s32 @!p0 $0x1C02  }
0x52: {  	[spmem:s15], [sflag:s17] =	dma.local @!p0 [hbm:s19], $0x2780  }
0x53: {  	s15 =	simm.s32 @!p0 $0x2  }
0x54: {  	p1 =	por @!p6 $0x0, $0x0;
	p4 =	por @!p2 $0x0, $0x0;
	_ =	swait.ge @!p0 [sflag:s15], $0x2780  }
0x55: {  	p5 =	por @!p2 $0x1, $0x1;
	p4 =	por @!p6 p1, p1;
	s21 =	sld [smem:$0x7F3]  }
0x56: {  	p5 =	por @!p6 p1, p1;
	p1 =	por @!p6 $0x1, $0x1;
	p2 =	por @!p2 $0x0, $0x0  }
0x57: {  	p2 =	por @!p6 p1, p1  }
0x58: {  	[sflag:s15] =	ssyncset.done @!p0 $0x0;
	s19 =	rddreg [dreg:$0x13];
	p3 =	seq.s32 s21, $0x1  }
0x59: {  	[sflag:s15] =	ssyncadd.s32 @!p0 $0xFFFFD880;
	s15 =	sshrl.u32 @!p3 s6, $0x3;
	s17 =	simm.s32 @!p3 $0x1C42  }
0x5a: {  	[spmem:s15], [sflag:s17] =	dma.local @!p3 [hbm:s19], $0x2780  }
0x5b: {  	p1 =	por @!p3 $0x0, $0x0;
	s15 =	simm.s32 @!p5 $0x0;
	s17 =	sld [smem:$0x7F2]  }
0x5c: {  	s15 =	simm.s32 @p5 $0x1;
	p5 =	por @!p3 $0x1, $0x1;
	p3 =	por @!p0 $0x0, $0x0  }
0x5d: {  	p5 =	por @!p0 p3, p3  }
0x5e: {  	p1 =	por @!p0 p3, p3;
	p0 =	por p4, p4;
	p3 =	seq.s32 s17, $0x1  }
0x5f: {  	p6 =	por p4, p4;
	[smem:$0x7E6] =	sst s15;
	p0 =	por @!p3 p1, p1  }
0x60: {  	p6 =	por @!p3 p5, p5;
	p5 =	por p4, p4;
	s15 =	simm.s32 @!p0 $0x0  }
0x61: {  	p5 =	por @!p3 p1, p1;
	s15 =	simm.s32 @p0 $0x1  }
0x62: {  	p0 =	por p4, p4;
	[smem:$0x7E0] =	sst s15;
	s15 =	simm.s32 @!p5 $0x0  }
0x63: {  	p0 =	por @!p3 p1, p1;
	s15 =	simm.s32 @p5 $0x1  }
0x64: {  	p5 =	por p4, p4;
	[smem:$0x7E1] =	sst s15;
	s15 =	simm.s32 @!p0 $0x0  }
0x65: {  	p5 =	por @!p3 p1, p1;
	s15 =	simm.s32 @p0 $0x1  }
0x66: {  	p0 =	por p4, p4;
	[smem:$0x7E2] =	sst s15;
	s15 =	simm.s32 @!p5 $0x0  }
0x67: {  	s19 =	sld [smem:$0x7F3];
	p0 =	por @!p3 p1, p1;
	s15 =	simm.s32 @p5 $0x1  }
0x68: {  	p5 =	por p4, p4;
	[smem:$0x7E3] =	sst s15;
	s15 =	simm.s32 @!p0 $0x0  }
0x69: {  	s17 =	sld [smem:$0x7E6];
	p5 =	por @!p3 p1, p1;
	s15 =	simm.s32 @p0 $0x1  }
0x6a: {  	[smem:$0x7E4] =	sst s15;
	s15 =	simm.s32 @!p5 $0x0  }
0x6b: {  	p0 =	seq.s32 s19, $0x1;
	s15 =	simm.s32 @p5 $0x1  }
0x6c: {  	[smem:$0x7E5] =	sst s15;
	s15 =	simm.s32 @!p0 $0x2;
	p0 =	seq.s32 s17, $0x1  }
0x6d: {  	p0 =	por @!p3 p1, p1  }
0x6e: {  	s17 =	simm.s32 @!p0 $0x0  }
0x6f: {  	s21 =	sld [smem:$0x7F3];
	s17 =	simm.s32 @p0 $0x1  }
0x70: {  	[smem:$0x7E6] =	sst s17;
	s17 =	simm.s32 @!p4 $0x0  }
0x71: {  	s17 =	simm.s32 @p4 $0x1  }
0x72: {  	p5 =	seq.s32 s21, $0x1;
	[smem:$0x7E8] =	sst s17  }
0x73: {  	_ =	swait.ge @!p5 [sflag:s15], $0x2780  }
0x74: {  	p0 =	por p4, p4;
	s19 =	sld [smem:$0x7E8]  }
0x75: {  	p0 =	por @!p3 p1, p1  }
0x76: {  	s17 =	simm.s32 @!p0 $0x0  }
0x77: {  	s17 =	simm.s32 @p0 $0x1;
	p0 =	seq.s32 s19, $0x1  }
0x78: {  	p0 =	por @!p3 p1, p1  }
0x79: {  	[smem:$0x7E7] =	sst s17;
	s17 =	simm.s32 @!p0 $0x0  }
0x7a: {  	s17 =	simm.s32 @p0 $0x1  }
0x7b: {  	[smem:$0x7E8] =	sst s17;
	s17 =	simm.s32 @!p4 $0x0  }
0x7c: {  	s21 =	sld [smem:$0x7F3];
	s17 =	simm.s32 @p4 $0x1  }
0x7d: {  	[smem:$0x7EA] =	sst s17  }
0x7e: {  	p0 =	por p4, p4;
	s19 =	sld [smem:$0x7EA]  }
0x7f: {  	p2 =	por @!p3 p1, p1;
	p0 =	por @!p3 p1, p1  }
0x80: {  	p5 =	seq.s32 s21, $0x1;
	s21 =	sld [smem:$0x7F3];
	s17 =	simm.s32 @!p0 $0x0  }
.Ltmp2:
0x81: {  	s17 =	simm.s32 @p0 $0x1;
	p0 =	seq.s32 s19, $0x1;
	(pc) =	sbr.rel .LBB2_8-.Ltmp2, $4  }
0x82: {  	[sflag:s15] =	ssyncset.done @!p5 $0x0;
	p5 =	por p4, p4;
	p0 =	por @!p3 p1, p1  }
0x83: {  	p5 =	por @!p3 p1, p1;
	[smem:$0x7E9] =	sst s17;
	s17 =	simm.s32 @!p0 $0x0  }
0x84: {  	p4 =	por @!p3 p1, p1;
	p1 =	seq.s32 s21, $0x1;
	s17 =	simm.s32 @p0 $0x1  }
0x85: {  	[sflag:s15] =	ssyncadd.s32 @!p1 $0xFFFFD880;
	[smem:$0x7EA] =	sst s17  }
.LBB2_5:
0x86: {  	p0 =	sgt.s32 s7, $0xB  }
.Ltmp3:
0x87: {  	_ = 	snop;
	(pc) =	sbr.rel @p0 .LBB2_7-.Ltmp3, $1  }
0x88: {  	_ =	sdelay $0x3  }
0x89: {  	p1 =	sgt.s32 s7, $0x9  }
0x8a: {  	p2 =	seq.s32 @p1 s7, $0xA  }
0x8b: {  	p0 =	por !p2, !p1  }
0x8c: {  	s19 =	rddreg [dreg:$0x9];
	s15 =	sshrl.u32 @!p0 s24, $0x3;
	s17 =	simm.s32 @!p0 $0x1E82  }
0x8d: {  	[spmem:s15], [sflag:s17] =	dma.local @!p0 [hbm:s19], $0x2780  }
0x8e: {  	s15 =	simm.s32 @!p0 $0x2  }
0x8f: {  	p2 =	por p2, !p1;
	_ =	swait.ge @!p0 [sflag:s15], $0x2780  }
0x90: {  	p5 =	seq.s32 @!p1 s7, $0x8;
	s17 =	simm.s32 @!p2 $0x1EC2;
	[sflag:s15] =	ssyncset.done @!p0 $0x0  }
0x91: {  	s19 =	rddreg [dreg:$0x8];
	[sflag:s15] =	ssyncadd.s32 @!p0 $0xFFFFD880;
	s15 =	sshrl.u32 @!p2 s23, $0x3  }
0x92: {  	[spmem:s15], [sflag:s17] =	dma.local @!p2 [hbm:s19], $0x2780  }
0x93: {  	p3 =	por @!p2 $0x0, $0x0;
	s15 =	simm.s32 @!p2 $0x2;
	s17 =	simm.s32 @!p5 $0x0  }
0x94: {  	p6 =	por @!p2 $0x1, $0x1;
	_ =	swait.ge @!p2 [sflag:s15], $0x2780;
	s17 =	simm.s32 @p5 $0x1  }
0x95: {  	p4 =	por p3, p3;
	[sflag:s15] =	ssyncset.done @!p2 $0x0;
	[smem:$0x7DE] =	sst s17  }
0x96: {  	s19 =	rddreg [dreg:$0xb];
	[sflag:s15] =	ssyncadd.s32 @!p2 $0xFFFFD880;
	p2 =	por !p5, p1  }
0x97: {  	p5 =	por @!p0 $0x0, $0x0;
	s15 =	sshrl.u32 @!p2 s25, $0x3;
	s17 =	simm.s32 @!p2 $0x1E02  }
0x98: {  	[spmem:s15], [sflag:s17] =	dma.local @!p2 [hbm:s19], $0x2780  }
0x99: {  	p4 =	por @!p0 p5, p5;
	p5 =	por @!p0 $0x0, $0x0;
	s17 =	sld [smem:$0x7DE]  }
0x9a: {  	p6 =	por @!p0 p5, p5  }
0x9b: {  	s15 =	simm.s32 @!p6 $0x0  }
0x9c: {  	s15 =	simm.s32 @p6 $0x1;
	p6 =	seq.s32 s17, $0x1  }
0x9d: {  	[smem:$0x7E2] =	sst s15;
	s15 =	simm.s32 @!p2 $0x2;
	p5 =	por p6, p1  }
0x9e: {  	_ =	swait.ge @!p2 [sflag:s15], $0x2780;
	p6 =	por @!p0 $0x1, $0x1;
	s17 =	simm.s32 @!p5 $0x0  }
0x9f: {  	[sflag:s15] =	ssyncset.done @!p2 $0x0;
	p3 =	por @!p0 p6, p6;
	s17 =	simm.s32 @p5 $0x1  }
0xa0: {  	p6 =	por @!p5 $0x0, $0x0;
	[smem:$0x7DF] =	sst s17;
	s17 =	simm.s32 @!p3 $0x0  }
0xa1: {  	p0 =	por @!p2 $0x0, $0x0;
	s17 =	simm.s32 @p3 $0x1;
	p3 =	por p6, p6  }
0xa2: {  	p3 =	por @!p2 p0, p0;
	p0 =	por @!p5 $0x1, $0x1;
	p5 =	por @!p2 $0x0, $0x0  }
0xa3: {  	s21 =	sld [smem:$0x7DF];
	p0 =	por @!p2 p5, p5;
	p5 =	por @!p2 $0x1, $0x1  }
0xa4: {  	[sflag:s15] =	ssyncadd.s32 @!p2 $0xFFFFD880;
	p6 =	por @!p2 p5, p5;
	p2 =	por p4, p4  }
0xa5: {  	s19 =	rddreg [dreg:$0xa];
	p2 =	por @!p1 p0, p0  }
0xa6: {  	[smem:$0x7EA] =	sst s17;
	p5 =	seq.s32 s21, $0x1;
	s15 =	simm.s32 @!p2 $0x0  }
0xa7: {  	s17 =	simm.s32 @!p5 $0x1E42;
	s15 =	simm.s32 @p2 $0x1;
	p2 =	por p4, p4  }
0xa8: {  	[smem:$0x7E3] =	sst s15;
	s15 =	sshrl.u32 @!p5 s18, $0x3;
	p2 =	por @!p1 p6, p6  }
0xa9: {  	[spmem:s15], [sflag:s17] =	dma.local @!p5 [hbm:s19], $0x2780  }
0xaa: {  	p0 =	por p4, p4;
	s15 =	simm.s32 @!p2 $0x0  }
0xab: {  	p0 =	por @!p1 p3, p3;
	s15 =	simm.s32 @p2 $0x1  }
0xac: {  	[smem:$0x7E9] =	sst s15;
	s15 =	simm.s32 @!p0 $0x0  }
0xad: {  	s17 =	sld [smem:$0x7E2];
	s15 =	simm.s32 @p0 $0x1;
	p0 =	por p4, p4  }
0xae: {  	p0 =	por @!p1 p3, p3  }
0xaf: {  	[smem:$0x7E0] =	sst s15;
	s15 =	simm.s32 @!p0 $0x0  }
0xb0: {  	s15 =	simm.s32 @p0 $0x1;
	p0 =	seq.s32 s17, $0x1  }
0xb1: {  	p0 =	por @!p1 p3, p3  }
0xb2: {  	[smem:$0x7E1] =	sst s15;
	s15 =	simm.s32 @!p0 $0x0  }
0xb3: {  	s15 =	simm.s32 @p0 $0x1;
	p0 =	por p4, p4  }
0xb4: {  	p0 =	por @!p1 p3, p3  }
0xb5: {  	p2 =	por p4, p4;
	[smem:$0x7E2] =	sst s15;
	s15 =	simm.s32 @!p0 $0x0  }
0xb6: {  	p2 =	por @!p1 p3, p3;
	s15 =	simm.s32 @p0 $0x1;
	p0 =	por p4, p4  }
0xb7: {  	[smem:$0x7E4] =	sst s15;
	s15 =	simm.s32 @!p2 $0x0;
	p0 =	por @!p1 p3, p3  }
0xb8: {  	s15 =	simm.s32 @p2 $0x1;
	s17 =	simm.s32 @!p0 $0x0  }
0xb9: {  	p6 =	por p4, p4;
	[smem:$0x7E5] =	sst s15;
	s17 =	simm.s32 @p0 $0x1  }
0xba: {  	s15 =	simm.s32 @!p5 $0x2;
	p0 =	por p4, p4;
	[smem:$0x7E6] =	sst s17  }
0xbb: {  	p6 =	por @!p1 p3, p3;
	p0 =	por @!p1 p3, p3;
	_ =	swait.ge @!p5 [sflag:s15], $0x2780  }
0xbc: {  	s17 =	simm.s32 @!p0 $0x0;
	p5 =	por p4, p4;
	s21 =	sld [smem:$0x7EA]  }
0xbd: {  	s17 =	simm.s32 @p0 $0x1;
	s19 =	sld [smem:$0x7DF];
	p5 =	por @!p1 p3, p3  }
0xbe: {  	p2 =	por p4, p4;
	[smem:$0x7E7] =	sst s17;
	s17 =	simm.s32 @!p5 $0x0  }
.Ltmp4:
0xbf: {  	s17 =	simm.s32 @p5 $0x1;
	p5 =	seq.s32 s21, $0x1;
	(pc) =	sbr.rel .LBB2_8-.Ltmp4, $4  }
0xc0: {  	p2 =	por @!p1 p3, p3;
	p0 =	seq.s32 s19, $0x1;
	p5 =	por @!p1 p3, p3  }
0xc1: {  	[smem:$0x7E8] =	sst s17;
	[sflag:s15] =	ssyncset.done @!p0 $0x0;
	s17 =	simm.s32 @!p5 $0x0  }
0xc2: {  	[sflag:s15] =	ssyncadd.s32 @!p0 $0xFFFFD880;
	s17 =	simm.s32 @p5 $0x1;
	p5 =	por p4, p4  }
0xc3: {  	p4 =	por @!p1 p3, p3;
	[smem:$0x7EA] =	sst s17;
	p5 =	por @!p1 p3, p3  }
.LBB2_4:
0xc4: {  	s15 =	sld [smem:$0x7F4];
	_ =	sdelay $0x2  }
0xc5: {  	p2 =	seq.s32 s15, $0x1  }
0xc6: {  	s19 =	rddreg [dreg:$0xd];
	s15 =	sshrl.u32 @!p2 s28, $0x3;
	s17 =	simm.s32 @!p2 $0x1D82  }
0xc7: {  	[spmem:s15], [sflag:s17] =	dma.local @!p2 [hbm:s19], $0x2780  }
0xc8: {  	s15 =	simm.s32 @!p2 $0x2  }
0xc9: {  	_ =	swait.ge @!p2 [sflag:s15], $0x2780  }
0xca: {  	s21 =	sld [smem:$0x7F5];
	_ =	sdelay $0x2  }
0xcb: {  	[sflag:s15] =	ssyncset.done @!p2 $0x0;
	s19 =	rddreg [dreg:$0xc];
	p3 =	seq.s32 s21, $0x1  }
0xcc: {  	[sflag:s15] =	ssyncadd.s32 @!p2 $0xFFFFD880;
	s15 =	sshrl.u32 @!p3 s26, $0x3;
	s17 =	simm.s32 @!p3 $0x1DC2  }
0xcd: {  	[spmem:s15], [sflag:s17] =	dma.local @!p3 [hbm:s19], $0x2780  }
0xce: {  	s15 =	simm.s32 @!p3 $0x2  }
0xcf: {  	_ =	swait.ge @!p3 [sflag:s15], $0x2780  }
0xd0: {  	s17 =	sld [smem:$0x7F6];
	_ =	sdelay $0x1  }
0xd1: {  	p0 =	por @!p2 $0x1, $0x1;
	p1 =	por @!p2 $0x0, $0x0;
	p5 =	por @!p3 $0x1, $0x1  }
0xd2: {  	[sflag:s15] =	ssyncset.done @!p3 $0x0;
	s19 =	rddreg [dreg:$0x10];
	p6 =	seq.s32 s17, $0x1  }
0xd3: {  	[sflag:s15] =	ssyncadd.s32 @!p3 $0xFFFFD880;
	s15 =	sshrl.u32 @!p6 s30, $0x3;
	s17 =	simm.s32 @!p6 $0x1D02  }
0xd4: {  	[spmem:s15], [sflag:s17] =	dma.local @!p6 [hbm:s19], $0x2780  }
0xd5: {  	p4 =	por @!p3 $0x0, $0x0;
	p5 =	por @!p2 p1, p1;
	s15 =	simm.s32 @!p6 $0x2  }
0xd6: {  	p3 =	por @!p3 $0x0, $0x0;
	s17 =	simm.s32 @!p5 $0x0;
	_ =	swait.ge @!p6 [sflag:s15], $0x2780  }
0xd7: {  	p3 =	por @!p2 p0, p0;
	s17 =	simm.s32 @p5 $0x1;
	s19 =	sld [smem:$0x7F8]  }
0xd8: {  	[smem:$0x7E4] =	sst s17;
	s17 =	simm.s32 @!p3 $0x0  }
0xd9: {  	[sflag:s15] =	ssyncset.done @!p6 $0x0;
	s17 =	simm.s32 @p3 $0x1  }
0xda: {  	[sflag:s15] =	ssyncadd.s32 @!p6 $0xFFFFD880;
	[smem:$0x7E8] =	sst s17;
	p0 =	seq.s32 s19, $0x1  }
0xdb: {  	s19 =	rddreg [dreg:$0xf];
	s15 =	sshrl.u32 @!p0 s29, $0x3;
	s17 =	simm.s32 @!p0 $0x1D42  }
0xdc: {  	[spmem:s15], [sflag:s17] =	dma.local @!p0 [hbm:s19], $0x2780  }
0xdd: {  	p4 =	por @!p2 p1, p1;
	p2 =	por @!p6 $0x0, $0x0;
	s15 =	sld [smem:$0x7F7]  }
0xde: {  	p3 =	por @!p6 $0x1, $0x1;
	p5 =	por @!p0 $0x1, $0x1;
	p1 =	por @!p0 $0x0, $0x0  }
0xdf: {  	p1 =	por @!p6 p2, p2;
	p5 =	por @!p6 p2, p2;
	p2 =	por @!p0 $0x0, $0x0  }
0xe0: {  	p0 =	por p4, p4;
	p2 =	por @!p6 p3, p3;
	p3 =	seq.s32 s15, $0x1  }
0xe1: {  	p0 =	por @!p3 p5, p5  }
0xe2: {  	s15 =	simm.s32 @!p0 $0x0  }
0xe3: {  	s15 =	simm.s32 @p0 $0x1;
	p0 =	por p4, p4  }
0xe4: {  	p0 =	por @!p3 p2, p2  }
0xe5: {  	p5 =	por p4, p4;
	[smem:$0x7E5] =	sst s15;
	s15 =	simm.s32 @!p0 $0x0  }
0xe6: {  	p5 =	por @!p3 p1, p1;
	s15 =	simm.s32 @p0 $0x1  }
0xe7: {  	[smem:$0x7E7] =	sst s15;
	s15 =	simm.s32 @!p5 $0x0  }
0xe8: {  	s15 =	simm.s32 @p5 $0x1;
	p5 =	por p4, p4  }
0xe9: {  	p5 =	por @!p3 p1, p1  }
0xea: {  	p2 =	por p4, p4;
	[smem:$0x7E0] =	sst s15;
	s15 =	simm.s32 @!p5 $0x0  }
0xeb: {  	p2 =	por @!p3 p1, p1;
	s15 =	simm.s32 @p5 $0x1  }
0xec: {  	[smem:$0x7E1] =	sst s15;
	s15 =	simm.s32 @!p2 $0x0  }
0xed: {  	s21 =	sld [smem:$0x7E4];
	s15 =	simm.s32 @p2 $0x1;
	p2 =	por p4, p4  }
0xee: {  	p2 =	por @!p3 p1, p1  }
0xef: {  	[smem:$0x7E2] =	sst s15;
	s15 =	simm.s32 @!p2 $0x0  }
0xf0: {  	s15 =	simm.s32 @p2 $0x1;
	p2 =	seq.s32 s21, $0x1  }
0xf1: {  	s17 =	sld [smem:$0x7F8];
	p2 =	por @!p3 p1, p1  }
0xf2: {  	[smem:$0x7E3] =	sst s15;
	s15 =	simm.s32 @!p2 $0x0  }
0xf3: {  	s15 =	simm.s32 @p2 $0x1;
	p2 =	por p4, p4  }
0xf4: {  	p2 =	por @!p3 p1, p1  }
0xf5: {  	p0 =	seq.s32 s17, $0x1;
	s17 =	simm.s32 @!p2 $0x0  }
0xf6: {  	[smem:$0x7E4] =	sst s15;
	s17 =	simm.s32 @p2 $0x1  }
0xf7: {  	s15 =	simm.s32 @!p0 $0x2;
	[smem:$0x7E6] =	sst s17  }
0xf8: {  	_ =	swait.ge @!p0 [sflag:s15], $0x2780  }
0xf9: {  	s19 =	sld [smem:$0x7E8];
	_ =	sdelay $0x2  }
0xfa: {  	p5 =	seq.s32 s19, $0x1  }
0xfb: {  	p5 =	por @!p3 p1, p1  }
0xfc: {  	s17 =	simm.s32 @!p5 $0x0  }
0xfd: {  	s17 =	simm.s32 @p5 $0x1  }
0xfe: {  	[smem:$0x7E8] =	sst s17;
	s17 =	simm.s32 @!p4 $0x0  }
0xff: {  	s21 =	sld [smem:$0x7F8];
	s17 =	simm.s32 @p4 $0x1  }
0x100: {  	[smem:$0x7E9] =	sst s17  }
0x101: {  	s19 =	sld [smem:$0x7E9];
	_ =	sdelay $0x1  }
0x102: {  	p6 =	por p4, p4;
	p0 =	seq.s32 s21, $0x1  }
0x103: {  	p6 =	por @!p3 p1, p1;
	[sflag:s15] =	ssyncset.done @!p0 $0x0;
	p0 =	seq.s32 s19, $0x1  }
0x104: {  	p2 =	por p4, p4;
	s21 =	sld [smem:$0x7F8];
	p0 =	por @!p3 p1, p1  }
.Ltmp5:
0x105: {  	p5 =	por p4, p4;
	s17 =	simm.s32 @!p0 $0x0;
	(pc) =	sbr.rel .LBB2_8-.Ltmp5, $4  }
0x106: {  	p2 =	por @!p3 p1, p1;
	p5 =	por @!p3 p1, p1;
	s17 =	simm.s32 @p0 $0x1  }
0x107: {  	p0 =	seq.s32 s21, $0x1;
	[smem:$0x7E9] =	sst s17;
	s17 =	simm.s32 @!p5 $0x0  }
0x108: {  	[sflag:s15] =	ssyncadd.s32 @!p0 $0xFFFFD880;
	s17 =	simm.s32 @p5 $0x1;
	p5 =	por p4, p4  }
0x109: {  	p4 =	por @!p3 p1, p1;
	[smem:$0x7EA] =	sst s17;
	p5 =	por @!p3 p1, p1  }
.LBB2_7:
0x10a: {  	p1 =	sgt.s32 s7, $0xD;
	s15 =	sld [smem:$0x7FB]  }
0x10b: {  	p2 =	seq.s32 @p1 s7, $0xE  }
0x10c: {  	p0 =	por !p2, !p1  }
0x10d: {  	s19 =	rddreg [dreg:$0x5];
	s15 =	sshrl.u32 @!p0 s15, $0x3;
	s17 =	simm.s32 @!p0 $0x1F82  }
0x10e: {  	[spmem:s15], [sflag:s17] =	dma.local @!p0 [hbm:s19], $0x2780  }
0x10f: {  	s15 =	simm.s32 @!p0 $0x2  }
0x110: {  	_ =	swait.ge @!p0 [sflag:s15], $0x2780  }
0x111: {  	[sflag:s15] =	ssyncset.done @!p0 $0x0  }
0x112: {  	[sflag:s15] =	ssyncadd.s32 @!p0 $0xFFFFD880;
	s15 =	sld [smem:$0x7FA];
	_ =	sdelay $0x1  }
0x113: {  	p2 =	por p2, !p1  }
0x114: {  	s17 =	simm.s32 @!p2 $0x1FC2;
	s19 =	rddreg [dreg:$0x4];
	s15 =	sshrl.u32 @!p2 s15, $0x3  }
0x115: {  	[spmem:s15], [sflag:s17] =	dma.local @!p2 [hbm:s19], $0x2080  }
0x116: {  	s15 =	simm.s32 @!p2 $0x2  }
0x117: {  	p3 =	por @!p0 $0x0, $0x0;
	p5 =	por @!p2 $0x1, $0x1;
	_ =	swait.ge @!p2 [sflag:s15], $0x2080  }
0x118: {  	p6 =	seq.s32 @!p1 s7, $0xC;
	p5 =	por @!p0 p3, p3;
	[sflag:s15] =	ssyncset.done @!p2 $0x0  }
0x119: {  	p4 =	por @!p2 $0x0, $0x0;
	[sflag:s15] =	ssyncadd.s32 @!p2 $0xFFFFDF80;
	s15 =	simm.s32 @!p5 $0x0  }
0x11a: {  	s19 =	rddreg [dreg:$0x7];
	p2 =	por !p6, p1;
	s15 =	simm.s32 @p5 $0x1  }
0x11b: {  	s17 =	simm.s32 @!p2 $0x1F02;
	p5 =	por p4, p4;
	[smem:$0x7E0] =	sst s15  }
0x11c: {  	s15 =	sshrl.u32 @!p2 s22, $0x3;
	p5 =	por @!p0 p3, p3;
	p3 =	por p6, p1  }
0x11d: {  	[spmem:s15], [sflag:s17] =	dma.local @!p2 [hbm:s19], $0x2780  }
0x11e: {  	s17 =	simm.s32 @!p3 $0x0  }
0x11f: {  	s17 =	simm.s32 @p3 $0x1  }
0x120: {  	s15 =	simm.s32 @!p2 $0x2;
	[smem:$0x7DD] =	sst s17  }
0x121: {  	_ =	swait.ge @!p2 [sflag:s15], $0x2780  }
0x122: {  	s19 =	sld [smem:$0x7DD]  }
0x123: {  	p6 =	por @!p0 $0x1, $0x1;
	p3 =	por @!p3 $0x0, $0x0  }
0x124: {  	p4 =	por @!p0 p6, p6;
	p0 =	por @!p2 $0x0, $0x0;
	s17 =	simm.s32 @!p3 $0x0  }
0x125: {  	s17 =	simm.s32 @p3 $0x1;
	p3 =	por @!p2 p0, p0;
	p0 =	seq.s32 s19, $0x1  }
0x126: {  	p6 =	por @!p2 $0x0, $0x0;
	p0 =	por @!p0 $0x1, $0x1  }
0x127: {  	p0 =	por @!p2 p6, p6  }
0x128: {  	[smem:$0x7DC] =	sst s17;
	s17 =	simm.s32 @!p0 $0x0  }
0x129: {  	s21 =	sld [smem:$0x7DC];
	s17 =	simm.s32 @p0 $0x1  }
0x12a: {  	[smem:$0x7DB] =	sst s17  }
0x12b: {  	s19 =	sld [smem:$0x7DB]  }
0x12c: {  	[sflag:s15] =	ssyncset.done @!p2 $0x0  }
0x12d: {  	[sflag:s15] =	ssyncadd.s32 @!p2 $0xFFFFD880;
	p6 =	seq.s32 s21, $0x1;
	p0 =	por @!p2 $0x1, $0x1  }
0x12e: {  	p6 =	por @!p2 p0, p0;
	p2 =	por p5, p5;
	p0 =	seq.s32 s19, $0x1  }
0x12f: {  	p2 =	por @!p1 p0, p0  }
0x130: {  	s15 =	simm.s32 @!p2 $0x0  }
0x131: {  	s21 =	sld [smem:$0x7DD];
	s15 =	simm.s32 @p2 $0x1  }
0x132: {  	[smem:$0x7E1] =	sst s15  }
0x133: {  	s17 =	simm.s32 @!p6 $0x0;
	s15 =	sld [smem:$0x7FD]  }
0x134: {  	s17 =	simm.s32 @p6 $0x1  }
0x135: {  	p6 =	seq.s32 s21, $0x1;
	[smem:$0x7DC] =	sst s17  }
0x136: {  	s17 =	simm.s32 @!p6 $0x1F42;
	s19 =	rddreg [dreg:$0x6];
	s15 =	sshrl.u32 @!p6 s15, $0x3  }
0x137: {  	[spmem:s15], [sflag:s17] =	dma.local @!p6 [hbm:s19], $0x2780  }
0x138: {  	s15 =	simm.s32 @!p5 $0x0  }
0x139: {  	s15 =	simm.s32 @p5 $0x1  }
0x13a: {  	[smem:$0x7E2] =	sst s15;
	s15 =	simm.s32 @!p5 $0x0  }
0x13b: {  	s15 =	simm.s32 @p5 $0x1  }
0x13c: {  	[smem:$0x7E3] =	sst s15;
	s15 =	simm.s32 @!p5 $0x0  }
0x13d: {  	s15 =	simm.s32 @p5 $0x1  }
0x13e: {  	[smem:$0x7E4] =	sst s15;
	s15 =	simm.s32 @!p5 $0x0  }
0x13f: {  	s15 =	simm.s32 @p5 $0x1  }
0x140: {  	[smem:$0x7E5] =	sst s15;
	s15 =	simm.s32 @!p5 $0x0  }
0x141: {  	s15 =	simm.s32 @p5 $0x1  }
0x142: {  	[smem:$0x7E6] =	sst s15;
	s15 =	simm.s32 @!p5 $0x0  }
0x143: {  	s19 =	sld [smem:$0x7DC];
	s15 =	simm.s32 @p5 $0x1  }
0x144: {  	[smem:$0x7E7] =	sst s15;
	s15 =	simm.s32 @!p5 $0x0  }
0x145: {  	s21 =	sld [smem:$0x7E0];
	s15 =	simm.s32 @p5 $0x1  }
0x146: {  	p2 =	por p5, p5;
	[smem:$0x7E8] =	sst s15;
	s15 =	simm.s32 @!p5 $0x0  }
0x147: {  	p6 =	por p5, p5;
	s17 =	sld [smem:$0x7E2];
	s15 =	simm.s32 @p5 $0x1  }
0x148: {  	p0 =	seq.s32 s19, $0x1;
	[smem:$0x7E9] =	sst s15;
	s15 =	simm.s32 @!p5 $0x0  }
0x149: {  	s15 =	simm.s32 @p5 $0x1;
	p5 =	por @!p1 p0, p0;
	p0 =	seq.s32 s21, $0x1  }
0x14a: {  	p0 =	por @!p1 p3, p3  }
0x14b: {  	[smem:$0x7EA] =	sst s15;
	s15 =	simm.s32 @!p0 $0x0  }
0x14c: {  	s19 =	sld [smem:$0x7E3];
	s15 =	simm.s32 @p0 $0x1;
	p0 =	seq.s32 s17, $0x1  }
0x14d: {  	p0 =	por @!p1 p3, p3  }
0x14e: {  	[smem:$0x7E0] =	sst s15;
	s15 =	simm.s32 @!p0 $0x0  }
0x14f: {  	s21 =	sld [smem:$0x7E4];
	s15 =	simm.s32 @p0 $0x1;
	p0 =	seq.s32 s19, $0x1  }
0x150: {  	p0 =	por @!p1 p3, p3  }
0x151: {  	[smem:$0x7E2] =	sst s15;
	s15 =	simm.s32 @!p0 $0x0  }
0x152: {  	s17 =	sld [smem:$0x7E5];
	s15 =	simm.s32 @p0 $0x1;
	p0 =	seq.s32 s21, $0x1  }
0x153: {  	p0 =	por @!p1 p3, p3  }
0x154: {  	[smem:$0x7E3] =	sst s15;
	s15 =	simm.s32 @!p0 $0x0  }
0x155: {  	s19 =	sld [smem:$0x7DD];
	s15 =	simm.s32 @p0 $0x1;
	p0 =	seq.s32 s17, $0x1  }
0x156: {  	s17 =	sld [smem:$0x7E6];
	p0 =	por @!p1 p3, p3  }
0x157: {  	[smem:$0x7E4] =	sst s15;
	s15 =	simm.s32 @!p0 $0x0  }
0x158: {  	s15 =	simm.s32 @p0 $0x1;
	p0 =	seq.s32 s19, $0x1  }
0x159: {  	[smem:$0x7E5] =	sst s15;
	s15 =	simm.s32 @!p0 $0x2;
	p0 =	seq.s32 s17, $0x1  }
0x15a: {  	s21 =	sld [smem:$0x7DD];
	p0 =	por @!p1 p3, p3  }
0x15b: {  	s17 =	simm.s32 @!p0 $0x0  }
0x15c: {  	s17 =	simm.s32 @p0 $0x1  }
0x15d: {  	p0 =	seq.s32 s21, $0x1;
	[smem:$0x7E6] =	sst s17  }
0x15e: {  	_ =	swait.ge @!p0 [sflag:s15], $0x2780  }
0x15f: {  	s19 =	sld [smem:$0x7E7];
	_ =	sdelay $0x2  }
0x160: {  	s21 =	sld [smem:$0x7DD];
	p0 =	seq.s32 s19, $0x1  }
0x161: {  	s19 =	sld [smem:$0x7E8];
	p0 =	por @!p1 p3, p3  }
0x162: {  	s17 =	simm.s32 @!p0 $0x0  }
0x163: {  	s17 =	simm.s32 @p0 $0x1;
	p0 =	seq.s32 s21, $0x1  }
0x164: {  	s21 =	sld [smem:$0x7E9];
	[sflag:s15] =	ssyncset.done @!p0 $0x0;
	p0 =	seq.s32 s19, $0x1  }
0x165: {  	p0 =	por @!p1 p3, p3  }
0x166: {  	[smem:$0x7E7] =	sst s17;
	s17 =	simm.s32 @!p0 $0x0  }
0x167: {  	s19 =	sld [smem:$0x7EA];
	s17 =	simm.s32 @p0 $0x1;
	p0 =	seq.s32 s21, $0x1  }
0x168: {  	p0 =	por @!p1 p3, p3  }
0x169: {  	[smem:$0x7E8] =	sst s17;
	s17 =	simm.s32 @!p0 $0x0  }
0x16a: {  	s21 =	sld [smem:$0x7DD];
	s17 =	simm.s32 @p0 $0x1;
	p0 =	seq.s32 s19, $0x1  }
0x16b: {  	p0 =	por @!p1 p3, p3  }
0x16c: {  	p4 =	por @!p1 p3, p3;
	[smem:$0x7E9] =	sst s17;
	s17 =	simm.s32 @!p0 $0x0  }
0x16d: {  	p2 =	por @!p1 p3, p3;
	s17 =	simm.s32 @p0 $0x1;
	p0 =	seq.s32 s21, $0x1  }
0x16e: {  	p6 =	por @!p1 p3, p3;
	[smem:$0x7EA] =	sst s17;
	[sflag:s15] =	ssyncadd.s32 @!p0 $0xFFFFD880  }
.LBB2_8:
0x16f: {  	p3 =	sne.s32 s16, $0x1  }
.Ltmp6:
0x170: {  	_ = 	snop;
	(pc) =	sbr.rel @!p3 .LBB2_11-.Ltmp6, $3  }
0x171: {  	_ =	sdelay $0x1  }
0x172: {  	[bflag:$0x0] =	sbarrier.arrive $0xFFFF  }
0x173: {  	s15 =	sadd.s32 $0xFFFFFFFF, s16;
	s19 =	sshrl.u32 s20, $0x3;
	p1 =	por $0x0, $0x0  }
0x174: {  	s17 =	sadd.s32 s3, s19  }
0x175: {  	[tilespmem:s8], [sflag:$0x2] =	stream.linear.gather [hbm4b:s17+s2], $0x80, $0x38;
	[tilespmem:$0x17980] =	vst v63  }
0x176: {  	_ =	swait.ge [sflag:s9], $0x80  }
0x177: {  	[sflag:s9] =	ssyncset.done $0x0  }
0x178: {  	s21 =	sadd.s32 s4, s19;
	[sflag:s9] =	ssyncadd.s32 $0xFFFFFF80  }
0x179: {  	[tilespmem:s10], [sflag:$0x2] =	stream.linear.gather [hbm4b:s21+s2], $0x80, $0x38;
	[tilespmem:$0x17980] =	vst v63  }
0x17a: {  	_ =	swait.ge [sflag:s9], $0x80  }
0x17b: {  	[sflag:s9] =	ssyncset.done $0x0  }
0x17c: {  	[sflag:s9] =	ssyncadd.s32 $0xFFFFFF80  }
0x17d: {  	[tilespmem:s12], [sflag:$0x1] =	stream.indirect.gather [hbm4b:s5+s11], $0x80, s8, s11, $0xb8;
	[tilespmem:$0x17980] =	vst v63  }
0x17e: {  	p3 =	sne.s32 s15, $0x1;
	_ =	swait.ge [sflag:s13], $0x4000  }
.Ltmp7:
0x17f: {  	[sflag:s13] =	ssyncset.done $0x0;
	(pc) =	sbr.rel @!p3 .LBB2_11-.Ltmp7, $4  }
0x180: {  	[sflag:s13] =	ssyncadd.s32 $0xFFFFC000  }
0x181: {  	[spmem:s1] =	stream.indirect.scatter.add.f32 [tilespmem:s12], [sflag:$0x2], $0x80, s10, s11, $0xb8;
	[tilespmem:$0x17980] =	vst v63  }
0x182: {  	s15 =	sadd.s32 $0xFFFFFFFF, s15;
	s17 =	sadd.s32 $0x1000, s20;
	_ =	swait.ge [sflag:s9], $0x4000  }
0x183: {  	p1 =	por $0x1, $0x1;
	s19 =	sshrl.u32 s17, $0x3;
	[sflag:s9] =	ssyncset.done $0x0  }
.LBB2_10:
0x184: {  	p3 =	sne.s32 s15, $0x1;
	s21 =	sadd.s32 s3, s19;
	[sflag:s9] =	ssyncadd.s32 $0xFFFFC000  }
0x185: {  	[tilespmem:s8], [sflag:$0x2] =	stream.linear.gather [hbm4b:s21+s2], $0x80, $0x38;
	[tilespmem:$0x17980] =	vst v63  }
0x186: {  	s15 =	sadd.s32 $0xFFFFFFFF, s15;
	_ =	swait.ge [sflag:s9], $0x80  }
0x187: {  	[sflag:s9] =	ssyncset.done $0x0  }
0x188: {  	s19 =	sadd.s32 s4, s19;
	[sflag:s9] =	ssyncadd.s32 $0xFFFFFF80  }
0x189: {  	[tilespmem:s10], [sflag:$0x2] =	stream.linear.gather [hbm4b:s19+s2], $0x80, $0x38;
	[tilespmem:$0x17980] =	vst v63  }
0x18a: {  	_ =	swait.ge [sflag:s9], $0x80  }
0x18b: {  	[sflag:s9] =	ssyncset.done $0x0  }
0x18c: {  	[sflag:s9] =	ssyncadd.s32 $0xFFFFFF80  }
0x18d: {  	[tilespmem:s12], [sflag:$0x1] =	stream.indirect.gather [hbm4b:s5+s11], $0x80, s8, s11, $0xb8;
	[tilespmem:$0x17980] =	vst v63  }
0x18e: {  	_ =	swait.ge [sflag:s13], $0x4000  }
.Ltmp8:
0x18f: {  	[sflag:s13] =	ssyncset.done $0x0;
	(pc) =	sbr.rel @p3 .LBB2_10-.Ltmp8, $4  }
0x190: {  	[sflag:s13] =	ssyncadd.s32 $0xFFFFC000  }
0x191: {  	[spmem:s1] =	stream.indirect.scatter.add.f32 [tilespmem:s12], [sflag:$0x2], $0x80, s10, s11, $0xb8;
	[tilespmem:$0x17980] =	vst v63  }
0x192: {  	s17 =	sadd.s32 $0x1000, s17;
	_ =	swait.ge [sflag:s9], $0x4000  }
0x193: {  	s19 =	sshrl.u32 s17, $0x3;
	[sflag:s9] =	ssyncset.done $0x0  }
.LBB2_11:
0x194: {  	[sflag:s9] =	ssyncadd.s32 @p1 $0xFFFFC000;
	s15 =	sadd.s32 s3, s19  }
0x195: {  	[tilespmem:s8], [sflag:$0x2] =	stream.linear.gather [hbm4b:s15+s2], $0x80, $0x38;
	[tilespmem:$0x17980] =	vst v63  }
0x196: {  	_ =	swait.ge [sflag:s9], $0x80  }
0x197: {  	[sflag:s9] =	ssyncset.done $0x0  }
0x198: {  	s17 =	sadd.s32 s4, s19;
	[sflag:s9] =	ssyncadd.s32 $0xFFFFFF80  }
0x199: {  	[tilespmem:s10], [sflag:$0x2] =	stream.linear.gather [hbm4b:s17+s2], $0x80, $0x38;
	[tilespmem:$0x17980] =	vst v63  }
0x19a: {  	_ =	swait.ge [sflag:s9], $0x80  }
0x19b: {  	[sflag:s9] =	ssyncset.done $0x0  }
0x19c: {  	[sflag:s9] =	ssyncadd.s32 $0xFFFFFF80  }
0x19d: {  	[tilespmem:s12], [sflag:$0x1] =	stream.indirect.gather [hbm4b:s5+s11], $0x80, s8, s11, $0xb8;
	[tilespmem:$0x17980] =	vst v63  }
0x19e: {  	_ =	swait.ge [sflag:s13], $0x4000  }
0x19f: {  	[sflag:s13] =	ssyncset.done $0x0  }
0x1a0: {  	[sflag:s13] =	ssyncadd.s32 $0xFFFFC000  }
0x1a1: {  	[spmem:s1] =	stream.indirect.scatter.add.f32 [tilespmem:s12], [sflag:$0x2], $0x80, s10, s11, $0xb8;
	[tilespmem:$0x17980] =	vst v63  }
0x1a2: {  	_ =	swait.ge [sflag:s9], $0x4000  }
0x1a3: {  	[sflag:s9] =	ssyncset.done $0x0  }
0x1a4: {  	[sflag:s9] =	ssyncadd.s32 $0xFFFFC000  }
0x1a5: {  	p1 =	sne.s32 s7, $0x0;
	[bflag:$0x0] =	sbarrier.arrive $0xFFFF  }
0x1a6: {  	s15 =	sshrl.u32 @!p1 s1, $0x3;
	s17 =	simm.s32 @!p1 $0x1C02;
	s19 =	rddreg [dreg:$0xe]  }
0x1a7: {  	[hbm:s19], [sflag:s17] =	dma.local @!p1 [spmem:s15], $0x2780  }
0x1a8: {  	s15 =	simm.s32 @!p1 $0x2  }
0x1a9: {  	_ =	swait.ge @!p1 [sflag:s15], $0x2780  }
0x1aa: {  	s17 =	sshll.u32 @p6 s7, $0x6;
	[sflag:s15] =	ssyncset.done @!p1 $0x0;
	s19 =	rddreg [dreg:$0x14]  }
0x1ab: {  	[sflag:s15] =	ssyncadd.s32 @!p1 $0xFFFFD880;
	s15 =	sor.u32 @p6 $0x1C02, s17;
	s17 =	sshrl.u32 @p6 s6, $0x3  }
0x1ac: {  	[hbm:s19], [sflag:s15] =	dma.local @p6 [spmem:s17], $0x2780  }
0x1ad: {  	s15 =	simm.s32 @p6 $0x2  }
0x1ae: {  	_ =	swait.ge @p6 [sflag:s15], $0x2780  }
0x1af: {  	s17 =	sshll.u32 @p2 s7, $0x6;
	[sflag:s15] =	ssyncset.done @p6 $0x0;
	s19 =	rddreg [dreg:$0x15]  }
0x1b0: {  	[sflag:s15] =	ssyncadd.s32 @p6 $0xFFFFD880;
	s15 =	sor.u32 @p2 $0x1C02, s17;
	s17 =	sshrl.u32 @p2 s0, $0x3  }
0x1b1: {  	[hbm:s19], [sflag:s15] =	dma.local @p2 [spmem:s17], $0x2780  }
0x1b2: {  	s15 =	simm.s32 @p2 $0x2  }
0x1b3: {  	_ =	swait.ge @p2 [sflag:s15], $0x2780  }
0x1b4: {  	s19 =	sld [smem:$0x7E6];
	_ =	sdelay $0x2  }
0x1b5: {  	[sflag:s15] =	ssyncset.done @p2 $0x0;
	p3 =	seq.s32 s19, $0x1  }
0x1b6: {  	[sflag:s15] =	ssyncadd.s32 @p2 $0xFFFFD880;
	s17 =	sshll.u32 @p3 s7, $0x6  }
0x1b7: {  	s19 =	rddreg [dreg:$0x16];
	s15 =	sor.u32 @p3 $0x1C02, s17;
	s17 =	sshrl.u32 @p3 s31, $0x3  }
0x1b8: {  	[hbm:s19], [sflag:s15] =	dma.local @p3 [spmem:s17], $0x2780  }
0x1b9: {  	s15 =	simm.s32 @p3 $0x2  }
0x1ba: {  	_ =	swait.ge @p3 [sflag:s15], $0x2780  }
0x1bb: {  	s21 =	sld [smem:$0x7E7];
	_ =	sdelay $0x2  }
0x1bc: {  	p0 =	seq.s32 s21, $0x1  }
0x1bd: {  	[sflag:s15] =	ssyncset.done @p3 $0x0;
	s19 =	rddreg [dreg:$0x17];
	s17 =	sshll.u32 @p0 s7, $0x6  }
0x1be: {  	[sflag:s15] =	ssyncadd.s32 @p3 $0xFFFFD880;
	s15 =	sor.u32 @p0 $0x1C02, s17;
	s17 =	sshrl.u32 @p0 s30, $0x3  }
0x1bf: {  	[hbm:s19], [sflag:s15] =	dma.local @p0 [spmem:s17], $0x2780  }
0x1c0: {  	s15 =	simm.s32 @p0 $0x2  }
0x1c1: {  	_ =	swait.ge @p0 [sflag:s15], $0x2780  }
0x1c2: {  	s19 =	sld [smem:$0x7E5];
	_ =	sdelay $0x2  }
0x1c3: {  	[sflag:s15] =	ssyncset.done @p0 $0x0;
	p2 =	seq.s32 s19, $0x1  }
0x1c4: {  	[sflag:s15] =	ssyncadd.s32 @p0 $0xFFFFD880;
	s17 =	sshll.u32 @p2 s7, $0x6  }
0x1c5: {  	s19 =	rddreg [dreg:$0x18];
	s15 =	sor.u32 @p2 $0x1C02, s17;
	s17 =	sshrl.u32 @p2 s29, $0x3  }
0x1c6: {  	[hbm:s19], [sflag:s15] =	dma.local @p2 [spmem:s17], $0x2780  }
0x1c7: {  	s15 =	simm.s32 @p2 $0x2  }
0x1c8: {  	_ =	swait.ge @p2 [sflag:s15], $0x2780  }
0x1c9: {  	s21 =	sld [smem:$0x7E8];
	_ =	sdelay $0x2  }
0x1ca: {  	p3 =	seq.s32 s21, $0x1  }
0x1cb: {  	[sflag:s15] =	ssyncset.done @p2 $0x0;
	s19 =	rddreg [dreg:$0x19];
	s17 =	sshll.u32 @p3 s7, $0x6  }
0x1cc: {  	[sflag:s15] =	ssyncadd.s32 @p2 $0xFFFFD880;
	s15 =	sor.u32 @p3 $0x1C02, s17;
	s17 =	sshrl.u32 @p3 s28, $0x3  }
0x1cd: {  	[hbm:s19], [sflag:s15] =	dma.local @p3 [spmem:s17], $0x2780  }
0x1ce: {  	s15 =	simm.s32 @p3 $0x2  }
0x1cf: {  	_ =	swait.ge @p3 [sflag:s15], $0x2780  }
0x1d0: {  	s19 =	sld [smem:$0x7E4];
	_ =	sdelay $0x2  }
0x1d1: {  	[sflag:s15] =	ssyncset.done @p3 $0x0;
	p0 =	seq.s32 s19, $0x1  }
0x1d2: {  	[sflag:s15] =	ssyncadd.s32 @p3 $0xFFFFD880;
	s17 =	sshll.u32 @p0 s7, $0x6  }
0x1d3: {  	s19 =	rddreg [dreg:$0x1a];
	s15 =	sor.u32 @p0 $0x1C02, s17;
	s17 =	sshrl.u32 @p0 s26, $0x3  }
0x1d4: {  	[hbm:s19], [sflag:s15] =	dma.local @p0 [spmem:s17], $0x2780  }
0x1d5: {  	s15 =	simm.s32 @p0 $0x2  }
0x1d6: {  	_ =	swait.ge @p0 [sflag:s15], $0x2780  }
0x1d7: {  	s21 =	sld [smem:$0x7E9];
	_ =	sdelay $0x2  }
0x1d8: {  	p2 =	seq.s32 s21, $0x1  }
0x1d9: {  	[sflag:s15] =	ssyncset.done @p0 $0x0;
	s19 =	rddreg [dreg:$0x1b];
	s17 =	sshll.u32 @p2 s7, $0x6  }
0x1da: {  	[sflag:s15] =	ssyncadd.s32 @p0 $0xFFFFD880;
	s15 =	sor.u32 @p2 $0x1C02, s17;
	s17 =	sshrl.u32 @p2 s25, $0x3  }
0x1db: {  	[hbm:s19], [sflag:s15] =	dma.local @p2 [spmem:s17], $0x2780  }
0x1dc: {  	s15 =	simm.s32 @p2 $0x2  }
0x1dd: {  	_ =	swait.ge @p2 [sflag:s15], $0x2780  }
0x1de: {  	s19 =	sld [smem:$0x7E3];
	_ =	sdelay $0x2  }
0x1df: {  	[sflag:s15] =	ssyncset.done @p2 $0x0;
	p0 =	seq.s32 s19, $0x1  }
0x1e0: {  	[sflag:s15] =	ssyncadd.s32 @p2 $0xFFFFD880;
	s17 =	sshll.u32 @p0 s7, $0x6  }
0x1e1: {  	s19 =	rddreg [dreg:$0x1c];
	s15 =	sor.u32 @p0 $0x1C02, s17;
	s17 =	sshrl.u32 @p0 s18, $0x3  }
0x1e2: {  	[hbm:s19], [sflag:s15] =	dma.local @p0 [spmem:s17], $0x2780  }
0x1e3: {  	s15 =	simm.s32 @p0 $0x2  }
0x1e4: {  	_ =	swait.ge @p0 [sflag:s15], $0x2780  }
0x1e5: {  	s21 =	sld [smem:$0x7EA];
	_ =	sdelay $0x2  }
0x1e6: {  	p2 =	seq.s32 s21, $0x1  }
0x1e7: {  	[sflag:s15] =	ssyncset.done @p0 $0x0;
	s19 =	rddreg [dreg:$0x1d];
	s17 =	sshll.u32 @p2 s7, $0x6  }
0x1e8: {  	[sflag:s15] =	ssyncadd.s32 @p0 $0xFFFFD880;
	s15 =	sor.u32 @p2 $0x1C02, s17;
	s17 =	sshrl.u32 @p2 s24, $0x3  }
0x1e9: {  	[hbm:s19], [sflag:s15] =	dma.local @p2 [spmem:s17], $0x2780  }
0x1ea: {  	s15 =	simm.s32 @p2 $0x2  }
0x1eb: {  	_ =	swait.ge @p2 [sflag:s15], $0x2780  }
0x1ec: {  	s19 =	sld [smem:$0x7E2];
	_ =	sdelay $0x2  }
0x1ed: {  	[sflag:s15] =	ssyncset.done @p2 $0x0;
	p0 =	seq.s32 s19, $0x1  }
0x1ee: {  	[sflag:s15] =	ssyncadd.s32 @p2 $0xFFFFD880;
	s17 =	sshll.u32 @p0 s7, $0x6  }
0x1ef: {  	s19 =	rddreg [dreg:$0x1e];
	s15 =	sor.u32 @p0 $0x1C02, s17;
	s17 =	sshrl.u32 @p0 s23, $0x3  }
0x1f0: {  	[hbm:s19], [sflag:s15] =	dma.local @p0 [spmem:s17], $0x2780  }
0x1f1: {  	s15 =	simm.s32 @p0 $0x2  }
0x1f2: {  	_ =	swait.ge @p0 [sflag:s15], $0x2780  }
0x1f3: {  	s17 =	sshll.u32 @p5 s7, $0x6;
	[sflag:s15] =	ssyncset.done @p0 $0x0;
	s19 =	rddreg [dreg:$0x1f]  }
0x1f4: {  	[sflag:s15] =	ssyncadd.s32 @p0 $0xFFFFD880;
	s15 =	sor.u32 @p5 $0x1C02, s17;
	s17 =	sshrl.u32 @p5 s22, $0x3  }
0x1f5: {  	[hbm:s19], [sflag:s15] =	dma.local @p5 [spmem:s17], $0x2780  }
0x1f6: {  	s15 =	simm.s32 @p5 $0x2  }
0x1f7: {  	_ =	swait.ge @p5 [sflag:s15], $0x2780  }
0x1f8: {  	s21 =	sld [smem:$0x7E1];
	_ =	sdelay $0x2  }
0x1f9: {  	p0 =	seq.s32 s21, $0x1  }
0x1fa: {  	[sflag:s15] =	ssyncset.done @p5 $0x0;
	s17 =	sshll.u32 @p0 s7, $0x6  }
0x1fb: {  	[sflag:s15] =	ssyncadd.s32 @p5 $0xFFFFD880;
	s15 =	sor.u32 @p0 $0x1C02, s17;
	s17 =	sld [smem:$0x7FD]  }
0x1fc: {  	s19 =	sld [smem:$0x7EB];
	_ =	sdelay $0x1  }
0x1fd: {  	s17 =	sshrl.u32 @p0 s17, $0x3  }
0x1fe: {  	[hbm:s19], [sflag:s15] =	dma.local @p0 [spmem:s17], $0x2780  }
0x1ff: {  	s15 =	simm.s32 @p0 $0x2  }
0x200: {  	_ =	swait.ge @p0 [sflag:s15], $0x2780  }
0x201: {  	s17 =	sshll.u32 @p4 s7, $0x6;
	[sflag:s15] =	ssyncset.done @p0 $0x0  }
0x202: {  	[sflag:s15] =	ssyncadd.s32 @p0 $0xFFFFD880;
	s15 =	sor.u32 @p4 $0x1C02, s17;
	s17 =	sld [smem:$0x7FB]  }
0x203: {  	s19 =	sld [smem:$0x7EC];
	_ =	sdelay $0x1  }
0x204: {  	s17 =	sshrl.u32 @p4 s17, $0x3  }
0x205: {  	[hbm:s19], [sflag:s15] =	dma.local @p4 [spmem:s17], $0x2780  }
0x206: {  	s15 =	simm.s32 @p4 $0x2  }
0x207: {  	_ =	swait.ge @p4 [sflag:s15], $0x2780  }
0x208: {  	s19 =	sld [smem:$0x7E0];
	_ =	sdelay $0x2  }
0x209: {  	p2 =	seq.s32 s19, $0x1  }
0x20a: {  	[sflag:s15] =	ssyncset.done @p4 $0x0;
	s17 =	sshll.u32 @p2 s7, $0x6  }
0x20b: {  	[sflag:s15] =	ssyncadd.s32 @p4 $0xFFFFD880;
	s15 =	sor.u32 @p2 $0x1C02, s17;
	s17 =	sld [smem:$0x7FA]  }
0x20c: {  	s19 =	sld [smem:$0x7ED];
	_ =	sdelay $0x1  }
0x20d: {  	s17 =	sshrl.u32 @p2 s17, $0x3  }
0x20e: {  	[hbm:s19], [sflag:s15] =	dma.local @p2 [spmem:s17], $0x2080  }
0x20f: {  	s15 =	simm.s32 @p2 $0x2  }
0x210: {  	_ =	swait.ge @p2 [sflag:s15], $0x2080  }
0x211: {  	s21 =	sld [smem:$0x7EE];
	_ =	sdelay $0x1  }
0x212: {  	s14 =	sadd.s32 $0x1, s14  }
0x213: {  	p0 =	sne.s32 s14, s21  }
.Ltmp9:
0x214: {  	_ = 	snop;
	(pc) =	sbr.rel @p0 .LBB2_1-.Ltmp9, $3  }
0x215: {  	_ =	sdelay $0x1  }
0x216: {  	[sflag:s15] =	ssyncset.done @p2 $0x0  }
0x217: {  	[sflag:s15] =	ssyncadd.s32 @p2 $0xFFFFDF80  }
0x218: {  	_ =	sfence.sel $0x180000  }
0x219: {  	[bflag:$0x0] =	sbarrier.arrive $0xFFFF  }
0x21a: {  	_ =	strace $0x9000004A  }
0x21b: {  	[bflag:$0x2] =	sbarrier.arrive $0xFFFF  }
0x21c: {  	s0 =	rddreg [dreg:$0x2]  }
0x21d: {  	s0 =	sadd.s32 @!p1 $0x100000, s0  }
0x21e: {  	[sflag:s0] =	ssyncadd.tile.s32 @!p1 $0x1;
	_ =	shalt  }
.Lfunc_end2:
_tile_overlayer_lowered:
.L_overlay_start_2:
0x21f: {  	(tag) =	ssettag $0x2  }
0x220: {  	s0 =	rddreg [dreg:$0x0];
	s2 =	stileid.u32  }
0x221: {  	s1 =	rddreg [dreg:$0x1];
	p0 =	sne.s32 s2, $0x0  }
0x222: {  	s3 =	rddreg [dreg:$0x2];
	[bflag:$0x3] =	sbarrier.arrive $0xFFFF;
	s2 =	simm.s32 @!p0 $0x1C02  }
0x223: {  	[timem:s3], [sflag:s2] =	dma.local @!p0 [hbm:s0], s1  }
0x224: {  	s0 =	simm.s32 @!p0 $0x2  }
0x225: {  	_ =	swait.ge @!p0 [sflag:s0], s1  }
0x226: {  	s1 =	ssub.s32 @!p0 $0x0, s1;
	[sflag:s0] =	ssyncset.done @!p0 $0x0  }
0x227: {  	[sflag:s0] =	ssyncadd.s32 @!p0 s1  }
0x228: {  	[bflag:$0x3] =	sbarrier.arrive $0xFFFF  }
0x229: {  	_ =	shalt  }

</sc_bundles>
